<compile_context>
chip_gen: v7x
topology: tpu7x:2x2x1
jax: 0.10.2.dev20260603
libtpu: 0.0.44.dev20260713+nightly
codegen_flags: <defaults>
</compile_context>

<pallas_src>
import functools

import jax
import jax.numpy as jnp
import numpy as np
from jax import lax
from jax.experimental import pallas as pl
from jax.experimental.pallas import tpu as pltpu
from jax.experimental.pallas import tpu_sc as plsc

B, N, C = 16, 256, 32
P = N * (N - 1) // 2
DEG = 4
E = B * N * DEG
VOCAB_PAD = 128
NN = B * N
NC, NS = 2, 16
NW = NC * NS
ECH = E // NW
ROWS_PER_TILE = NN // NS
CHUNK = 2176
NCH = P // CHUNK


def _lrelu(x):
    return jnp.where(x >= 0, x, 0.01 * x)


def _sc_gather_body(d_hbm, ex_hbm, idx_hbm, out_hbm, idx_v, dv, exv, sem):
    cid = lax.axis_index("c")
    sid = lax.axis_index("s")
    wid = sid * NC + cid
    base = wid * ECH
    pltpu.sync_copy(idx_hbm.at[pl.ds(base, ECH)], idx_v)
    pltpu.async_copy(d_hbm.at[idx_v], dv, sem).wait()
    pltpu.async_copy(ex_hbm.at[idx_v], exv, sem).wait()
    pltpu.sync_copy(dv, out_hbm.at[0, pl.ds(base, ECH)])
    pltpu.sync_copy(exv, out_hbm.at[1, pl.ds(base, ECH)])


def _sc_gather(d_flat, ex_flat, pair_idx):
    mesh = plsc.VectorSubcoreMesh(core_axis_name="c", subcore_axis_name="s")
    fn = functools.partial(
        pl.kernel,
        out_type=jax.ShapeDtypeStruct((2, E), jnp.float32),
        mesh=mesh,
        scratch_types=[
            pltpu.VMEM((ECH,), jnp.int32),
            pltpu.VMEM((ECH,), jnp.float32),
            pltpu.VMEM((ECH,), jnp.float32),
            pltpu.SemaphoreType.DMA,
        ],
        compiler_params=pltpu.CompilerParams(use_tc_tiling_on_sc=False),
    )(_sc_gather_body)
    return fn(d_flat, ex_flat, pair_idx)


def _sc_msg_body(x_hbm, e_hbm, src_hbm, dst_hbm, zero_hbm, out_hbm,
                 src_v, dst_v, xj_v, e_v, acc_sh, sem):
    cid = lax.axis_index("c")
    sid = lax.axis_index("s")
    wid = sid * NC + cid
    base = wid * ECH

    @pl.when(sid == 0)
    def _():
        pltpu.sync_copy(zero_hbm, acc_sh)

    plsc.subcore_barrier()

    pltpu.sync_copy(src_hbm.at[pl.ds(base, ECH)], src_v)
    pltpu.sync_copy(dst_hbm.at[pl.ds(base, ECH)], dst_v)
    pltpu.async_copy(x_hbm.at[src_v], xj_v, sem).wait()
    pltpu.sync_copy(e_hbm.at[pl.ds(base, ECH)], e_v)

    def body(r0, carry):
        for ri in range(4):
            r = r0 * 4 + ri
            for h in (0, 16):
                v = xj_v[r, pl.ds(h, 16)] + e_v[r, pl.ds(h, 16)]
                xj_v[r, pl.ds(h, 16)] = jnp.maximum(v, 0.0)
        return carry

    lax.fori_loop(0, ECH // 4, body, 0)

    pltpu.sync_copy(xj_v, acc_sh.at[dst_v], add=True)
    plsc.subcore_barrier()
    pltpu.sync_copy(acc_sh.at[pl.ds(sid * ROWS_PER_TILE, ROWS_PER_TILE)],
                    out_hbm.at[cid, pl.ds(sid * ROWS_PER_TILE, ROWS_PER_TILE)])


def _sc_msg(x, e_edge, src, dst, zeros):
    mesh = plsc.VectorSubcoreMesh(core_axis_name="c", subcore_axis_name="s")
    fn = functools.partial(
        pl.kernel,
        out_type=jax.ShapeDtypeStruct((NC, NN, C), jnp.float32),
        mesh=mesh,
        scratch_types=[
            pltpu.VMEM((ECH,), jnp.int32),
            pltpu.VMEM((ECH,), jnp.int32),
            pltpu.VMEM((ECH, C), jnp.float32),
            pltpu.VMEM((ECH, C), jnp.float32),
            pltpu.VMEM_SHARED((NN, C), jnp.float32),
            pltpu.SemaphoreType.DMA,
        ],
        compiler_params=pltpu.CompilerParams(use_tc_tiling_on_sc=False),
    )(_sc_msg_body)
    return fn(x, e_edge, src, dst, zeros)


def _embed_body(tok_ref, emb_ref, d_ref, ex_ref, ew_ref, eb_ref,
                x_ref, e_ref):
    tok = tok_ref[...]
    iota = lax.broadcasted_iota(jnp.int32, (tok.shape[0], VOCAB_PAD), 1)
    onehot = (tok == iota).astype(jnp.float32)
    x_ref[...] = jnp.dot(onehot, emb_ref[...],
                         preferred_element_type=jnp.float32)
    d = d_ref[0]
    ex = ex_ref[0]
    feats = jnp.concatenate(
        [ex, d, jnp.sqrt(jnp.abs(d)), d * d], axis=0)
    e_ref[...] = lax.dot_general(
        feats, ew_ref[...], (((0,), (0,)), ((), ())),
        preferred_element_type=jnp.float32) + eb_ref[...]


def _embed_edgefeat(tokens_col, emb_pad, degx, ew, eb2):
    return pl.pallas_call(
        _embed_body,
        grid=(8,),
        in_specs=[
            pl.BlockSpec((512, 1), lambda g: (g, 0)),
            pl.BlockSpec((VOCAB_PAD, C), lambda g: (0, 0)),
            pl.BlockSpec((1, 1, 2048), lambda g: (g, 0, 0)),
            pl.BlockSpec((1, 1, 2048), lambda g: (8 + g, 0, 0)),
            pl.BlockSpec((4, C), lambda g: (0, 0)),
            pl.BlockSpec((1, C), lambda g: (0, 0)),
        ],
        out_specs=[
            pl.BlockSpec((512, C), lambda g: (g, 0)),
            pl.BlockSpec((2048, C), lambda g: (g, 0)),
        ],
        out_shape=[
            jax.ShapeDtypeStruct((NN, C), jnp.float32),
            jax.ShapeDtypeStruct((E, C), jnp.float32),
        ],
    )(tokens_col, emb_pad, degx, degx, ew, eb2)


def _mlp_body(parts_ref, x_ref, w1n_ref, w1x_ref, b1_ref, w2_ref, b2_ref,
              out_ref):
    n = parts_ref[0] + parts_ref[1]
    h = _lrelu(jnp.dot(n, w1n_ref[...], preferred_element_type=jnp.float32)
               + jnp.dot(x_ref[...], w1x_ref[...],
                         preferred_element_type=jnp.float32)
               + b1_ref[...])
    out_ref[...] = jnp.dot(h, w2_ref[...],
                           preferred_element_type=jnp.float32) + b2_ref[...]


def _mlp3_body(parts_ref, x_ref, w1n_ref, w1x_ref, b1_ref, w2_ref, b2_ref,
               fa_ref, fb_ref, a_ref, bm_ref):
    n = parts_ref[0] + parts_ref[1]
    h = _lrelu(jnp.dot(n, w1n_ref[...], preferred_element_type=jnp.float32)
               + jnp.dot(x_ref[...], w1x_ref[...],
                         preferred_element_type=jnp.float32)
               + b1_ref[...])
    x3 = jnp.dot(h, w2_ref[...],
                 preferred_element_type=jnp.float32) + b2_ref[...]
    a_ref[...] = jnp.dot(x3, fa_ref[...], preferred_element_type=jnp.float32)
    bm_ref[...] = jnp.dot(x3, fb_ref[...], preferred_element_type=jnp.float32)


def _node_mlp(parts, x, w1n, w1x, b12, w2, b22):
    return pl.pallas_call(
        _mlp_body,
        grid=(8,),
        in_specs=[
            pl.BlockSpec((NC, 512, C), lambda g: (0, g, 0)),
            pl.BlockSpec((512, C), lambda g: (g, 0)),
            pl.BlockSpec((C, C), lambda g: (0, 0)),
            pl.BlockSpec((C, C), lambda g: (0, 0)),
            pl.BlockSpec((1, C), lambda g: (0, 0)),
            pl.BlockSpec((C, C), lambda g: (0, 0)),
            pl.BlockSpec((1, C), lambda g: (0, 0)),
        ],
        out_specs=pl.BlockSpec((512, C), lambda g: (g, 0)),
        out_shape=jax.ShapeDtypeStruct((NN, C), jnp.float32),
    )(parts, x, w1n, w1x, b12, w2, b22)


def _node_mlp3(parts, x, w1n, w1x, b12, w2, b22, fw1a, fw1b):
    return pl.pallas_call(
        _mlp3_body,
        grid=(8,),
        in_specs=[
            pl.BlockSpec((NC, 512, C), lambda g: (0, g, 0)),
            pl.BlockSpec((512, C), lambda g: (g, 0)),
            pl.BlockSpec((C, C), lambda g: (0, 0)),
            pl.BlockSpec((C, C), lambda g: (0, 0)),
            pl.BlockSpec((1, C), lambda g: (0, 0)),
            pl.BlockSpec((C, C), lambda g: (0, 0)),
            pl.BlockSpec((1, C), lambda g: (0, 0)),
            pl.BlockSpec((C, C), lambda g: (0, 0)),
            pl.BlockSpec((C, C), lambda g: (0, 0)),
        ],
        out_specs=[
            pl.BlockSpec((512, C), lambda g: (g, 0)),
            pl.BlockSpec((512, C), lambda g: (g, 0)),
        ],
        out_shape=[
            jax.ShapeDtypeStruct((NN, C), jnp.float32),
            jax.ShapeDtypeStruct((NN, C), jnp.float32),
        ],
    )(parts, x, w1n, w1x, b12, w2, b22, fw1a, fw1b)


BG = 16
NBG = B // BG
MROWS = BG * C
KTOT = 2 * N + 4 * BG


def _pair_body(*refs):
    ab_ref, iu_ref, ju_ref = refs[0], refs[1], refs[2]
    d_refs = refs[3:3 + BG]
    ex_refs = refs[3 + BG:3 + 2 * BG]
    c0_ref, fw2_ref, fb2_ref, out_ref = refs[3 + 2 * BG:]
    iu = iu_ref[0]
    ju = ju_ref[0]
    io = lax.broadcasted_iota(jnp.int32, (2 * N, CHUNK), 0)
    oh = jnp.logical_or(io == iu, (io - N) == ju).astype(jnp.float32)
    rows = []
    for bl in range(BG):
        db = d_refs[bl][0]
        exb = ex_refs[bl][0]
        rows += [exb, db, jnp.sqrt(jnp.abs(db)), db * db]
    ohfeat = jnp.concatenate([oh] + rows, axis=0)
    h = _lrelu(jnp.dot(ab_ref[0], ohfeat,
                       preferred_element_type=jnp.float32) + c0_ref[...])
    hs = (h * fw2_ref[...]).reshape(BG, C, CHUNK)
    out_ref[0, 0] = jnp.sum(hs, axis=1) + fb2_ref[...]


def _pair_stage(ab, iu6, ju6, d4, ex4, c0t, fw2t, fb2r):
    def dmap(bl):
        return lambda gb, c: ((gb * BG + bl) * NCH + c, 0, 0)

    dspecs = [pl.BlockSpec((1, 1, CHUNK), dmap(bl)) for bl in range(BG)]
    return pl.pallas_call(
        _pair_body,
        grid=(NBG, NCH),
        in_specs=[
            pl.BlockSpec((1, MROWS, KTOT), lambda gb, c: (gb, 0, 0)),
            pl.BlockSpec((1, 1, CHUNK), lambda gb, c: (c, 0, 0)),
            pl.BlockSpec((1, 1, CHUNK), lambda gb, c: (c, 0, 0)),
        ] + dspecs + dspecs + [
            pl.BlockSpec((MROWS, 1), lambda gb, c: (0, 0)),
            pl.BlockSpec((MROWS, 1), lambda gb, c: (0, 0)),
            pl.BlockSpec((1, 1), lambda gb, c: (0, 0)),
        ],
        out_specs=pl.BlockSpec((1, 1, BG, CHUNK), lambda gb, c: (gb, c, 0, 0)),
        out_shape=jax.ShapeDtypeStruct((NBG, NCH, BG, CHUNK), jnp.float32),
    )(ab, iu6, ju6, *([d4] * BG), *([ex4] * BG), c0t, fw2t, fb2r)


def kernel(atom_tokens, d_sims, edge_exists, edge_index, params):
    emb = params["emb"]
    ew, eb = params["edge_lin"]
    (fw1, fb1), (fw2, fb2) = params["final"]

    src = edge_index[:, 0].astype(jnp.int32)
    dst = edge_index[:, 1].astype(jnp.int32)
    a = jnp.minimum(src, dst)
    b = jnp.maximum(src, dst)
    g = a // N
    al = a % N
    bl = b % N
    pair_idx = al * (2 * N - al - 3) // 2 + bl - 1 + g * P

    d_flat = d_sims.reshape(B * P)
    ex_flat = edge_exists.reshape(B * P)
    degx = _sc_gather(d_flat, ex_flat, pair_idx)

    emb_pad = jnp.zeros((VOCAB_PAD, C), jnp.float32).at[:100].set(emb)
    x, e_edge = _embed_edgefeat(
        atom_tokens.reshape(NN, 1).astype(jnp.int32), emb_pad,
        degx.reshape(16, 1, 2048), ew, eb.reshape(1, C))

    zeros = jnp.zeros((NN, C), jnp.float32)
    fw1a = fw1[:C]
    fw1b = fw1[C:2 * C]
    fw1e = fw1[2 * C:]
    for l, ((w1, b1), (w2, b2)) in enumerate(params["convs"]):
        parts = _sc_msg(x, e_edge, src, dst, zeros)
        w1n, w1x = w1[:C], w1[C:]
        if l < 2:
            x = _node_mlp(parts, x, w1n, w1x, b1.reshape(1, C), w2,
                          b2.reshape(1, C))
        else:
            a3, bm3 = _node_mlp3(parts, x, w1n, w1x, b1.reshape(1, C), w2,
                                 b2.reshape(1, C), fw1a, fw1b)

    w4 = ew @ fw1e
    c0 = eb @ fw1e + fb1

    iu_np, ju_np = np.triu_indices(N, k=1)
    iu6 = jnp.asarray(iu_np.astype(np.int32).reshape(NCH, 1, CHUNK))
    ju6 = jnp.asarray(ju_np.astype(np.int32).reshape(NCH, 1, CHUNK))

    cat = jnp.concatenate([a3.reshape(B, N, C), bm3.reshape(B, N, C)], axis=1)
    abg = cat.transpose(0, 2, 1).reshape(NBG, MROWS, 2 * N)
    w4s = jnp.kron(jnp.eye(BG, dtype=jnp.float32), w4.T)
    ab = jnp.concatenate(
        [abg, jnp.broadcast_to(w4s[None], (NBG, MROWS, 4 * BG))],
        axis=2)

    c0t = jnp.tile(c0.reshape(1, C), (BG, 1)).reshape(MROWS, 1)
    fw2t = jnp.tile(fw2.reshape(1, C), (BG, 1)).reshape(MROWS, 1)
    d4 = d_sims.reshape(B * NCH, 1, CHUNK)
    ex4 = edge_exists.reshape(B * NCH, 1, CHUNK)

    scores = _pair_stage(ab, iu6, ju6, d4, ex4, c0t, fw2t,
                         fb2.reshape(1, 1))
    return scores.transpose(0, 2, 1, 3).reshape(B, P)

# --- scband reference (transcript-rebuilt; emitter-appended) ---
"""Pipeline reference for scband-rnadiffuser-22153441312936 (READ-ONLY COPY).

The authoritative reference and input builder live on the scoring server;
editing this copy changes nothing except your own understanding.
"""

import jax, jax.numpy as jnp
import numpy as np

B, N, C = 16, 256, 32
P = N * (N - 1) // 2
DEG = 4
E = B * N * DEG
VOCAB = 100


def lrelu(x):
    return jnp.where(x >= 0, x, 0.01 * x)


def _lin(k, fin, fout):
    kw, kb = jax.random.split(k)
    w = jax.random.normal(kw, (fin, fout), dtype=jnp.float32) * (1.0 / np.sqrt(fin))
    b = jnp.zeros((fout,), dtype=jnp.float32)
    return (w, b)


def setup_inputs(seed: int = 0) -> dict:
    key = jax.random.key(seed)
    ks = jax.random.split(key, 16)
    atom_tokens = jax.random.randint(ks[0], (B, N), 1, VOCAB)
    # pairwise distance-like values, strictly positive (avoids sqrt(0))
    d_sims = jax.random.uniform(ks[1], (B, P), jnp.float32, 0.5, 10.0)
    edge_exists = (jax.random.uniform(ks[2], (B, P)) < 0.05).astype(jnp.float32)
    # bond graph: DEG random neighbors per atom, guaranteed intra-graph, src != dst
    rng = np.random.default_rng(0)
    src = rng.integers(0, N, size=(B, N * DEG))
    dst = (src + rng.integers(1, N, size=(B, N * DEG))) % N
    offs = (np.arange(B) * N)[:, None]
    edge_index = np.stack([(src + offs).reshape(-1), (dst + offs).reshape(-1)], axis=1).astype(np.int64)
    # parameters
    emb = jax.random.normal(ks[3], (VOCAB, C), dtype=jnp.float32) * 0.02
    emb = emb.at[0].set(0.0)  # padding_idx=0
    edge_lin = _lin(ks[4], 4, C)
    convs = []
    ki = 5
    for l in range(3):
        convs.append([_lin(ks[ki], 2 * C, C), _lin(ks[ki + 1], C, C)])
        ki += 2
    final = [_lin(ks[ki], 3 * C, C), _lin(ks[ki + 1], C, 1)]
    params = {"emb": emb, "edge_lin": edge_lin, "convs": convs, "final": final}
    return {"atom_tokens": atom_tokens, "d_sims": d_sims, "edge_exists": edge_exists,
            "edge_index": jnp.asarray(edge_index), "params": params}


def _forward(atom_tokens, d_sims, edge_exists, edge_index, params):
    node = params["emb"][atom_tokens]  # [B,N,C] embedding lookup
    ef = jnp.stack([edge_exists, d_sims, jnp.sqrt(jnp.abs(d_sims)), jnp.power(d_sims, 2)], axis=2)  # [B,P,4]
    ew, eb = params["edge_lin"]
    edge_embeds = ef @ ew + eb  # [B,P,C]
    x = node.reshape(B * N, C)
    eflat = edge_embeds.reshape(B * P, C)
    src = edge_index[:, 0]
    dst = edge_index[:, 1]
    # MGINConv.message: map (i,j) node pair -> upper-triangular pair index into edge_embeds
    a = jnp.minimum(src, dst)
    b = jnp.maximum(src, dst)
    g = a // N
    a_loc = (a % N).astype(jnp.float32)
    b_loc = (b % N).astype(jnp.float32)
    pair_idx = (a_loc * (N - a_loc * 0.5 - 1.5) + b_loc - 1.0).astype(jnp.int32) + (g * P).astype(jnp.int32)
    for (w1, b1), (w2, b2) in params["convs"]:
        x_j = x[src]  # gather source node feats
        msg = jnp.maximum(x_j + eflat[pair_idx], 0.0)  # relu(x_j + existing_edge_embeds)
        neigh = jnp.zeros_like(x).at[dst].add(msg)  # 'add' aggregation into target
        h = jnp.concatenate([neigh, x], axis=1)  # [B*N, 2C]
        h = lrelu(h @ w1 + b1)  # aggSum: Lin(2C,C), LReLU, Lin(C,C)
        x = h @ w2 + b2
    final_node = x.reshape(B, N, C)
    iu, ju = np.triu_indices(N, k=1)
    LHS = final_node[:, iu, :]  # [B,P,C] gather
    RHS = final_node[:, ju, :]  # [B,P,C] gather
    cat = jnp.concatenate([LHS, RHS, edge_embeds], axis=2)  # [B,P,3C]
    (fw1, fb1), (fw2, fb2) = params["final"]
    h = lrelu(cat @ fw1 + fb1)
    scores = (h @ fw2 + fb2)[..., 0]  # [B,P]
    return scores


def reference(atom_tokens, d_sims, edge_exists, edge_index, params):
    return _forward(atom_tokens, d_sims, edge_exists, edge_index, params)

if __name__ == "__main__":
    import jax
    _d = setup_inputs()
    print(jax.jit(kernel)(*tuple(_d.values())))

</pallas_src>

<mosaic_0001>
#map = affine_map<(d0, d1) -> (0)>
#map1 = affine_map<(d0, d1) -> (0, 0)>
module attributes {stable_mosaic.version = 14 : i64} {
  func.func @_sc_gather_body(%arg0: i32, %arg1: i32, %arg2: memref<522240xf32, #tpu.memory_space<hbm>>, %arg3: memref<522240xf32, #tpu.memory_space<hbm>>, %arg4: memref<16384xi32, #tpu.memory_space<hbm>>, %arg5: memref<2x16384xf32, #tpu.memory_space<hbm>>, %arg6: memref<512xi32, #tpu.memory_space<vmem>>, %arg7: memref<512xf32, #tpu.memory_space<vmem>>, %arg8: memref<512xf32, #tpu.memory_space<vmem>>, %arg9: memref<!tpu.dma_semaphore, #tpu.memory_space<semaphore_mem>>) attributes {dimension_semantics = [#tpu.dimension_semantics<core_parallel>, #tpu.dimension_semantics<subcore_parallel>], iteration_bounds = array<i64: 2, 16>, scalar_prefetch = 0 : i64, scratch_operands = 4 : i64, tpu.core_type = #tpu.core_type<sc_vector_subcore>, window_params = [{transform_indices = #map}, {transform_indices = #map}, {transform_indices = #map}, {transform_indices = #map1}]} {
    %mul3A = arith.constant 2 : i32
    %mul3A_0 = arith.muli %arg1, %mul3A : i32
    %add3A = arith.addi %mul3A_0, %arg0 : i32
    %mul3A_1 = arith.constant 512 : i32
    %mul3A_2 = arith.muli %add3A, %mul3A_1 : i32
    "tpu.region"() ({
      %run_scoped3A_10 = tpu.sem_alloc : memref<!tpu.dma_semaphore, #tpu.memory_space<semaphore_mem>>
      %dma_start3A_11 = tpu.memref_slice %arg4[%mul3A_2] : memref<16384xi32, #tpu.memory_space<hbm>> -> memref<512xi32, #tpu.memory_space<hbm>>
      %dma_start3A_12 = tpu.memref_slice %arg4[%mul3A_2] : memref<16384xi32, #tpu.memory_space<hbm>> -> memref<512xi32, #tpu.memory_space<hbm>>
      tpu.enqueue_dma source(%dma_start3A_12 : memref<512xi32, #tpu.memory_space<hbm>>) target(%arg6 : memref<512xi32, #tpu.memory_space<vmem>>) target_semaphore(%run_scoped3A_10 : memref<!tpu.dma_semaphore, #tpu.memory_space<semaphore_mem>>)
      %dma_wait3A_13 = tpu.memref_slice %arg4[%mul3A_2] : memref<16384xi32, #tpu.memory_space<hbm>> -> memref<512xi32, #tpu.memory_space<hbm>>
      %dma_wait3A_14 = tpu.memref_slice %arg4[%mul3A_2] : memref<16384xi32, #tpu.memory_space<hbm>> -> memref<512xi32, #tpu.memory_space<hbm>>
      tpu.wait_dma2 semaphore(%run_scoped3A_10 : memref<!tpu.dma_semaphore, #tpu.memory_space<semaphore_mem>>) src(%dma_wait3A_14 : memref<512xi32, #tpu.memory_space<hbm>>) dst(%arg6 : memref<512xi32, #tpu.memory_space<vmem>>)
      tpu.yield
    }) : () -> ()
    %dma_start3A = arith.constant 0 : i32
    %dma_start3A_3 = tpu.memref_slice %arg2[%dma_start3A] : memref<522240xf32, #tpu.memory_space<hbm>> -> memref<522240xf32, #tpu.memory_space<hbm>>
    tpu.enqueue_indirect_dma source(%dma_start3A_3 : memref<522240xf32, #tpu.memory_space<hbm>>) target(%arg7 : memref<512xf32, #tpu.memory_space<vmem>>) offsets(%arg6 : memref<512xi32, #tpu.memory_space<vmem>>) semaphore(%arg9 : memref<!tpu.dma_semaphore, #tpu.memory_space<semaphore_mem>>)
    %dma_wait3A = arith.constant 0 : i32
    %dma_wait3A_4 = tpu.memref_slice %arg2[%dma_wait3A] : memref<522240xf32, #tpu.memory_space<hbm>> -> memref<522240xf32, #tpu.memory_space<hbm>>
    tpu.wait_indirect_dma semaphore(%arg9 : memref<!tpu.dma_semaphore, #tpu.memory_space<semaphore_mem>>) src(%dma_wait3A_4 : memref<522240xf32, #tpu.memory_space<hbm>>) dst(%arg7 : memref<512xf32, #tpu.memory_space<vmem>>)
    %dma_start3A_5 = arith.constant 0 : i32
    %dma_start3A_6 = tpu.memref_slice %arg3[%dma_start3A_5] : memref<522240xf32, #tpu.memory_space<hbm>> -> memref<522240xf32, #tpu.memory_space<hbm>>
    tpu.enqueue_indirect_dma source(%dma_start3A_6 : memref<522240xf32, #tpu.memory_space<hbm>>) target(%arg8 : memref<512xf32, #tpu.memory_space<vmem>>) offsets(%arg6 : memref<512xi32, #tpu.memory_space<vmem>>) semaphore(%arg9 : memref<!tpu.dma_semaphore, #tpu.memory_space<semaphore_mem>>)
    %dma_wait3A_7 = arith.constant 0 : i32
    %dma_wait3A_8 = tpu.memref_slice %arg3[%dma_wait3A_7] : memref<522240xf32, #tpu.memory_space<hbm>> -> memref<522240xf32, #tpu.memory_space<hbm>>
    tpu.wait_indirect_dma semaphore(%arg9 : memref<!tpu.dma_semaphore, #tpu.memory_space<semaphore_mem>>) src(%dma_wait3A_8 : memref<522240xf32, #tpu.memory_space<hbm>>) dst(%arg8 : memref<512xf32, #tpu.memory_space<vmem>>)
    %run_scoped3A = arith.constant 0 : i32
    "tpu.region"() ({
      %run_scoped3A_10 = tpu.sem_alloc : memref<!tpu.dma_semaphore, #tpu.memory_space<semaphore_mem>>
      %dma_start3A_11 = tpu.memref_slice %arg5[%run_scoped3A, %mul3A_2] : memref<2x16384xf32, #tpu.memory_space<hbm>> -> memref<1x512xf32, #tpu.memory_space<hbm>>
      %dma_start3A_12 = tpu.memref_squeeze %dma_start3A_11 : memref<1x512xf32, #tpu.memory_space<hbm>> -> memref<512xf32, #tpu.memory_space<hbm>>
      %dma_start3A_13 = tpu.memref_slice %arg5[%run_scoped3A, %mul3A_2] : memref<2x16384xf32, #tpu.memory_space<hbm>> -> memref<1x512xf32, #tpu.memory_space<hbm>>
      %dma_start3A_14 = tpu.memref_squeeze %dma_start3A_13 : memref<1x512xf32, #tpu.memory_space<hbm>> -> memref<512xf32, #tpu.memory_space<hbm>>
      tpu.enqueue_dma source(%arg7 : memref<512xf32, #tpu.memory_space<vmem>>) target(%dma_start3A_14 : memref<512xf32, #tpu.memory_space<hbm>>) target_semaphore(%run_scoped3A_10 : memref<!tpu.dma_semaphore, #tpu.memory_space<semaphore_mem>>)
      %dma_wait3A_15 = tpu.memref_slice %arg5[%run_scoped3A, %mul3A_2] : memref<2x16384xf32, #tpu.memory_space<hbm>> -> memref<1x512xf32, #tpu.memory_space<hbm>>
      %dma_wait3A_16 = tpu.memref_squeeze %dma_wait3A_15 : memref<1x512xf32, #tpu.memory_space<hbm>> -> memref<512xf32, #tpu.memory_space<hbm>>
      %dma_wait3A_17 = tpu.memref_slice %arg5[%run_scoped3A, %mul3A_2] : memref<2x16384xf32, #tpu.memory_space<hbm>> -> memref<1x512xf32, #tpu.memory_space<hbm>>
      %dma_wait3A_18 = tpu.memref_squeeze %dma_wait3A_17 : memref<1x512xf32, #tpu.memory_space<hbm>> -> memref<512xf32, #tpu.memory_space<hbm>>
      tpu.wait_dma2 semaphore(%run_scoped3A_10 : memref<!tpu.dma_semaphore, #tpu.memory_space<semaphore_mem>>) src(%arg7 : memref<512xf32, #tpu.memory_space<vmem>>) dst(%dma_wait3A_18 : memref<512xf32, #tpu.memory_space<hbm>>)
      tpu.yield
    }) : () -> ()
    %run_scoped3A_9 = arith.constant 1 : i32
    "tpu.region"() ({
      %run_scoped3A_10 = tpu.sem_alloc : memref<!tpu.dma_semaphore, #tpu.memory_space<semaphore_mem>>
      %dma_start3A_11 = tpu.memref_slice %arg5[%run_scoped3A_9, %mul3A_2] : memref<2x16384xf32, #tpu.memory_space<hbm>> -> memref<1x512xf32, #tpu.memory_space<hbm>>
      %dma_start3A_12 = tpu.memref_squeeze %dma_start3A_11 : memref<1x512xf32, #tpu.memory_space<hbm>> -> memref<512xf32, #tpu.memory_space<hbm>>
      %dma_start3A_13 = tpu.memref_slice %arg5[%run_scoped3A_9, %mul3A_2] : memref<2x16384xf32, #tpu.memory_space<hbm>> -> memref<1x512xf32, #tpu.memory_space<hbm>>
      %dma_start3A_14 = tpu.memref_squeeze %dma_start3A_13 : memref<1x512xf32, #tpu.memory_space<hbm>> -> memref<512xf32, #tpu.memory_space<hbm>>
      tpu.enqueue_dma source(%arg8 : memref<512xf32, #tpu.memory_space<vmem>>) target(%dma_start3A_14 : memref<512xf32, #tpu.memory_space<hbm>>) target_semaphore(%run_scoped3A_10 : memref<!tpu.dma_semaphore, #tpu.memory_space<semaphore_mem>>)
      %dma_wait3A_15 = tpu.memref_slice %arg5[%run_scoped3A_9, %mul3A_2] : memref<2x16384xf32, #tpu.memory_space<hbm>> -> memref<1x512xf32, #tpu.memory_space<hbm>>
      %dma_wait3A_16 = tpu.memref_squeeze %dma_wait3A_15 : memref<1x512xf32, #tpu.memory_space<hbm>> -> memref<512xf32, #tpu.memory_space<hbm>>
      %dma_wait3A_17 = tpu.memref_slice %arg5[%run_scoped3A_9, %mul3A_2] : memref<2x16384xf32, #tpu.memory_space<hbm>> -> memref<1x512xf32, #tpu.memory_space<hbm>>
      %dma_wait3A_18 = tpu.memref_squeeze %dma_wait3A_17 : memref<1x512xf32, #tpu.memory_space<hbm>> -> memref<512xf32, #tpu.memory_space<hbm>>
      tpu.wait_dma2 semaphore(%run_scoped3A_10 : memref<!tpu.dma_semaphore, #tpu.memory_space<semaphore_mem>>) src(%arg8 : memref<512xf32, #tpu.memory_space<vmem>>) dst(%dma_wait3A_18 : memref<512xf32, #tpu.memory_space<hbm>>)
      tpu.yield
    }) : () -> ()
    return
  }
}

#map = affine_map<(d0, d1) -> (0, 0)>
#map1 = affine_map<(d0, d1) -> (0)>
#map2 = affine_map<(d0, d1) -> (0, 0, 0)>
module attributes {stable_mosaic.version = 14 : i64} {
  func.func @_sc_msg_body(%arg0: i32, %arg1: i32, %arg2: memref<4096x32xf32, #tpu.memory_space<hbm>>, %arg3: memref<16384x32xf32, #tpu.memory_space<hbm>>, %arg4: memref<16384xi32, #tpu.memory_space<hbm>>, %arg5: memref<16384xi32, #tpu.memory_space<hbm>>, %arg6: memref<4096x32xf32, #tpu.memory_space<hbm>>, %arg7: memref<2x4096x32xf32, #tpu.memory_space<hbm>>, %arg8: memref<512xi32, #tpu.memory_space<vmem>>, %arg9: memref<512xi32, #tpu.memory_space<vmem>>, %arg10: memref<512x32xf32, #tpu.memory_space<vmem>>, %arg11: memref<512x32xf32, #tpu.memory_space<vmem>>, %arg12: memref<4096x32xf32, #tpu.memory_space<vmem_shared>>, %arg13: memref<!tpu.dma_semaphore, #tpu.memory_space<semaphore_mem>>) attributes {dimension_semantics = [#tpu.dimension_semantics<core_parallel>, #tpu.dimension_semantics<subcore_parallel>], iteration_bounds = array<i64: 2, 16>, scalar_prefetch = 0 : i64, scratch_operands = 6 : i64, tpu.core_type = #tpu.core_type<sc_vector_subcore>, window_params = [{transform_indices = #map}, {transform_indices = #map}, {transform_indices = #map1}, {transform_indices = #map1}, {transform_indices = #map}, {transform_indices = #map2}]} {
    %mul3A = arith.constant 2 : i32
    %mul3A_0 = arith.muli %arg1, %mul3A : i32
    %add3A = arith.addi %mul3A_0, %arg0 : i32
    %mul3A_1 = arith.constant 512 : i32
    %mul3A_2 = arith.muli %add3A, %mul3A_1 : i32
    %eq3A = arith.constant 0 : i32
    %eq3A_3 = arith.cmpi eq, %arg1, %eq3A : i32
    %convert_element_type3A = arith.extui %eq3A_3 : i1 to i32
    %cond3A = arith.constant 0 : i32
    %cond3A_4 = arith.cmpi ne, %convert_element_type3A, %cond3A : i32
    scf.if %cond3A_4 {
      "tpu.region"() ({
        %run_scoped3A = tpu.sem_alloc : memref<!tpu.dma_semaphore, #tpu.memory_space<semaphore_mem>>
        tpu.enqueue_dma source(%arg6 : memref<4096x32xf32, #tpu.memory_space<hbm>>) target(%arg12 : memref<4096x32xf32, #tpu.memory_space<vmem_shared>>) target_semaphore(%run_scoped3A : memref<!tpu.dma_semaphore, #tpu.memory_space<semaphore_mem>>)
        tpu.wait_dma2 semaphore(%run_scoped3A : memref<!tpu.dma_semaphore, #tpu.memory_space<semaphore_mem>>) src(%arg6 : memref<4096x32xf32, #tpu.memory_space<hbm>>) dst(%arg12 : memref<4096x32xf32, #tpu.memory_space<vmem_shared>>)
        tpu.yield
      }) : () -> ()
    } else {
    }
    %barrier3A = arith.constant 0 : index
    tpu.barrier barrier_id(%barrier3A)
    "tpu.region"() ({
      %run_scoped3A = tpu.sem_alloc : memref<!tpu.dma_semaphore, #tpu.memory_space<semaphore_mem>>
      %dma_start3A_19 = tpu.memref_slice %arg4[%mul3A_2] : memref<16384xi32, #tpu.memory_space<hbm>> -> memref<512xi32, #tpu.memory_space<hbm>>
      %dma_start3A_20 = tpu.memref_slice %arg4[%mul3A_2] : memref<16384xi32, #tpu.memory_space<hbm>> -> memref<512xi32, #tpu.memory_space<hbm>>
      tpu.enqueue_dma source(%dma_start3A_20 : memref<512xi32, #tpu.memory_space<hbm>>) target(%arg8 : memref<512xi32, #tpu.memory_space<vmem>>) target_semaphore(%run_scoped3A : memref<!tpu.dma_semaphore, #tpu.memory_space<semaphore_mem>>)
      %dma_wait3A_21 = tpu.memref_slice %arg4[%mul3A_2] : memref<16384xi32, #tpu.memory_space<hbm>> -> memref<512xi32, #tpu.memory_space<hbm>>
      %dma_wait3A_22 = tpu.memref_slice %arg4[%mul3A_2] : memref<16384xi32, #tpu.memory_space<hbm>> -> memref<512xi32, #tpu.memory_space<hbm>>
      tpu.wait_dma2 semaphore(%run_scoped3A : memref<!tpu.dma_semaphore, #tpu.memory_space<semaphore_mem>>) src(%dma_wait3A_22 : memref<512xi32, #tpu.memory_space<hbm>>) dst(%arg8 : memref<512xi32, #tpu.memory_space<vmem>>)
      tpu.yield
    }) : () -> ()
    "tpu.region"() ({
      %run_scoped3A = tpu.sem_alloc : memref<!tpu.dma_semaphore, #tpu.memory_space<semaphore_mem>>
      %dma_start3A_19 = tpu.memref_slice %arg5[%mul3A_2] : memref<16384xi32, #tpu.memory_space<hbm>> -> memref<512xi32, #tpu.memory_space<hbm>>
      %dma_start3A_20 = tpu.memref_slice %arg5[%mul3A_2] : memref<16384xi32, #tpu.memory_space<hbm>> -> memref<512xi32, #tpu.memory_space<hbm>>
      tpu.enqueue_dma source(%dma_start3A_20 : memref<512xi32, #tpu.memory_space<hbm>>) target(%arg9 : memref<512xi32, #tpu.memory_space<vmem>>) target_semaphore(%run_scoped3A : memref<!tpu.dma_semaphore, #tpu.memory_space<semaphore_mem>>)
      %dma_wait3A_21 = tpu.memref_slice %arg5[%mul3A_2] : memref<16384xi32, #tpu.memory_space<hbm>> -> memref<512xi32, #tpu.memory_space<hbm>>
      %dma_wait3A_22 = tpu.memref_slice %arg5[%mul3A_2] : memref<16384xi32, #tpu.memory_space<hbm>> -> memref<512xi32, #tpu.memory_space<hbm>>
      tpu.wait_dma2 semaphore(%run_scoped3A : memref<!tpu.dma_semaphore, #tpu.memory_space<semaphore_mem>>) src(%dma_wait3A_22 : memref<512xi32, #tpu.memory_space<hbm>>) dst(%arg9 : memref<512xi32, #tpu.memory_space<vmem>>)
      tpu.yield
    }) : () -> ()
    %dma_start3A = arith.constant 0 : i32
    %dma_start3A_5 = arith.constant 0 : i32
    %dma_start3A_6 = tpu.memref_slice %arg2[%dma_start3A, %dma_start3A_5] : memref<4096x32xf32, #tpu.memory_space<hbm>> -> memref<4096x32xf32, #tpu.memory_space<hbm>>
    tpu.enqueue_indirect_dma source(%dma_start3A_6 : memref<4096x32xf32, #tpu.memory_space<hbm>>) target(%arg10 : memref<512x32xf32, #tpu.memory_space<vmem>>) offsets(%arg8 : memref<512xi32, #tpu.memory_space<vmem>>) semaphore(%arg13 : memref<!tpu.dma_semaphore, #tpu.memory_space<semaphore_mem>>)
    %dma_wait3A = arith.constant 0 : i32
    %dma_wait3A_7 = arith.constant 0 : i32
    %dma_wait3A_8 = tpu.memref_slice %arg2[%dma_wait3A, %dma_wait3A_7] : memref<4096x32xf32, #tpu.memory_space<hbm>> -> memref<4096x32xf32, #tpu.memory_space<hbm>>
    tpu.wait_indirect_dma semaphore(%arg13 : memref<!tpu.dma_semaphore, #tpu.memory_space<semaphore_mem>>) src(%dma_wait3A_8 : memref<4096x32xf32, #tpu.memory_space<hbm>>) dst(%arg10 : memref<512x32xf32, #tpu.memory_space<vmem>>)
    "tpu.region"() ({
      %run_scoped3A = tpu.sem_alloc : memref<!tpu.dma_semaphore, #tpu.memory_space<semaphore_mem>>
      %dma_start3A_19 = arith.constant 0 : i32
      %dma_start3A_20 = tpu.memref_slice %arg3[%mul3A_2, %dma_start3A_19] : memref<16384x32xf32, #tpu.memory_space<hbm>> -> memref<512x32xf32, #tpu.memory_space<hbm>>
      %dma_start3A_21 = arith.constant 0 : i32
      %dma_start3A_22 = tpu.memref_slice %arg3[%mul3A_2, %dma_start3A_21] : memref<16384x32xf32, #tpu.memory_space<hbm>> -> memref<512x32xf32, #tpu.memory_space<hbm>>
      tpu.enqueue_dma source(%dma_start3A_22 : memref<512x32xf32, #tpu.memory_space<hbm>>) target(%arg11 : memref<512x32xf32, #tpu.memory_space<vmem>>) target_semaphore(%run_scoped3A : memref<!tpu.dma_semaphore, #tpu.memory_space<semaphore_mem>>)
      %dma_wait3A_23 = arith.constant 0 : i32
      %dma_wait3A_24 = tpu.memref_slice %arg3[%mul3A_2, %dma_wait3A_23] : memref<16384x32xf32, #tpu.memory_space<hbm>> -> memref<512x32xf32, #tpu.memory_space<hbm>>
      %dma_wait3A_25 = arith.constant 0 : i32
      %dma_wait3A_26 = tpu.memref_slice %arg3[%mul3A_2, %dma_wait3A_25] : memref<16384x32xf32, #tpu.memory_space<hbm>> -> memref<512x32xf32, #tpu.memory_space<hbm>>
      tpu.wait_dma2 semaphore(%run_scoped3A : memref<!tpu.dma_semaphore, #tpu.memory_space<semaphore_mem>>) src(%dma_wait3A_26 : memref<512x32xf32, #tpu.memory_space<hbm>>) dst(%arg11 : memref<512x32xf32, #tpu.memory_space<vmem>>)
      tpu.yield
    }) : () -> ()
    %scan3A = arith.constant 0 : i32
    %scan3A_9 = arith.constant 0 : i32
    %scan3A_10 = arith.constant 128 : i32
    %scan3A_11 = arith.addi %scan3A_9, %scan3A_10 : i32
    %scan3A_12 = arith.constant 1 : i32
    scf.for %scan3A_19 = %scan3A_9 to %scan3A_11 step %scan3A_12  : i32 {
      %mul3A_20 = arith.constant 4 : i32
      %mul3A_21 = arith.muli %scan3A_19, %mul3A_20 : i32
      %add3A_22 = arith.constant 0 : i32
      %add3A_23 = arith.addi %mul3A_21, %add3A_22 : i32
      %get3A = arith.index_cast %add3A_23 : i32 to index
      %get3A_24 = arith.constant 0 : index
      %get3A_25 = tpu.vector_load %arg10[%get3A, %get3A_24] {strides = array<i32>} : memref<512x32xf32, #tpu.memory_space<vmem>>, vector<1x16xf32>,
      %get3A_26 = vector.shape_cast %get3A_25 : vector<1x16xf32> to vector<16xf32>
      %get3A_27 = arith.index_cast %add3A_23 : i32 to index
      %get3A_28 = arith.constant 0 : index
      %get3A_29 = tpu.vector_load %arg11[%get3A_27, %get3A_28] {strides = array<i32>} : memref<512x32xf32, #tpu.memory_space<vmem>>, vector<1x16xf32>,
      %get3A_30 = vector.shape_cast %get3A_29 : vector<1x16xf32> to vector<16xf32>
      %add3A_31 = arith.addf %get3A_26, %get3A_30 : vector<16xf32>
      %max3A = arith.constant 0.000000e+00 : f32
      %max3A_32 = vector.broadcast %max3A : f32 to vector<16xf32>
      %max3A_33 = arith.maximumf %add3A_31, %max3A_32 : vector<16xf32>
      %swap3A = arith.index_cast %add3A_23 : i32 to index
      %swap3A_34 = arith.constant 0 : index
      %swap3A_35 = tpu.vector_load %arg10[%swap3A, %swap3A_34] {strides = array<i32>} : memref<512x32xf32, #tpu.memory_space<vmem>>, vector<1x16xf32>,
      %swap3A_36 = vector.shape_cast %swap3A_35 : vector<1x16xf32> to vector<16xf32>
      %swap3A_37 = vector.shape_cast %max3A_33 : vector<16xf32> to vector<1x16xf32>
      tpu.vector_store %arg10[%swap3A, %swap3A_34], %swap3A_37 {strides = array<i32>} : memref<512x32xf32, #tpu.memory_space<vmem>>, vector<1x16xf32>,
      %get3A_38 = arith.index_cast %add3A_23 : i32 to index
      %get3A_39 = arith.constant 16 : index
      %get3A_40 = tpu.vector_load %arg10[%get3A_38, %get3A_39] {strides = array<i32>} : memref<512x32xf32, #tpu.memory_space<vmem>>, vector<1x16xf32>,
      %get3A_41 = vector.shape_cast %get3A_40 : vector<1x16xf32> to vector<16xf32>
      %get3A_42 = arith.index_cast %add3A_23 : i32 to index
      %get3A_43 = arith.constant 16 : index
      %get3A_44 = tpu.vector_load %arg11[%get3A_42, %get3A_43] {strides = array<i32>} : memref<512x32xf32, #tpu.memory_space<vmem>>, vector<1x16xf32>,
      %get3A_45 = vector.shape_cast %get3A_44 : vector<1x16xf32> to vector<16xf32>
      %add3A_46 = arith.addf %get3A_41, %get3A_45 : vector<16xf32>
      %max3A_47 = arith.constant 0.000000e+00 : f32
      %max3A_48 = vector.broadcast %max3A_47 : f32 to vector<16xf32>
      %max3A_49 = arith.maximumf %add3A_46, %max3A_48 : vector<16xf32>
      %swap3A_50 = arith.index_cast %add3A_23 : i32 to index
      %swap3A_51 = arith.constant 16 : index
      %swap3A_52 = tpu.vector_load %arg10[%swap3A_50, %swap3A_51] {strides = array<i32>} : memref<512x32xf32, #tpu.memory_space<vmem>>, vector<1x16xf32>,
      %swap3A_53 = vector.shape_cast %swap3A_52 : vector<1x16xf32> to vector<16xf32>
      %swap3A_54 = vector.shape_cast %max3A_49 : vector<16xf32> to vector<1x16xf32>
      tpu.vector_store %arg10[%swap3A_50, %swap3A_51], %swap3A_54 {strides = array<i32>} : memref<512x32xf32, #tpu.memory_space<vmem>>, vector<1x16xf32>,
      %mul3A_55 = arith.constant 4 : i32
      %mul3A_56 = arith.muli %scan3A_19, %mul3A_55 : i32
      %add3A_57 = arith.constant 1 : i32
      %add3A_58 = arith.addi %mul3A_56, %add3A_57 : i32
      %get3A_59 = arith.index_cast %add3A_58 : i32 to index
      %get3A_60 = arith.constant 0 : index
      %get3A_61 = tpu.vector_load %arg10[%get3A_59, %get3A_60] {strides = array<i32>} : memref<512x32xf32, #tpu.memory_space<vmem>>, vector<1x16xf32>,
      %get3A_62 = vector.shape_cast %get3A_61 : vector<1x16xf32> to vector<16xf32>
      %get3A_63 = arith.index_cast %add3A_58 : i32 to index
      %get3A_64 = arith.constant 0 : index
      %get3A_65 = tpu.vector_load %arg11[%get3A_63, %get3A_64] {strides = array<i32>} : memref<512x32xf32, #tpu.memory_space<vmem>>, vector<1x16xf32>,
      %get3A_66 = vector.shape_cast %get3A_65 : vector<1x16xf32> to vector<16xf32>
      %add3A_67 = arith.addf %get3A_62, %get3A_66 : vector<16xf32>
      %max3A_68 = arith.constant 0.000000e+00 : f32
      %max3A_69 = vector.broadcast %max3A_68 : f32 to vector<16xf32>
      %max3A_70 = arith.maximumf %add3A_67, %max3A_69 : vector<16xf32>
      %swap3A_71 = arith.index_cast %add3A_58 : i32 to index
      %swap3A_72 = arith.constant 0 : index
      %swap3A_73 = tpu.vector_load %arg10[%swap3A_71, %swap3A_72] {strides = array<i32>} : memref<512x32xf32, #tpu.memory_space<vmem>>, vector<1x16xf32>,
      %swap3A_74 = vector.shape_cast %swap3A_73 : vector<1x16xf32> to vector<16xf32>
      %swap3A_75 = vector.shape_cast %max3A_70 : vector<16xf32> to vector<1x16xf32>
      tpu.vector_store %arg10[%swap3A_71, %swap3A_72], %swap3A_75 {strides = array<i32>} : memref<512x32xf32, #tpu.memory_space<vmem>>, vector<1x16xf32>,
      %get3A_76 = arith.index_cast %add3A_58 : i32 to index
      %get3A_77 = arith.constant 16 : index
      %get3A_78 = tpu.vector_load %arg10[%get3A_76, %get3A_77] {strides = array<i32>} : memref<512x32xf32, #tpu.memory_space<vmem>>, vector<1x16xf32>,
      %get3A_79 = vector.shape_cast %get3A_78 : vector<1x16xf32> to vector<16xf32>
      %get3A_80 = arith.index_cast %add3A_58 : i32 to index
      %get3A_81 = arith.constant 16 : index
      %get3A_82 = tpu.vector_load %arg11[%get3A_80, %get3A_81] {strides = array<i32>} : memref<512x32xf32, #tpu.memory_space<vmem>>, vector<1x16xf32>,
      %get3A_83 = vector.shape_cast %get3A_82 : vector<1x16xf32> to vector<16xf32>
      %add3A_84 = arith.addf %get3A_79, %get3A_83 : vector<16xf32>
      %max3A_85 = arith.constant 0.000000e+00 : f32
      %max3A_86 = vector.broadcast %max3A_85 : f32 to vector<16xf32>
      %max3A_87 = arith.maximumf %add3A_84, %max3A_86 : vector<16xf32>
      %swap3A_88 = arith.index_cast %add3A_58 : i32 to index
      %swap3A_89 = arith.constant 16 : index
      %swap3A_90 = tpu.vector_load %arg10[%swap3A_88, %swap3A_89] {strides = array<i32>} : memref<512x32xf32, #tpu.memory_space<vmem>>, vector<1x16xf32>,
      %swap3A_91 = vector.shape_cast %swap3A_90 : vector<1x16xf32> to vector<16xf32>
      %swap3A_92 = vector.shape_cast %max3A_87 : vector<16xf32> to vector<1x16xf32>
      tpu.vector_store %arg10[%swap3A_88, %swap3A_89], %swap3A_92 {strides = array<i32>} : memref<512x32xf32, #tpu.memory_space<vmem>>, vector<1x16xf32>,
      %mul3A_93 = arith.constant 4 : i32
      %mul3A_94 = arith.muli %scan3A_19, %mul3A_93 : i32
      %add3A_95 = arith.constant 2 : i32
      %add3A_96 = arith.addi %mul3A_94, %add3A_95 : i32
      %get3A_97 = arith.index_cast %add3A_96 : i32 to index
      %get3A_98 = arith.constant 0 : index
      %get3A_99 = tpu.vector_load %arg10[%get3A_97, %get3A_98] {strides = array<i32>} : memref<512x32xf32, #tpu.memory_space<vmem>>, vector<1x16xf32>,
      %get3A_100 = vector.shape_cast %get3A_99 : vector<1x16xf32> to vector<16xf32>
      %get3A_101 = arith.index_cast %add3A_96 : i32 to index
      %get3A_102 = arith.constant 0 : index
      %get3A_103 = tpu.vector_load %arg11[%get3A_101, %get3A_102] {strides = array<i32>} : memref<512x32xf32, #tpu.memory_space<vmem>>, vector<1x16xf32>,
      %get3A_104 = vector.shape_cast %get3A_103 : vector<1x16xf32> to vector<16xf32>
      %add3A_105 = arith.addf %get3A_100, %get3A_104 : vector<16xf32>
      %max3A_106 = arith.constant 0.000000e+00 : f32
      %max3A_107 = vector.broadcast %max3A_106 : f32 to vector<16xf32>
      %max3A_108 = arith.maximumf %add3A_105, %max3A_107 : vector<16xf32>
      %swap3A_109 = arith.index_cast %add3A_96 : i32 to index
      %swap3A_110 = arith.constant 0 : index
      %swap3A_111 = tpu.vector_load %arg10[%swap3A_109, %swap3A_110] {strides = array<i32>} : memref<512x32xf32, #tpu.memory_space<vmem>>, vector<1x16xf32>,
      %swap3A_112 = vector.shape_cast %swap3A_111 : vector<1x16xf32> to vector<16xf32>
      %swap3A_113 = vector.shape_cast %max3A_108 : vector<16xf32> to vector<1x16xf32>
      tpu.vector_store %arg10[%swap3A_109, %swap3A_110], %swap3A_113 {strides = array<i32>} : memref<512x32xf32, #tpu.memory_space<vmem>>, vector<1x16xf32>,
      %get3A_114 = arith.index_cast %add3A_96 : i32 to index
      %get3A_115 = arith.constant 16 : index
      %get3A_116 = tpu.vector_load %arg10[%get3A_114, %get3A_115] {strides = array<i32>} : memref<512x32xf32, #tpu.memory_space<vmem>>, vector<1x16xf32>,
      %get3A_117 = vector.shape_cast %get3A_116 : vector<1x16xf32> to vector<16xf32>
      %get3A_118 = arith.index_cast %add3A_96 : i32 to index
      %get3A_119 = arith.constant 16 : index
      %get3A_120 = tpu.vector_load %arg11[%get3A_118, %get3A_119] {strides = array<i32>} : memref<512x32xf32, #tpu.memory_space<vmem>>, vector<1x16xf32>,
      %get3A_121 = vector.shape_cast %get3A_120 : vector<1x16xf32> to vector<16xf32>
      %add3A_122 = arith.addf %get3A_117, %get3A_121 : vector<16xf32>
      %max3A_123 = arith.constant 0.000000e+00 : f32
      %max3A_124 = vector.broadcast %max3A_123 : f32 to vector<16xf32>
      %max3A_125 = arith.maximumf %add3A_122, %max3A_124 : vector<16xf32>
      %swap3A_126 = arith.index_cast %add3A_96 : i32 to index
      %swap3A_127 = arith.constant 16 : index
      %swap3A_128 = tpu.vector_load %arg10[%swap3A_126, %swap3A_127] {strides = array<i32>} : memref<512x32xf32, #tpu.memory_space<vmem>>, vector<1x16xf32>,
      %swap3A_129 = vector.shape_cast %swap3A_128 : vector<1x16xf32> to vector<16xf32>
      %swap3A_130 = vector.shape_cast %max3A_125 : vector<16xf32> to vector<1x16xf32>
      tpu.vector_store %arg10[%swap3A_126, %swap3A_127], %swap3A_130 {strides = array<i32>} : memref<512x32xf32, #tpu.memory_space<vmem>>, vector<1x16xf32>,
      %mul3A_131 = arith.constant 4 : i32
      %mul3A_132 = arith.muli %scan3A_19, %mul3A_131 : i32
      %add3A_133 = arith.constant 3 : i32
      %add3A_134 = arith.addi %mul3A_132, %add3A_133 : i32
      %get3A_135 = arith.index_cast %add3A_134 : i32 to index
      %get3A_136 = arith.constant 0 : index
      %get3A_137 = tpu.vector_load %arg10[%get3A_135, %get3A_136] {strides = array<i32>} : memref<512x32xf32, #tpu.memory_space<vmem>>, vector<1x16xf32>,
      %get3A_138 = vector.shape_cast %get3A_137 : vector<1x16xf32> to vector<16xf32>
      %get3A_139 = arith.index_cast %add3A_134 : i32 to index
      %get3A_140 = arith.constant 0 : index
      %get3A_141 = tpu.vector_load %arg11[%get3A_139, %get3A_140] {strides = array<i32>} : memref<512x32xf32, #tpu.memory_space<vmem>>, vector<1x16xf32>,
      %get3A_142 = vector.shape_cast %get3A_141 : vector<1x16xf32> to vector<16xf32>
      %add3A_143 = arith.addf %get3A_138, %get3A_142 : vector<16xf32>
      %max3A_144 = arith.constant 0.000000e+00 : f32
      %max3A_145 = vector.broadcast %max3A_144 : f32 to vector<16xf32>
      %max3A_146 = arith.maximumf %add3A_143, %max3A_145 : vector<16xf32>
      %swap3A_147 = arith.index_cast %add3A_134 : i32 to index
      %swap3A_148 = arith.constant 0 : index
      %swap3A_149 = tpu.vector_load %arg10[%swap3A_147, %swap3A_148] {strides = array<i32>} : memref<512x32xf32, #tpu.memory_space<vmem>>, vector<1x16xf32>,
      %swap3A_150 = vector.shape_cast %swap3A_149 : vector<1x16xf32> to vector<16xf32>
      %swap3A_151 = vector.shape_cast %max3A_146 : vector<16xf32> to vector<1x16xf32>
      tpu.vector_store %arg10[%swap3A_147, %swap3A_148], %swap3A_151 {strides = array<i32>} : memref<512x32xf32, #tpu.memory_space<vmem>>, vector<1x16xf32>,
      %get3A_152 = arith.index_cast %add3A_134 : i32 to index
      %get3A_153 = arith.constant 16 : index
      %get3A_154 = tpu.vector_load %arg10[%get3A_152, %get3A_153] {strides = array<i32>} : memref<512x32xf32, #tpu.memory_space<vmem>>, vector<1x16xf32>,
      %get3A_155 = vector.shape_cast %get3A_154 : vector<1x16xf32> to vector<16xf32>
      %get3A_156 = arith.index_cast %add3A_134 : i32 to index
      %get3A_157 = arith.constant 16 : index
      %get3A_158 = tpu.vector_load %arg11[%get3A_156, %get3A_157] {strides = array<i32>} : memref<512x32xf32, #tpu.memory_space<vmem>>, vector<1x16xf32>,
      %get3A_159 = vector.shape_cast %get3A_158 : vector<1x16xf32> to vector<16xf32>
      %add3A_160 = arith.addf %get3A_155, %get3A_159 : vector<16xf32>
      %max3A_161 = arith.constant 0.000000e+00 : f32
      %max3A_162 = vector.broadcast %max3A_161 : f32 to vector<16xf32>
      %max3A_163 = arith.maximumf %add3A_160, %max3A_162 : vector<16xf32>
      %swap3A_164 = arith.index_cast %add3A_134 : i32 to index
      %swap3A_165 = arith.constant 16 : index
      %swap3A_166 = tpu.vector_load %arg10[%swap3A_164, %swap3A_165] {strides = array<i32>} : memref<512x32xf32, #tpu.memory_space<vmem>>, vector<1x16xf32>,
      %swap3A_167 = vector.shape_cast %swap3A_166 : vector<1x16xf32> to vector<16xf32>
      %swap3A_168 = vector.shape_cast %max3A_163 : vector<16xf32> to vector<1x16xf32>
      tpu.vector_store %arg10[%swap3A_164, %swap3A_165], %swap3A_168 {strides = array<i32>} : memref<512x32xf32, #tpu.memory_space<vmem>>, vector<1x16xf32>,
    }
    %scan3A_13 = arith.constant 128 : i32
    "tpu.region"() ({
      %run_scoped3A = tpu.sem_alloc : memref<!tpu.dma_semaphore, #tpu.memory_space<semaphore_mem>>
      %dma_start3A_19 = arith.constant 0 : i32
      %dma_start3A_20 = arith.constant 0 : i32
      %dma_start3A_21 = tpu.memref_slice %arg12[%dma_start3A_19, %dma_start3A_20] : memref<4096x32xf32, #tpu.memory_space<vmem_shared>> -> memref<4096x32xf32, #tpu.memory_space<vmem_shared>>
      tpu.enqueue_indirect_dma source(%arg10 : memref<512x32xf32, #tpu.memory_space<vmem>>) target(%dma_start3A_21 : memref<4096x32xf32, #tpu.memory_space<vmem_shared>>) offsets(%arg9 : memref<512xi32, #tpu.memory_space<vmem>>) semaphore(%run_scoped3A : memref<!tpu.dma_semaphore, #tpu.memory_space<semaphore_mem>>) {add = true}
      %dma_wait3A_22 = arith.constant 0 : i32
      %dma_wait3A_23 = arith.constant 0 : i32
      %dma_wait3A_24 = tpu.memref_slice %arg12[%dma_wait3A_22, %dma_wait3A_23] : memref<4096x32xf32, #tpu.memory_space<vmem_shared>> -> memref<4096x32xf32, #tpu.memory_space<vmem_shared>>
      tpu.wait_indirect_dma semaphore(%run_scoped3A : memref<!tpu.dma_semaphore, #tpu.memory_space<semaphore_mem>>) src(%arg10 : memref<512x32xf32, #tpu.memory_space<vmem>>) dst(%dma_wait3A_24 : memref<4096x32xf32, #tpu.memory_space<vmem_shared>>)
      tpu.yield
    }) : () -> ()
    %barrier3A_14 = arith.constant 0 : index
    tpu.barrier barrier_id(%barrier3A_14)
    %mul3A_15 = arith.constant 256 : i32
    %mul3A_16 = arith.muli %arg1, %mul3A_15 : i32
    %mul3A_17 = arith.constant 256 : i32
    %mul3A_18 = arith.muli %arg1, %mul3A_17 : i32
    "tpu.region"() ({
      %run_scoped3A = tpu.sem_alloc : memref<!tpu.dma_semaphore, #tpu.memory_space<semaphore_mem>>
      %dma_start3A_19 = arith.constant 0 : i32
      %dma_start3A_20 = tpu.memref_slice %arg7[%arg0, %mul3A_18, %dma_start3A_19] : memref<2x4096x32xf32, #tpu.memory_space<hbm>> -> memref<1x256x32xf32, #tpu.memory_space<hbm>>
      %dma_start3A_21 = tpu.memref_squeeze %dma_start3A_20 : memref<1x256x32xf32, #tpu.memory_space<hbm>> -> memref<256x32xf32, #tpu.memory_space<hbm>>
      %dma_start3A_22 = arith.constant 0 : i32
      %dma_start3A_23 = tpu.memref_slice %arg12[%mul3A_16, %dma_start3A_22] : memref<4096x32xf32, #tpu.memory_space<vmem_shared>> -> memref<256x32xf32, #tpu.memory_space<vmem_shared>>
      tpu.enqueue_dma source(%dma_start3A_23 : memref<256x32xf32, #tpu.memory_space<vmem_shared>>) target(%dma_start3A_21 : memref<256x32xf32, #tpu.memory_space<hbm>>) target_semaphore(%run_scoped3A : memref<!tpu.dma_semaphore, #tpu.memory_space<semaphore_mem>>)
      %dma_wait3A_24 = arith.constant 0 : i32
      %dma_wait3A_25 = tpu.memref_slice %arg7[%arg0, %mul3A_18, %dma_wait3A_24] : memref<2x4096x32xf32, #tpu.memory_space<hbm>> -> memref<1x256x32xf32, #tpu.memory_space<hbm>>
      %dma_wait3A_26 = tpu.memref_squeeze %dma_wait3A_25 : memref<1x256x32xf32, #tpu.memory_space<hbm>> -> memref<256x32xf32, #tpu.memory_space<hbm>>
      %dma_wait3A_27 = arith.constant 0 : i32
      %dma_wait3A_28 = tpu.memref_slice %arg12[%mul3A_16, %dma_wait3A_27] : memref<4096x32xf32, #tpu.memory_space<vmem_shared>> -> memref<256x32xf32, #tpu.memory_space<vmem_shared>>
      tpu.wait_dma2 semaphore(%run_scoped3A : memref<!tpu.dma_semaphore, #tpu.memory_space<semaphore_mem>>) src(%dma_wait3A_28 : memref<256x32xf32, #tpu.memory_space<vmem_shared>>) dst(%dma_wait3A_26 : memref<256x32xf32, #tpu.memory_space<hbm>>)
      tpu.yield
    }) : () -> ()
    return
  }
}

#map = affine_map<(d0, d1) -> (0, 0)>
#map1 = affine_map<(d0, d1) -> (0)>
#map2 = affine_map<(d0, d1) -> (0, 0, 0)>
module attributes {stable_mosaic.version = 14 : i64} {
  func.func @_sc_msg_body(%arg0: i32, %arg1: i32, %arg2: memref<4096x32xf32, #tpu.memory_space<hbm>>, %arg3: memref<16384x32xf32, #tpu.memory_space<hbm>>, %arg4: memref<16384xi32, #tpu.memory_space<hbm>>, %arg5: memref<16384xi32, #tpu.memory_space<hbm>>, %arg6: memref<4096x32xf32, #tpu.memory_space<hbm>>, %arg7: memref<2x4096x32xf32, #tpu.memory_space<hbm>>, %arg8: memref<512xi32, #tpu.memory_space<vmem>>, %arg9: memref<512xi32, #tpu.memory_space<vmem>>, %arg10: memref<512x32xf32, #tpu.memory_space<vmem>>, %arg11: memref<512x32xf32, #tpu.memory_space<vmem>>, %arg12: memref<4096x32xf32, #tpu.memory_space<vmem_shared>>, %arg13: memref<!tpu.dma_semaphore, #tpu.memory_space<semaphore_mem>>) attributes {dimension_semantics = [#tpu.dimension_semantics<core_parallel>, #tpu.dimension_semantics<subcore_parallel>], iteration_bounds = array<i64: 2, 16>, scalar_prefetch = 0 : i64, scratch_operands = 6 : i64, tpu.core_type = #tpu.core_type<sc_vector_subcore>, window_params = [{transform_indices = #map}, {transform_indices = #map}, {transform_indices = #map1}, {transform_indices = #map1}, {transform_indices = #map}, {transform_indices = #map2}]} {
    %mul3A = arith.constant 2 : i32
    %mul3A_0 = arith.muli %arg1, %mul3A : i32
    %add3A = arith.addi %mul3A_0, %arg0 : i32
    %mul3A_1 = arith.constant 512 : i32
    %mul3A_2 = arith.muli %add3A, %mul3A_1 : i32
    %eq3A = arith.constant 0 : i32
    %eq3A_3 = arith.cmpi eq, %arg1, %eq3A : i32
    %convert_element_type3A = arith.extui %eq3A_3 : i1 to i32
    %cond3A = arith.constant 0 : i32
    %cond3A_4 = arith.cmpi ne, %convert_element_type3A, %cond3A : i32
    scf.if %cond3A_4 {
      "tpu.region"() ({
        %run_scoped3A = tpu.sem_alloc : memref<!tpu.dma_semaphore, #tpu.memory_space<semaphore_mem>>
        tpu.enqueue_dma source(%arg6 : memref<4096x32xf32, #tpu.memory_space<hbm>>) target(%arg12 : memref<4096x32xf32, #tpu.memory_space<vmem_shared>>) target_semaphore(%run_scoped3A : memref<!tpu.dma_semaphore, #tpu.memory_space<semaphore_mem>>)
        tpu.wait_dma2 semaphore(%run_scoped3A : memref<!tpu.dma_semaphore, #tpu.memory_space<semaphore_mem>>) src(%arg6 : memref<4096x32xf32, #tpu.memory_space<hbm>>) dst(%arg12 : memref<4096x32xf32, #tpu.memory_space<vmem_shared>>)
        tpu.yield
      }) : () -> ()
    } else {
    }
    %barrier3A = arith.constant 0 : index
    tpu.barrier barrier_id(%barrier3A)
    "tpu.region"() ({
      %run_scoped3A = tpu.sem_alloc : memref<!tpu.dma_semaphore, #tpu.memory_space<semaphore_mem>>
      %dma_start3A_19 = tpu.memref_slice %arg4[%mul3A_2] : memref<16384xi32, #tpu.memory_space<hbm>> -> memref<512xi32, #tpu.memory_space<hbm>>
      %dma_start3A_20 = tpu.memref_slice %arg4[%mul3A_2] : memref<16384xi32, #tpu.memory_space<hbm>> -> memref<512xi32, #tpu.memory_space<hbm>>
      tpu.enqueue_dma source(%dma_start3A_20 : memref<512xi32, #tpu.memory_space<hbm>>) target(%arg8 : memref<512xi32, #tpu.memory_space<vmem>>) target_semaphore(%run_scoped3A : memref<!tpu.dma_semaphore, #tpu.memory_space<semaphore_mem>>)
      %dma_wait3A_21 = tpu.memref_slice %arg4[%mul3A_2] : memref<16384xi32, #tpu.memory_space<hbm>> -> memref<512xi32, #tpu.memory_space<hbm>>
      %dma_wait3A_22 = tpu.memref_slice %arg4[%mul3A_2] : memref<16384xi32, #tpu.memory_space<hbm>> -> memref<512xi32, #tpu.memory_space<hbm>>
      tpu.wait_dma2 semaphore(%run_scoped3A : memref<!tpu.dma_semaphore, #tpu.memory_space<semaphore_mem>>) src(%dma_wait3A_22 : memref<512xi32, #tpu.memory_space<hbm>>) dst(%arg8 : memref<512xi32, #tpu.memory_space<vmem>>)
      tpu.yield
    }) : () -> ()
    "tpu.region"() ({
      %run_scoped3A = tpu.sem_alloc : memref<!tpu.dma_semaphore, #tpu.memory_space<semaphore_mem>>
      %dma_start3A_19 = tpu.memref_slice %arg5[%mul3A_2] : memref<16384xi32, #tpu.memory_space<hbm>> -> memref<512xi32, #tpu.memory_space<hbm>>
      %dma_start3A_20 = tpu.memref_slice %arg5[%mul3A_2] : memref<16384xi32, #tpu.memory_space<hbm>> -> memref<512xi32, #tpu.memory_space<hbm>>
      tpu.enqueue_dma source(%dma_start3A_20 : memref<512xi32, #tpu.memory_space<hbm>>) target(%arg9 : memref<512xi32, #tpu.memory_space<vmem>>) target_semaphore(%run_scoped3A : memref<!tpu.dma_semaphore, #tpu.memory_space<semaphore_mem>>)
      %dma_wait3A_21 = tpu.memref_slice %arg5[%mul3A_2] : memref<16384xi32, #tpu.memory_space<hbm>> -> memref<512xi32, #tpu.memory_space<hbm>>
      %dma_wait3A_22 = tpu.memref_slice %arg5[%mul3A_2] : memref<16384xi32, #tpu.memory_space<hbm>> -> memref<512xi32, #tpu.memory_space<hbm>>
      tpu.wait_dma2 semaphore(%run_scoped3A : memref<!tpu.dma_semaphore, #tpu.memory_space<semaphore_mem>>) src(%dma_wait3A_22 : memref<512xi32, #tpu.memory_space<hbm>>) dst(%arg9 : memref<512xi32, #tpu.memory_space<vmem>>)
      tpu.yield
    }) : () -> ()
    %dma_start3A = arith.constant 0 : i32
    %dma_start3A_5 = arith.constant 0 : i32
    %dma_start3A_6 = tpu.memref_slice %arg2[%dma_start3A, %dma_start3A_5] : memref<4096x32xf32, #tpu.memory_space<hbm>> -> memref<4096x32xf32, #tpu.memory_space<hbm>>
    tpu.enqueue_indirect_dma source(%dma_start3A_6 : memref<4096x32xf32, #tpu.memory_space<hbm>>) target(%arg10 : memref<512x32xf32, #tpu.memory_space<vmem>>) offsets(%arg8 : memref<512xi32, #tpu.memory_space<vmem>>) semaphore(%arg13 : memref<!tpu.dma_semaphore, #tpu.memory_space<semaphore_mem>>)
    %dma_wait3A = arith.constant 0 : i32
    %dma_wait3A_7 = arith.constant 0 : i32
    %dma_wait3A_8 = tpu.memref_slice %arg2[%dma_wait3A, %dma_wait3A_7] : memref<4096x32xf32, #tpu.memory_space<hbm>> -> memref<4096x32xf32, #tpu.memory_space<hbm>>
    tpu.wait_indirect_dma semaphore(%arg13 : memref<!tpu.dma_semaphore, #tpu.memory_space<semaphore_mem>>) src(%dma_wait3A_8 : memref<4096x32xf32, #tpu.memory_space<hbm>>) dst(%arg10 : memref<512x32xf32, #tpu.memory_space<vmem>>)
    "tpu.region"() ({
      %run_scoped3A = tpu.sem_alloc : memref<!tpu.dma_semaphore, #tpu.memory_space<semaphore_mem>>
      %dma_start3A_19 = arith.constant 0 : i32
      %dma_start3A_20 = tpu.memref_slice %arg3[%mul3A_2, %dma_start3A_19] : memref<16384x32xf32, #tpu.memory_space<hbm>> -> memref<512x32xf32, #tpu.memory_space<hbm>>
      %dma_start3A_21 = arith.constant 0 : i32
      %dma_start3A_22 = tpu.memref_slice %arg3[%mul3A_2, %dma_start3A_21] : memref<16384x32xf32, #tpu.memory_space<hbm>> -> memref<512x32xf32, #tpu.memory_space<hbm>>
      tpu.enqueue_dma source(%dma_start3A_22 : memref<512x32xf32, #tpu.memory_space<hbm>>) target(%arg11 : memref<512x32xf32, #tpu.memory_space<vmem>>) target_semaphore(%run_scoped3A : memref<!tpu.dma_semaphore, #tpu.memory_space<semaphore_mem>>)
      %dma_wait3A_23 = arith.constant 0 : i32
      %dma_wait3A_24 = tpu.memref_slice %arg3[%mul3A_2, %dma_wait3A_23] : memref<16384x32xf32, #tpu.memory_space<hbm>> -> memref<512x32xf32, #tpu.memory_space<hbm>>
      %dma_wait3A_25 = arith.constant 0 : i32
      %dma_wait3A_26 = tpu.memref_slice %arg3[%mul3A_2, %dma_wait3A_25] : memref<16384x32xf32, #tpu.memory_space<hbm>> -> memref<512x32xf32, #tpu.memory_space<hbm>>
      tpu.wait_dma2 semaphore(%run_scoped3A : memref<!tpu.dma_semaphore, #tpu.memory_space<semaphore_mem>>) src(%dma_wait3A_26 : memref<512x32xf32, #tpu.memory_space<hbm>>) dst(%arg11 : memref<512x32xf32, #tpu.memory_space<vmem>>)
      tpu.yield
    }) : () -> ()
    %scan3A = arith.constant 0 : i32
    %scan3A_9 = arith.constant 0 : i32
    %scan3A_10 = arith.constant 128 : i32
    %scan3A_11 = arith.addi %scan3A_9, %scan3A_10 : i32
    %scan3A_12 = arith.constant 1 : i32
    scf.for %scan3A_19 = %scan3A_9 to %scan3A_11 step %scan3A_12  : i32 {
      %mul3A_20 = arith.constant 4 : i32
      %mul3A_21 = arith.muli %scan3A_19, %mul3A_20 : i32
      %add3A_22 = arith.constant 0 : i32
      %add3A_23 = arith.addi %mul3A_21, %add3A_22 : i32
      %get3A = arith.index_cast %add3A_23 : i32 to index
      %get3A_24 = arith.constant 0 : index
      %get3A_25 = tpu.vector_load %arg10[%get3A, %get3A_24] {strides = array<i32>} : memref<512x32xf32, #tpu.memory_space<vmem>>, vector<1x16xf32>,
      %get3A_26 = vector.shape_cast %get3A_25 : vector<1x16xf32> to vector<16xf32>
      %get3A_27 = arith.index_cast %add3A_23 : i32 to index
      %get3A_28 = arith.constant 0 : index
      %get3A_29 = tpu.vector_load %arg11[%get3A_27, %get3A_28] {strides = array<i32>} : memref<512x32xf32, #tpu.memory_space<vmem>>, vector<1x16xf32>,
      %get3A_30 = vector.shape_cast %get3A_29 : vector<1x16xf32> to vector<16xf32>
      %add3A_31 = arith.addf %get3A_26, %get3A_30 : vector<16xf32>
      %max3A = arith.constant 0.000000e+00 : f32
      %max3A_32 = vector.broadcast %max3A : f32 to vector<16xf32>
      %max3A_33 = arith.maximumf %add3A_31, %max3A_32 : vector<16xf32>
      %swap3A = arith.index_cast %add3A_23 : i32 to index
      %swap3A_34 = arith.constant 0 : index
      %swap3A_35 = tpu.vector_load %arg10[%swap3A, %swap3A_34] {strides = array<i32>} : memref<512x32xf32, #tpu.memory_space<vmem>>, vector<1x16xf32>,
      %swap3A_36 = vector.shape_cast %swap3A_35 : vector<1x16xf32> to vector<16xf32>
      %swap3A_37 = vector.shape_cast %max3A_33 : vector<16xf32> to vector<1x16xf32>
      tpu.vector_store %arg10[%swap3A, %swap3A_34], %swap3A_37 {strides = array<i32>} : memref<512x32xf32, #tpu.memory_space<vmem>>, vector<1x16xf32>,
      %get3A_38 = arith.index_cast %add3A_23 : i32 to index
      %get3A_39 = arith.constant 16 : index
      %get3A_40 = tpu.vector_load %arg10[%get3A_38, %get3A_39] {strides = array<i32>} : memref<512x32xf32, #tpu.memory_space<vmem>>, vector<1x16xf32>,
      %get3A_41 = vector.shape_cast %get3A_40 : vector<1x16xf32> to vector<16xf32>
      %get3A_42 = arith.index_cast %add3A_23 : i32 to index
      %get3A_43 = arith.constant 16 : index
      %get3A_44 = tpu.vector_load %arg11[%get3A_42, %get3A_43] {strides = array<i32>} : memref<512x32xf32, #tpu.memory_space<vmem>>, vector<1x16xf32>,
      %get3A_45 = vector.shape_cast %get3A_44 : vector<1x16xf32> to vector<16xf32>
      %add3A_46 = arith.addf %get3A_41, %get3A_45 : vector<16xf32>
      %max3A_47 = arith.constant 0.000000e+00 : f32
      %max3A_48 = vector.broadcast %max3A_47 : f32 to vector<16xf32>
      %max3A_49 = arith.maximumf %add3A_46, %max3A_48 : vector<16xf32>
      %swap3A_50 = arith.index_cast %add3A_23 : i32 to index
      %swap3A_51 = arith.constant 16 : index
      %swap3A_52 = tpu.vector_load %arg10[%swap3A_50, %swap3A_51] {strides = array<i32>} : memref<512x32xf32, #tpu.memory_space<vmem>>, vector<1x16xf32>,
      %swap3A_53 = vector.shape_cast %swap3A_52 : vector<1x16xf32> to vector<16xf32>
      %swap3A_54 = vector.shape_cast %max3A_49 : vector<16xf32> to vector<1x16xf32>
      tpu.vector_store %arg10[%swap3A_50, %swap3A_51], %swap3A_54 {strides = array<i32>} : memref<512x32xf32, #tpu.memory_space<vmem>>, vector<1x16xf32>,
      %mul3A_55 = arith.constant 4 : i32
      %mul3A_56 = arith.muli %scan3A_19, %mul3A_55 : i32
      %add3A_57 = arith.constant 1 : i32
      %add3A_58 = arith.addi %mul3A_56, %add3A_57 : i32
      %get3A_59 = arith.index_cast %add3A_58 : i32 to index
      %get3A_60 = arith.constant 0 : index
      %get3A_61 = tpu.vector_load %arg10[%get3A_59, %get3A_60] {strides = array<i32>} : memref<512x32xf32, #tpu.memory_space<vmem>>, vector<1x16xf32>,
      %get3A_62 = vector.shape_cast %get3A_61 : vector<1x16xf32> to vector<16xf32>
      %get3A_63 = arith.index_cast %add3A_58 : i32 to index
      %get3A_64 = arith.constant 0 : index
      %get3A_65 = tpu.vector_load %arg11[%get3A_63, %get3A_64] {strides = array<i32>} : memref<512x32xf32, #tpu.memory_space<vmem>>, vector<1x16xf32>,
      %get3A_66 = vector.shape_cast %get3A_65 : vector<1x16xf32> to vector<16xf32>
      %add3A_67 = arith.addf %get3A_62, %get3A_66 : vector<16xf32>
      %max3A_68 = arith.constant 0.000000e+00 : f32
      %max3A_69 = vector.broadcast %max3A_68 : f32 to vector<16xf32>
      %max3A_70 = arith.maximumf %add3A_67, %max3A_69 : vector<16xf32>
      %swap3A_71 = arith.index_cast %add3A_58 : i32 to index
      %swap3A_72 = arith.constant 0 : index
      %swap3A_73 = tpu.vector_load %arg10[%swap3A_71, %swap3A_72] {strides = array<i32>} : memref<512x32xf32, #tpu.memory_space<vmem>>, vector<1x16xf32>,
      %swap3A_74 = vector.shape_cast %swap3A_73 : vector<1x16xf32> to vector<16xf32>
      %swap3A_75 = vector.shape_cast %max3A_70 : vector<16xf32> to vector<1x16xf32>
      tpu.vector_store %arg10[%swap3A_71, %swap3A_72], %swap3A_75 {strides = array<i32>} : memref<512x32xf32, #tpu.memory_space<vmem>>, vector<1x16xf32>,
      %get3A_76 = arith.index_cast %add3A_58 : i32 to index
      %get3A_77 = arith.constant 16 : index
      %get3A_78 = tpu.vector_load %arg10[%get3A_76, %get3A_77] {strides = array<i32>} : memref<512x32xf32, #tpu.memory_space<vmem>>, vector<1x16xf32>,
      %get3A_79 = vector.shape_cast %get3A_78 : vector<1x16xf32> to vector<16xf32>
      %get3A_80 = arith.index_cast %add3A_58 : i32 to index
      %get3A_81 = arith.constant 16 : index
      %get3A_82 = tpu.vector_load %arg11[%get3A_80, %get3A_81] {strides = array<i32>} : memref<512x32xf32, #tpu.memory_space<vmem>>, vector<1x16xf32>,
      %get3A_83 = vector.shape_cast %get3A_82 : vector<1x16xf32> to vector<16xf32>
      %add3A_84 = arith.addf %get3A_79, %get3A_83 : vector<16xf32>
      %max3A_85 = arith.constant 0.000000e+00 : f32
      %max3A_86 = vector.broadcast %max3A_85 : f32 to vector<16xf32>
      %max3A_87 = arith.maximumf %add3A_84, %max3A_86 : vector<16xf32>
      %swap3A_88 = arith.index_cast %add3A_58 : i32 to index
      %swap3A_89 = arith.constant 16 : index
      %swap3A_90 = tpu.vector_load %arg10[%swap3A_88, %swap3A_89] {strides = array<i32>} : memref<512x32xf32, #tpu.memory_space<vmem>>, vector<1x16xf32>,
      %swap3A_91 = vector.shape_cast %swap3A_90 : vector<1x16xf32> to vector<16xf32>
      %swap3A_92 = vector.shape_cast %max3A_87 : vector<16xf32> to vector<1x16xf32>
      tpu.vector_store %arg10[%swap3A_88, %swap3A_89], %swap3A_92 {strides = array<i32>} : memref<512x32xf32, #tpu.memory_space<vmem>>, vector<1x16xf32>,
      %mul3A_93 = arith.constant 4 : i32
      %mul3A_94 = arith.muli %scan3A_19, %mul3A_93 : i32
      %add3A_95 = arith.constant 2 : i32
      %add3A_96 = arith.addi %mul3A_94, %add3A_95 : i32
      %get3A_97 = arith.index_cast %add3A_96 : i32 to index
      %get3A_98 = arith.constant 0 : index
      %get3A_99 = tpu.vector_load %arg10[%get3A_97, %get3A_98] {strides = array<i32>} : memref<512x32xf32, #tpu.memory_space<vmem>>, vector<1x16xf32>,
      %get3A_100 = vector.shape_cast %get3A_99 : vector<1x16xf32> to vector<16xf32>
      %get3A_101 = arith.index_cast %add3A_96 : i32 to index
      %get3A_102 = arith.constant 0 : index
      %get3A_103 = tpu.vector_load %arg11[%get3A_101, %get3A_102] {strides = array<i32>} : memref<512x32xf32, #tpu.memory_space<vmem>>, vector<1x16xf32>,
      %get3A_104 = vector.shape_cast %get3A_103 : vector<1x16xf32> to vector<16xf32>
      %add3A_105 = arith.addf %get3A_100, %get3A_104 : vector<16xf32>
      %max3A_106 = arith.constant 0.000000e+00 : f32
      %max3A_107 = vector.broadcast %max3A_106 : f32 to vector<16xf32>
      %max3A_108 = arith.maximumf %add3A_105, %max3A_107 : vector<16xf32>
      %swap3A_109 = arith.index_cast %add3A_96 : i32 to index
      %swap3A_110 = arith.constant 0 : index
      %swap3A_111 = tpu.vector_load %arg10[%swap3A_109, %swap3A_110] {strides = array<i32>} : memref<512x32xf32, #tpu.memory_space<vmem>>, vector<1x16xf32>,
      %swap3A_112 = vector.shape_cast %swap3A_111 : vector<1x16xf32> to vector<16xf32>
      %swap3A_113 = vector.shape_cast %max3A_108 : vector<16xf32> to vector<1x16xf32>
      tpu.vector_store %arg10[%swap3A_109, %swap3A_110], %swap3A_113 {strides = array<i32>} : memref<512x32xf32, #tpu.memory_space<vmem>>, vector<1x16xf32>,
      %get3A_114 = arith.index_cast %add3A_96 : i32 to index
      %get3A_115 = arith.constant 16 : index
      %get3A_116 = tpu.vector_load %arg10[%get3A_114, %get3A_115] {strides = array<i32>} : memref<512x32xf32, #tpu.memory_space<vmem>>, vector<1x16xf32>,
      %get3A_117 = vector.shape_cast %get3A_116 : vector<1x16xf32> to vector<16xf32>
      %get3A_118 = arith.index_cast %add3A_96 : i32 to index
      %get3A_119 = arith.constant 16 : index
      %get3A_120 = tpu.vector_load %arg11[%get3A_118, %get3A_119] {strides = array<i32>} : memref<512x32xf32, #tpu.memory_space<vmem>>, vector<1x16xf32>,
      %get3A_121 = vector.shape_cast %get3A_120 : vector<1x16xf32> to vector<16xf32>
      %add3A_122 = arith.addf %get3A_117, %get3A_121 : vector<16xf32>
      %max3A_123 = arith.constant 0.000000e+00 : f32
      %max3A_124 = vector.broadcast %max3A_123 : f32 to vector<16xf32>
      %max3A_125 = arith.maximumf %add3A_122, %max3A_124 : vector<16xf32>
      %swap3A_126 = arith.index_cast %add3A_96 : i32 to index
      %swap3A_127 = arith.constant 16 : index
      %swap3A_128 = tpu.vector_load %arg10[%swap3A_126, %swap3A_127] {strides = array<i32>} : memref<512x32xf32, #tpu.memory_space<vmem>>, vector<1x16xf32>,
      %swap3A_129 = vector.shape_cast %swap3A_128 : vector<1x16xf32> to vector<16xf32>
      %swap3A_130 = vector.shape_cast %max3A_125 : vector<16xf32> to vector<1x16xf32>
      tpu.vector_store %arg10[%swap3A_126, %swap3A_127], %swap3A_130 {strides = array<i32>} : memref<512x32xf32, #tpu.memory_space<vmem>>, vector<1x16xf32>,
      %mul3A_131 = arith.constant 4 : i32
      %mul3A_132 = arith.muli %scan3A_19, %mul3A_131 : i32
      %add3A_133 = arith.constant 3 : i32
      %add3A_134 = arith.addi %mul3A_132, %add3A_133 : i32
      %get3A_135 = arith.index_cast %add3A_134 : i32 to index
      %get3A_136 = arith.constant 0 : index
      %get3A_137 = tpu.vector_load %arg10[%get3A_135, %get3A_136] {strides = array<i32>} : memref<512x32xf32, #tpu.memory_space<vmem>>, vector<1x16xf32>,
      %get3A_138 = vector.shape_cast %get3A_137 : vector<1x16xf32> to vector<16xf32>
      %get3A_139 = arith.index_cast %add3A_134 : i32 to index
      %get3A_140 = arith.constant 0 : index
      %get3A_141 = tpu.vector_load %arg11[%get3A_139, %get3A_140] {strides = array<i32>} : memref<512x32xf32, #tpu.memory_space<vmem>>, vector<1x16xf32>,
      %get3A_142 = vector.shape_cast %get3A_141 : vector<1x16xf32> to vector<16xf32>
      %add3A_143 = arith.addf %get3A_138, %get3A_142 : vector<16xf32>
      %max3A_144 = arith.constant 0.000000e+00 : f32
      %max3A_145 = vector.broadcast %max3A_144 : f32 to vector<16xf32>
      %max3A_146 = arith.maximumf %add3A_143, %max3A_145 : vector<16xf32>
      %swap3A_147 = arith.index_cast %add3A_134 : i32 to index
      %swap3A_148 = arith.constant 0 : index
      %swap3A_149 = tpu.vector_load %arg10[%swap3A_147, %swap3A_148] {strides = array<i32>} : memref<512x32xf32, #tpu.memory_space<vmem>>, vector<1x16xf32>,
      %swap3A_150 = vector.shape_cast %swap3A_149 : vector<1x16xf32> to vector<16xf32>
      %swap3A_151 = vector.shape_cast %max3A_146 : vector<16xf32> to vector<1x16xf32>
      tpu.vector_store %arg10[%swap3A_147, %swap3A_148], %swap3A_151 {strides = array<i32>} : memref<512x32xf32, #tpu.memory_space<vmem>>, vector<1x16xf32>,
      %get3A_152 = arith.index_cast %add3A_134 : i32 to index
      %get3A_153 = arith.constant 16 : index
      %get3A_154 = tpu.vector_load %arg10[%get3A_152, %get3A_153] {strides = array<i32>} : memref<512x32xf32, #tpu.memory_space<vmem>>, vector<1x16xf32>,
      %get3A_155 = vector.shape_cast %get3A_154 : vector<1x16xf32> to vector<16xf32>
      %get3A_156 = arith.index_cast %add3A_134 : i32 to index
      %get3A_157 = arith.constant 16 : index
      %get3A_158 = tpu.vector_load %arg11[%get3A_156, %get3A_157] {strides = array<i32>} : memref<512x32xf32, #tpu.memory_space<vmem>>, vector<1x16xf32>,
      %get3A_159 = vector.shape_cast %get3A_158 : vector<1x16xf32> to vector<16xf32>
      %add3A_160 = arith.addf %get3A_155, %get3A_159 : vector<16xf32>
      %max3A_161 = arith.constant 0.000000e+00 : f32
      %max3A_162 = vector.broadcast %max3A_161 : f32 to vector<16xf32>
      %max3A_163 = arith.maximumf %add3A_160, %max3A_162 : vector<16xf32>
      %swap3A_164 = arith.index_cast %add3A_134 : i32 to index
      %swap3A_165 = arith.constant 16 : index
      %swap3A_166 = tpu.vector_load %arg10[%swap3A_164, %swap3A_165] {strides = array<i32>} : memref<512x32xf32, #tpu.memory_space<vmem>>, vector<1x16xf32>,
      %swap3A_167 = vector.shape_cast %swap3A_166 : vector<1x16xf32> to vector<16xf32>
      %swap3A_168 = vector.shape_cast %max3A_163 : vector<16xf32> to vector<1x16xf32>
      tpu.vector_store %arg10[%swap3A_164, %swap3A_165], %swap3A_168 {strides = array<i32>} : memref<512x32xf32, #tpu.memory_space<vmem>>, vector<1x16xf32>,
    }
    %scan3A_13 = arith.constant 128 : i32
    "tpu.region"() ({
      %run_scoped3A = tpu.sem_alloc : memref<!tpu.dma_semaphore, #tpu.memory_space<semaphore_mem>>
      %dma_start3A_19 = arith.constant 0 : i32
      %dma_start3A_20 = arith.constant 0 : i32
      %dma_start3A_21 = tpu.memref_slice %arg12[%dma_start3A_19, %dma_start3A_20] : memref<4096x32xf32, #tpu.memory_space<vmem_shared>> -> memref<4096x32xf32, #tpu.memory_space<vmem_shared>>
      tpu.enqueue_indirect_dma source(%arg10 : memref<512x32xf32, #tpu.memory_space<vmem>>) target(%dma_start3A_21 : memref<4096x32xf32, #tpu.memory_space<vmem_shared>>) offsets(%arg9 : memref<512xi32, #tpu.memory_space<vmem>>) semaphore(%run_scoped3A : memref<!tpu.dma_semaphore, #tpu.memory_space<semaphore_mem>>) {add = true}
      %dma_wait3A_22 = arith.constant 0 : i32
      %dma_wait3A_23 = arith.constant 0 : i32
      %dma_wait3A_24 = tpu.memref_slice %arg12[%dma_wait3A_22, %dma_wait3A_23] : memref<4096x32xf32, #tpu.memory_space<vmem_shared>> -> memref<4096x32xf32, #tpu.memory_space<vmem_shared>>
      tpu.wait_indirect_dma semaphore(%run_scoped3A : memref<!tpu.dma_semaphore, #tpu.memory_space<semaphore_mem>>) src(%arg10 : memref<512x32xf32, #tpu.memory_space<vmem>>) dst(%dma_wait3A_24 : memref<4096x32xf32, #tpu.memory_space<vmem_shared>>)
      tpu.yield
    }) : () -> ()
    %barrier3A_14 = arith.constant 0 : index
    tpu.barrier barrier_id(%barrier3A_14)
    %mul3A_15 = arith.constant 256 : i32
    %mul3A_16 = arith.muli %arg1, %mul3A_15 : i32
    %mul3A_17 = arith.constant 256 : i32
    %mul3A_18 = arith.muli %arg1, %mul3A_17 : i32
    "tpu.region"() ({
      %run_scoped3A = tpu.sem_alloc : memref<!tpu.dma_semaphore, #tpu.memory_space<semaphore_mem>>
      %dma_start3A_19 = arith.constant 0 : i32
      %dma_start3A_20 = tpu.memref_slice %arg7[%arg0, %mul3A_18, %dma_start3A_19] : memref<2x4096x32xf32, #tpu.memory_space<hbm>> -> memref<1x256x32xf32, #tpu.memory_space<hbm>>
      %dma_start3A_21 = tpu.memref_squeeze %dma_start3A_20 : memref<1x256x32xf32, #tpu.memory_space<hbm>> -> memref<256x32xf32, #tpu.memory_space<hbm>>
      %dma_start3A_22 = arith.constant 0 : i32
      %dma_start3A_23 = tpu.memref_slice %arg12[%mul3A_16, %dma_start3A_22] : memref<4096x32xf32, #tpu.memory_space<vmem_shared>> -> memref<256x32xf32, #tpu.memory_space<vmem_shared>>
      tpu.enqueue_dma source(%dma_start3A_23 : memref<256x32xf32, #tpu.memory_space<vmem_shared>>) target(%dma_start3A_21 : memref<256x32xf32, #tpu.memory_space<hbm>>) target_semaphore(%run_scoped3A : memref<!tpu.dma_semaphore, #tpu.memory_space<semaphore_mem>>)
      %dma_wait3A_24 = arith.constant 0 : i32
      %dma_wait3A_25 = tpu.memref_slice %arg7[%arg0, %mul3A_18, %dma_wait3A_24] : memref<2x4096x32xf32, #tpu.memory_space<hbm>> -> memref<1x256x32xf32, #tpu.memory_space<hbm>>
      %dma_wait3A_26 = tpu.memref_squeeze %dma_wait3A_25 : memref<1x256x32xf32, #tpu.memory_space<hbm>> -> memref<256x32xf32, #tpu.memory_space<hbm>>
      %dma_wait3A_27 = arith.constant 0 : i32
      %dma_wait3A_28 = tpu.memref_slice %arg12[%mul3A_16, %dma_wait3A_27] : memref<4096x32xf32, #tpu.memory_space<vmem_shared>> -> memref<256x32xf32, #tpu.memory_space<vmem_shared>>
      tpu.wait_dma2 semaphore(%run_scoped3A : memref<!tpu.dma_semaphore, #tpu.memory_space<semaphore_mem>>) src(%dma_wait3A_28 : memref<256x32xf32, #tpu.memory_space<vmem_shared>>) dst(%dma_wait3A_26 : memref<256x32xf32, #tpu.memory_space<hbm>>)
      tpu.yield
    }) : () -> ()
    return
  }
}

#map = affine_map<(d0, d1) -> (0, 0)>
#map1 = affine_map<(d0, d1) -> (0)>
#map2 = affine_map<(d0, d1) -> (0, 0, 0)>
module attributes {stable_mosaic.version = 14 : i64} {
  func.func @_sc_msg_body(%arg0: i32, %arg1: i32, %arg2: memref<4096x32xf32, #tpu.memory_space<hbm>>, %arg3: memref<16384x32xf32, #tpu.memory_space<hbm>>, %arg4: memref<16384xi32, #tpu.memory_space<hbm>>, %arg5: memref<16384xi32, #tpu.memory_space<hbm>>, %arg6: memref<4096x32xf32, #tpu.memory_space<hbm>>, %arg7: memref<2x4096x32xf32, #tpu.memory_space<hbm>>, %arg8: memref<512xi32, #tpu.memory_space<vmem>>, %arg9: memref<512xi32, #tpu.memory_space<vmem>>, %arg10: memref<512x32xf32, #tpu.memory_space<vmem>>, %arg11: memref<512x32xf32, #tpu.memory_space<vmem>>, %arg12: memref<4096x32xf32, #tpu.memory_space<vmem_shared>>, %arg13: memref<!tpu.dma_semaphore, #tpu.memory_space<semaphore_mem>>) attributes {dimension_semantics = [#tpu.dimension_semantics<core_parallel>, #tpu.dimension_semantics<subcore_parallel>], iteration_bounds = array<i64: 2, 16>, scalar_prefetch = 0 : i64, scratch_operands = 6 : i64, tpu.core_type = #tpu.core_type<sc_vector_subcore>, window_params = [{transform_indices = #map}, {transform_indices = #map}, {transform_indices = #map1}, {transform_indices = #map1}, {transform_indices = #map}, {transform_indices = #map2}]} {
    %mul3A = arith.constant 2 : i32
    %mul3A_0 = arith.muli %arg1, %mul3A : i32
    %add3A = arith.addi %mul3A_0, %arg0 : i32
    %mul3A_1 = arith.constant 512 : i32
    %mul3A_2 = arith.muli %add3A, %mul3A_1 : i32
    %eq3A = arith.constant 0 : i32
    %eq3A_3 = arith.cmpi eq, %arg1, %eq3A : i32
    %convert_element_type3A = arith.extui %eq3A_3 : i1 to i32
    %cond3A = arith.constant 0 : i32
    %cond3A_4 = arith.cmpi ne, %convert_element_type3A, %cond3A : i32
    scf.if %cond3A_4 {
      "tpu.region"() ({
        %run_scoped3A = tpu.sem_alloc : memref<!tpu.dma_semaphore, #tpu.memory_space<semaphore_mem>>
        tpu.enqueue_dma source(%arg6 : memref<4096x32xf32, #tpu.memory_space<hbm>>) target(%arg12 : memref<4096x32xf32, #tpu.memory_space<vmem_shared>>) target_semaphore(%run_scoped3A : memref<!tpu.dma_semaphore, #tpu.memory_space<semaphore_mem>>)
        tpu.wait_dma2 semaphore(%run_scoped3A : memref<!tpu.dma_semaphore, #tpu.memory_space<semaphore_mem>>) src(%arg6 : memref<4096x32xf32, #tpu.memory_space<hbm>>) dst(%arg12 : memref<4096x32xf32, #tpu.memory_space<vmem_shared>>)
        tpu.yield
      }) : () -> ()
    } else {
    }
    %barrier3A = arith.constant 0 : index
    tpu.barrier barrier_id(%barrier3A)
    "tpu.region"() ({
      %run_scoped3A = tpu.sem_alloc : memref<!tpu.dma_semaphore, #tpu.memory_space<semaphore_mem>>
      %dma_start3A_19 = tpu.memref_slice %arg4[%mul3A_2] : memref<16384xi32, #tpu.memory_space<hbm>> -> memref<512xi32, #tpu.memory_space<hbm>>
      %dma_start3A_20 = tpu.memref_slice %arg4[%mul3A_2] : memref<16384xi32, #tpu.memory_space<hbm>> -> memref<512xi32, #tpu.memory_space<hbm>>
      tpu.enqueue_dma source(%dma_start3A_20 : memref<512xi32, #tpu.memory_space<hbm>>) target(%arg8 : memref<512xi32, #tpu.memory_space<vmem>>) target_semaphore(%run_scoped3A : memref<!tpu.dma_semaphore, #tpu.memory_space<semaphore_mem>>)
      %dma_wait3A_21 = tpu.memref_slice %arg4[%mul3A_2] : memref<16384xi32, #tpu.memory_space<hbm>> -> memref<512xi32, #tpu.memory_space<hbm>>
      %dma_wait3A_22 = tpu.memref_slice %arg4[%mul3A_2] : memref<16384xi32, #tpu.memory_space<hbm>> -> memref<512xi32, #tpu.memory_space<hbm>>
      tpu.wait_dma2 semaphore(%run_scoped3A : memref<!tpu.dma_semaphore, #tpu.memory_space<semaphore_mem>>) src(%dma_wait3A_22 : memref<512xi32, #tpu.memory_space<hbm>>) dst(%arg8 : memref<512xi32, #tpu.memory_space<vmem>>)
      tpu.yield
    }) : () -> ()
    "tpu.region"() ({
      %run_scoped3A = tpu.sem_alloc : memref<!tpu.dma_semaphore, #tpu.memory_space<semaphore_mem>>
      %dma_start3A_19 = tpu.memref_slice %arg5[%mul3A_2] : memref<16384xi32, #tpu.memory_space<hbm>> -> memref<512xi32, #tpu.memory_space<hbm>>
      %dma_start3A_20 = tpu.memref_slice %arg5[%mul3A_2] : memref<16384xi32, #tpu.memory_space<hbm>> -> memref<512xi32, #tpu.memory_space<hbm>>
      tpu.enqueue_dma source(%dma_start3A_20 : memref<512xi32, #tpu.memory_space<hbm>>) target(%arg9 : memref<512xi32, #tpu.memory_space<vmem>>) target_semaphore(%run_scoped3A : memref<!tpu.dma_semaphore, #tpu.memory_space<semaphore_mem>>)
      %dma_wait3A_21 = tpu.memref_slice %arg5[%mul3A_2] : memref<16384xi32, #tpu.memory_space<hbm>> -> memref<512xi32, #tpu.memory_space<hbm>>
      %dma_wait3A_22 = tpu.memref_slice %arg5[%mul3A_2] : memref<16384xi32, #tpu.memory_space<hbm>> -> memref<512xi32, #tpu.memory_space<hbm>>
      tpu.wait_dma2 semaphore(%run_scoped3A : memref<!tpu.dma_semaphore, #tpu.memory_space<semaphore_mem>>) src(%dma_wait3A_22 : memref<512xi32, #tpu.memory_space<hbm>>) dst(%arg9 : memref<512xi32, #tpu.memory_space<vmem>>)
      tpu.yield
    }) : () -> ()
    %dma_start3A = arith.constant 0 : i32
    %dma_start3A_5 = arith.constant 0 : i32
    %dma_start3A_6 = tpu.memref_slice %arg2[%dma_start3A, %dma_start3A_5] : memref<4096x32xf32, #tpu.memory_space<hbm>> -> memref<4096x32xf32, #tpu.memory_space<hbm>>
    tpu.enqueue_indirect_dma source(%dma_start3A_6 : memref<4096x32xf32, #tpu.memory_space<hbm>>) target(%arg10 : memref<512x32xf32, #tpu.memory_space<vmem>>) offsets(%arg8 : memref<512xi32, #tpu.memory_space<vmem>>) semaphore(%arg13 : memref<!tpu.dma_semaphore, #tpu.memory_space<semaphore_mem>>)
    %dma_wait3A = arith.constant 0 : i32
    %dma_wait3A_7 = arith.constant 0 : i32
    %dma_wait3A_8 = tpu.memref_slice %arg2[%dma_wait3A, %dma_wait3A_7] : memref<4096x32xf32, #tpu.memory_space<hbm>> -> memref<4096x32xf32, #tpu.memory_space<hbm>>
    tpu.wait_indirect_dma semaphore(%arg13 : memref<!tpu.dma_semaphore, #tpu.memory_space<semaphore_mem>>) src(%dma_wait3A_8 : memref<4096x32xf32, #tpu.memory_space<hbm>>) dst(%arg10 : memref<512x32xf32, #tpu.memory_space<vmem>>)
    "tpu.region"() ({
      %run_scoped3A = tpu.sem_alloc : memref<!tpu.dma_semaphore, #tpu.memory_space<semaphore_mem>>
      %dma_start3A_19 = arith.constant 0 : i32
      %dma_start3A_20 = tpu.memref_slice %arg3[%mul3A_2, %dma_start3A_19] : memref<16384x32xf32, #tpu.memory_space<hbm>> -> memref<512x32xf32, #tpu.memory_space<hbm>>
      %dma_start3A_21 = arith.constant 0 : i32
      %dma_start3A_22 = tpu.memref_slice %arg3[%mul3A_2, %dma_start3A_21] : memref<16384x32xf32, #tpu.memory_space<hbm>> -> memref<512x32xf32, #tpu.memory_space<hbm>>
      tpu.enqueue_dma source(%dma_start3A_22 : memref<512x32xf32, #tpu.memory_space<hbm>>) target(%arg11 : memref<512x32xf32, #tpu.memory_space<vmem>>) target_semaphore(%run_scoped3A : memref<!tpu.dma_semaphore, #tpu.memory_space<semaphore_mem>>)
      %dma_wait3A_23 = arith.constant 0 : i32
      %dma_wait3A_24 = tpu.memref_slice %arg3[%mul3A_2, %dma_wait3A_23] : memref<16384x32xf32, #tpu.memory_space<hbm>> -> memref<512x32xf32, #tpu.memory_space<hbm>>
      %dma_wait3A_25 = arith.constant 0 : i32
      %dma_wait3A_26 = tpu.memref_slice %arg3[%mul3A_2, %dma_wait3A_25] : memref<16384x32xf32, #tpu.memory_space<hbm>> -> memref<512x32xf32, #tpu.memory_space<hbm>>
      tpu.wait_dma2 semaphore(%run_scoped3A : memref<!tpu.dma_semaphore, #tpu.memory_space<semaphore_mem>>) src(%dma_wait3A_26 : memref<512x32xf32, #tpu.memory_space<hbm>>) dst(%arg11 : memref<512x32xf32, #tpu.memory_space<vmem>>)
      tpu.yield
    }) : () -> ()
    %scan3A = arith.constant 0 : i32
    %scan3A_9 = arith.constant 0 : i32
    %scan3A_10 = arith.constant 128 : i32
    %scan3A_11 = arith.addi %scan3A_9, %scan3A_10 : i32
    %scan3A_12 = arith.constant 1 : i32
    scf.for %scan3A_19 = %scan3A_9 to %scan3A_11 step %scan3A_12  : i32 {
      %mul3A_20 = arith.constant 4 : i32
      %mul3A_21 = arith.muli %scan3A_19, %mul3A_20 : i32
      %add3A_22 = arith.constant 0 : i32
      %add3A_23 = arith.addi %mul3A_21, %add3A_22 : i32
      %get3A = arith.index_cast %add3A_23 : i32 to index
      %get3A_24 = arith.constant 0 : index
      %get3A_25 = tpu.vector_load %arg10[%get3A, %get3A_24] {strides = array<i32>} : memref<512x32xf32, #tpu.memory_space<vmem>>, vector<1x16xf32>,
      %get3A_26 = vector.shape_cast %get3A_25 : vector<1x16xf32> to vector<16xf32>
      %get3A_27 = arith.index_cast %add3A_23 : i32 to index
      %get3A_28 = arith.constant 0 : index
      %get3A_29 = tpu.vector_load %arg11[%get3A_27, %get3A_28] {strides = array<i32>} : memref<512x32xf32, #tpu.memory_space<vmem>>, vector<1x16xf32>,
      %get3A_30 = vector.shape_cast %get3A_29 : vector<1x16xf32> to vector<16xf32>
      %add3A_31 = arith.addf %get3A_26, %get3A_30 : vector<16xf32>
      %max3A = arith.constant 0.000000e+00 : f32
      %max3A_32 = vector.broadcast %max3A : f32 to vector<16xf32>
      %max3A_33 = arith.maximumf %add3A_31, %max3A_32 : vector<16xf32>
      %swap3A = arith.index_cast %add3A_23 : i32 to index
      %swap3A_34 = arith.constant 0 : index
      %swap3A_35 = tpu.vector_load %arg10[%swap3A, %swap3A_34] {strides = array<i32>} : memref<512x32xf32, #tpu.memory_space<vmem>>, vector<1x16xf32>,
      %swap3A_36 = vector.shape_cast %swap3A_35 : vector<1x16xf32> to vector<16xf32>
      %swap3A_37 = vector.shape_cast %max3A_33 : vector<16xf32> to vector<1x16xf32>
      tpu.vector_store %arg10[%swap3A, %swap3A_34], %swap3A_37 {strides = array<i32>} : memref<512x32xf32, #tpu.memory_space<vmem>>, vector<1x16xf32>,
      %get3A_38 = arith.index_cast %add3A_23 : i32 to index
      %get3A_39 = arith.constant 16 : index
      %get3A_40 = tpu.vector_load %arg10[%get3A_38, %get3A_39] {strides = array<i32>} : memref<512x32xf32, #tpu.memory_space<vmem>>, vector<1x16xf32>,
      %get3A_41 = vector.shape_cast %get3A_40 : vector<1x16xf32> to vector<16xf32>
      %get3A_42 = arith.index_cast %add3A_23 : i32 to index
      %get3A_43 = arith.constant 16 : index
      %get3A_44 = tpu.vector_load %arg11[%get3A_42, %get3A_43] {strides = array<i32>} : memref<512x32xf32, #tpu.memory_space<vmem>>, vector<1x16xf32>,
      %get3A_45 = vector.shape_cast %get3A_44 : vector<1x16xf32> to vector<16xf32>
      %add3A_46 = arith.addf %get3A_41, %get3A_45 : vector<16xf32>
      %max3A_47 = arith.constant 0.000000e+00 : f32
      %max3A_48 = vector.broadcast %max3A_47 : f32 to vector<16xf32>
      %max3A_49 = arith.maximumf %add3A_46, %max3A_48 : vector<16xf32>
      %swap3A_50 = arith.index_cast %add3A_23 : i32 to index
      %swap3A_51 = arith.constant 16 : index
      %swap3A_52 = tpu.vector_load %arg10[%swap3A_50, %swap3A_51] {strides = array<i32>} : memref<512x32xf32, #tpu.memory_space<vmem>>, vector<1x16xf32>,
      %swap3A_53 = vector.shape_cast %swap3A_52 : vector<1x16xf32> to vector<16xf32>
      %swap3A_54 = vector.shape_cast %max3A_49 : vector<16xf32> to vector<1x16xf32>
      tpu.vector_store %arg10[%swap3A_50, %swap3A_51], %swap3A_54 {strides = array<i32>} : memref<512x32xf32, #tpu.memory_space<vmem>>, vector<1x16xf32>,
      %mul3A_55 = arith.constant 4 : i32
      %mul3A_56 = arith.muli %scan3A_19, %mul3A_55 : i32
      %add3A_57 = arith.constant 1 : i32
      %add3A_58 = arith.addi %mul3A_56, %add3A_57 : i32
      %get3A_59 = arith.index_cast %add3A_58 : i32 to index
      %get3A_60 = arith.constant 0 : index
      %get3A_61 = tpu.vector_load %arg10[%get3A_59, %get3A_60] {strides = array<i32>} : memref<512x32xf32, #tpu.memory_space<vmem>>, vector<1x16xf32>,
      %get3A_62 = vector.shape_cast %get3A_61 : vector<1x16xf32> to vector<16xf32>
      %get3A_63 = arith.index_cast %add3A_58 : i32 to index
      %get3A_64 = arith.constant 0 : index
      %get3A_65 = tpu.vector_load %arg11[%get3A_63, %get3A_64] {strides = array<i32>} : memref<512x32xf32, #tpu.memory_space<vmem>>, vector<1x16xf32>,
      %get3A_66 = vector.shape_cast %get3A_65 : vector<1x16xf32> to vector<16xf32>
      %add3A_67 = arith.addf %get3A_62, %get3A_66 : vector<16xf32>
      %max3A_68 = arith.constant 0.000000e+00 : f32
      %max3A_69 = vector.broadcast %max3A_68 : f32 to vector<16xf32>
      %max3A_70 = arith.maximumf %add3A_67, %max3A_69 : vector<16xf32>
      %swap3A_71 = arith.index_cast %add3A_58 : i32 to index
      %swap3A_72 = arith.constant 0 : index
      %swap3A_73 = tpu.vector_load %arg10[%swap3A_71, %swap3A_72] {strides = array<i32>} : memref<512x32xf32, #tpu.memory_space<vmem>>, vector<1x16xf32>,
      %swap3A_74 = vector.shape_cast %swap3A_73 : vector<1x16xf32> to vector<16xf32>
      %swap3A_75 = vector.shape_cast %max3A_70 : vector<16xf32> to vector<1x16xf32>
      tpu.vector_store %arg10[%swap3A_71, %swap3A_72], %swap3A_75 {strides = array<i32>} : memref<512x32xf32, #tpu.memory_space<vmem>>, vector<1x16xf32>,
      %get3A_76 = arith.index_cast %add3A_58 : i32 to index
      %get3A_77 = arith.constant 16 : index
      %get3A_78 = tpu.vector_load %arg10[%get3A_76, %get3A_77] {strides = array<i32>} : memref<512x32xf32, #tpu.memory_space<vmem>>, vector<1x16xf32>,
      %get3A_79 = vector.shape_cast %get3A_78 : vector<1x16xf32> to vector<16xf32>
      %get3A_80 = arith.index_cast %add3A_58 : i32 to index
      %get3A_81 = arith.constant 16 : index
      %get3A_82 = tpu.vector_load %arg11[%get3A_80, %get3A_81] {strides = array<i32>} : memref<512x32xf32, #tpu.memory_space<vmem>>, vector<1x16xf32>,
      %get3A_83 = vector.shape_cast %get3A_82 : vector<1x16xf32> to vector<16xf32>
      %add3A_84 = arith.addf %get3A_79, %get3A_83 : vector<16xf32>
      %max3A_85 = arith.constant 0.000000e+00 : f32
      %max3A_86 = vector.broadcast %max3A_85 : f32 to vector<16xf32>
      %max3A_87 = arith.maximumf %add3A_84, %max3A_86 : vector<16xf32>
      %swap3A_88 = arith.index_cast %add3A_58 : i32 to index
      %swap3A_89 = arith.constant 16 : index
      %swap3A_90 = tpu.vector_load %arg10[%swap3A_88, %swap3A_89] {strides = array<i32>} : memref<512x32xf32, #tpu.memory_space<vmem>>, vector<1x16xf32>,
      %swap3A_91 = vector.shape_cast %swap3A_90 : vector<1x16xf32> to vector<16xf32>
      %swap3A_92 = vector.shape_cast %max3A_87 : vector<16xf32> to vector<1x16xf32>
      tpu.vector_store %arg10[%swap3A_88, %swap3A_89], %swap3A_92 {strides = array<i32>} : memref<512x32xf32, #tpu.memory_space<vmem>>, vector<1x16xf32>,
      %mul3A_93 = arith.constant 4 : i32
      %mul3A_94 = arith.muli %scan3A_19, %mul3A_93 : i32
      %add3A_95 = arith.constant 2 : i32
      %add3A_96 = arith.addi %mul3A_94, %add3A_95 : i32
      %get3A_97 = arith.index_cast %add3A_96 : i32 to index
      %get3A_98 = arith.constant 0 : index
      %get3A_99 = tpu.vector_load %arg10[%get3A_97, %get3A_98] {strides = array<i32>} : memref<512x32xf32, #tpu.memory_space<vmem>>, vector<1x16xf32>,
      %get3A_100 = vector.shape_cast %get3A_99 : vector<1x16xf32> to vector<16xf32>
      %get3A_101 = arith.index_cast %add3A_96 : i32 to index
      %get3A_102 = arith.constant 0 : index
      %get3A_103 = tpu.vector_load %arg11[%get3A_101, %get3A_102] {strides = array<i32>} : memref<512x32xf32, #tpu.memory_space<vmem>>, vector<1x16xf32>,
      %get3A_104 = vector.shape_cast %get3A_103 : vector<1x16xf32> to vector<16xf32>
      %add3A_105 = arith.addf %get3A_100, %get3A_104 : vector<16xf32>
      %max3A_106 = arith.constant 0.000000e+00 : f32
      %max3A_107 = vector.broadcast %max3A_106 : f32 to vector<16xf32>
      %max3A_108 = arith.maximumf %add3A_105, %max3A_107 : vector<16xf32>
      %swap3A_109 = arith.index_cast %add3A_96 : i32 to index
      %swap3A_110 = arith.constant 0 : index
      %swap3A_111 = tpu.vector_load %arg10[%swap3A_109, %swap3A_110] {strides = array<i32>} : memref<512x32xf32, #tpu.memory_space<vmem>>, vector<1x16xf32>,
      %swap3A_112 = vector.shape_cast %swap3A_111 : vector<1x16xf32> to vector<16xf32>
      %swap3A_113 = vector.shape_cast %max3A_108 : vector<16xf32> to vector<1x16xf32>
      tpu.vector_store %arg10[%swap3A_109, %swap3A_110], %swap3A_113 {strides = array<i32>} : memref<512x32xf32, #tpu.memory_space<vmem>>, vector<1x16xf32>,
      %get3A_114 = arith.index_cast %add3A_96 : i32 to index
      %get3A_115 = arith.constant 16 : index
      %get3A_116 = tpu.vector_load %arg10[%get3A_114, %get3A_115] {strides = array<i32>} : memref<512x32xf32, #tpu.memory_space<vmem>>, vector<1x16xf32>,
      %get3A_117 = vector.shape_cast %get3A_116 : vector<1x16xf32> to vector<16xf32>
      %get3A_118 = arith.index_cast %add3A_96 : i32 to index
      %get3A_119 = arith.constant 16 : index
      %get3A_120 = tpu.vector_load %arg11[%get3A_118, %get3A_119] {strides = array<i32>} : memref<512x32xf32, #tpu.memory_space<vmem>>, vector<1x16xf32>,
      %get3A_121 = vector.shape_cast %get3A_120 : vector<1x16xf32> to vector<16xf32>
      %add3A_122 = arith.addf %get3A_117, %get3A_121 : vector<16xf32>
      %max3A_123 = arith.constant 0.000000e+00 : f32
      %max3A_124 = vector.broadcast %max3A_123 : f32 to vector<16xf32>
      %max3A_125 = arith.maximumf %add3A_122, %max3A_124 : vector<16xf32>
      %swap3A_126 = arith.index_cast %add3A_96 : i32 to index
      %swap3A_127 = arith.constant 16 : index
      %swap3A_128 = tpu.vector_load %arg10[%swap3A_126, %swap3A_127] {strides = array<i32>} : memref<512x32xf32, #tpu.memory_space<vmem>>, vector<1x16xf32>,
      %swap3A_129 = vector.shape_cast %swap3A_128 : vector<1x16xf32> to vector<16xf32>
      %swap3A_130 = vector.shape_cast %max3A_125 : vector<16xf32> to vector<1x16xf32>
      tpu.vector_store %arg10[%swap3A_126, %swap3A_127], %swap3A_130 {strides = array<i32>} : memref<512x32xf32, #tpu.memory_space<vmem>>, vector<1x16xf32>,
      %mul3A_131 = arith.constant 4 : i32
      %mul3A_132 = arith.muli %scan3A_19, %mul3A_131 : i32
      %add3A_133 = arith.constant 3 : i32
      %add3A_134 = arith.addi %mul3A_132, %add3A_133 : i32
      %get3A_135 = arith.index_cast %add3A_134 : i32 to index
      %get3A_136 = arith.constant 0 : index
      %get3A_137 = tpu.vector_load %arg10[%get3A_135, %get3A_136] {strides = array<i32>} : memref<512x32xf32, #tpu.memory_space<vmem>>, vector<1x16xf32>,
      %get3A_138 = vector.shape_cast %get3A_137 : vector<1x16xf32> to vector<16xf32>
      %get3A_139 = arith.index_cast %add3A_134 : i32 to index
      %get3A_140 = arith.constant 0 : index
      %get3A_141 = tpu.vector_load %arg11[%get3A_139, %get3A_140] {strides = array<i32>} : memref<512x32xf32, #tpu.memory_space<vmem>>, vector<1x16xf32>,
      %get3A_142 = vector.shape_cast %get3A_141 : vector<1x16xf32> to vector<16xf32>
      %add3A_143 = arith.addf %get3A_138, %get3A_142 : vector<16xf32>
      %max3A_144 = arith.constant 0.000000e+00 : f32
      %max3A_145 = vector.broadcast %max3A_144 : f32 to vector<16xf32>
      %max3A_146 = arith.maximumf %add3A_143, %max3A_145 : vector<16xf32>
      %swap3A_147 = arith.index_cast %add3A_134 : i32 to index
      %swap3A_148 = arith.constant 0 : index
      %swap3A_149 = tpu.vector_load %arg10[%swap3A_147, %swap3A_148] {strides = array<i32>} : memref<512x32xf32, #tpu.memory_space<vmem>>, vector<1x16xf32>,
      %swap3A_150 = vector.shape_cast %swap3A_149 : vector<1x16xf32> to vector<16xf32>
      %swap3A_151 = vector.shape_cast %max3A_146 : vector<16xf32> to vector<1x16xf32>
      tpu.vector_store %arg10[%swap3A_147, %swap3A_148], %swap3A_151 {strides = array<i32>} : memref<512x32xf32, #tpu.memory_space<vmem>>, vector<1x16xf32>,
      %get3A_152 = arith.index_cast %add3A_134 : i32 to index
      %get3A_153 = arith.constant 16 : index
      %get3A_154 = tpu.vector_load %arg10[%get3A_152, %get3A_153] {strides = array<i32>} : memref<512x32xf32, #tpu.memory_space<vmem>>, vector<1x16xf32>,
      %get3A_155 = vector.shape_cast %get3A_154 : vector<1x16xf32> to vector<16xf32>
      %get3A_156 = arith.index_cast %add3A_134 : i32 to index
      %get3A_157 = arith.constant 16 : index
      %get3A_158 = tpu.vector_load %arg11[%get3A_156, %get3A_157] {strides = array<i32>} : memref<512x32xf32, #tpu.memory_space<vmem>>, vector<1x16xf32>,
      %get3A_159 = vector.shape_cast %get3A_158 : vector<1x16xf32> to vector<16xf32>
      %add3A_160 = arith.addf %get3A_155, %get3A_159 : vector<16xf32>
      %max3A_161 = arith.constant 0.000000e+00 : f32
      %max3A_162 = vector.broadcast %max3A_161 : f32 to vector<16xf32>
      %max3A_163 = arith.maximumf %add3A_160, %max3A_162 : vector<16xf32>
      %swap3A_164 = arith.index_cast %add3A_134 : i32 to index
      %swap3A_165 = arith.constant 16 : index
      %swap3A_166 = tpu.vector_load %arg10[%swap3A_164, %swap3A_165] {strides = array<i32>} : memref<512x32xf32, #tpu.memory_space<vmem>>, vector<1x16xf32>,
      %swap3A_167 = vector.shape_cast %swap3A_166 : vector<1x16xf32> to vector<16xf32>
      %swap3A_168 = vector.shape_cast %max3A_163 : vector<16xf32> to vector<1x16xf32>
      tpu.vector_store %arg10[%swap3A_164, %swap3A_165], %swap3A_168 {strides = array<i32>} : memref<512x32xf32, #tpu.memory_space<vmem>>, vector<1x16xf32>,
    }
    %scan3A_13 = arith.constant 128 : i32
    "tpu.region"() ({
      %run_scoped3A = tpu.sem_alloc : memref<!tpu.dma_semaphore, #tpu.memory_space<semaphore_mem>>
      %dma_start3A_19 = arith.constant 0 : i32
      %dma_start3A_20 = arith.constant 0 : i32
      %dma_start3A_21 = tpu.memref_slice %arg12[%dma_start3A_19, %dma_start3A_20] : memref<4096x32xf32, #tpu.memory_space<vmem_shared>> -> memref<4096x32xf32, #tpu.memory_space<vmem_shared>>
      tpu.enqueue_indirect_dma source(%arg10 : memref<512x32xf32, #tpu.memory_space<vmem>>) target(%dma_start3A_21 : memref<4096x32xf32, #tpu.memory_space<vmem_shared>>) offsets(%arg9 : memref<512xi32, #tpu.memory_space<vmem>>) semaphore(%run_scoped3A : memref<!tpu.dma_semaphore, #tpu.memory_space<semaphore_mem>>) {add = true}
      %dma_wait3A_22 = arith.constant 0 : i32
      %dma_wait3A_23 = arith.constant 0 : i32
      %dma_wait3A_24 = tpu.memref_slice %arg12[%dma_wait3A_22, %dma_wait3A_23] : memref<4096x32xf32, #tpu.memory_space<vmem_shared>> -> memref<4096x32xf32, #tpu.memory_space<vmem_shared>>
      tpu.wait_indirect_dma semaphore(%run_scoped3A : memref<!tpu.dma_semaphore, #tpu.memory_space<semaphore_mem>>) src(%arg10 : memref<512x32xf32, #tpu.memory_space<vmem>>) dst(%dma_wait3A_24 : memref<4096x32xf32, #tpu.memory_space<vmem_shared>>)
      tpu.yield
    }) : () -> ()
    %barrier3A_14 = arith.constant 0 : index
    tpu.barrier barrier_id(%barrier3A_14)
    %mul3A_15 = arith.constant 256 : i32
    %mul3A_16 = arith.muli %arg1, %mul3A_15 : i32
    %mul3A_17 = arith.constant 256 : i32
    %mul3A_18 = arith.muli %arg1, %mul3A_17 : i32
    "tpu.region"() ({
      %run_scoped3A = tpu.sem_alloc : memref<!tpu.dma_semaphore, #tpu.memory_space<semaphore_mem>>
      %dma_start3A_19 = arith.constant 0 : i32
      %dma_start3A_20 = tpu.memref_slice %arg7[%arg0, %mul3A_18, %dma_start3A_19] : memref<2x4096x32xf32, #tpu.memory_space<hbm>> -> memref<1x256x32xf32, #tpu.memory_space<hbm>>
      %dma_start3A_21 = tpu.memref_squeeze %dma_start3A_20 : memref<1x256x32xf32, #tpu.memory_space<hbm>> -> memref<256x32xf32, #tpu.memory_space<hbm>>
      %dma_start3A_22 = arith.constant 0 : i32
      %dma_start3A_23 = tpu.memref_slice %arg12[%mul3A_16, %dma_start3A_22] : memref<4096x32xf32, #tpu.memory_space<vmem_shared>> -> memref<256x32xf32, #tpu.memory_space<vmem_shared>>
      tpu.enqueue_dma source(%dma_start3A_23 : memref<256x32xf32, #tpu.memory_space<vmem_shared>>) target(%dma_start3A_21 : memref<256x32xf32, #tpu.memory_space<hbm>>) target_semaphore(%run_scoped3A : memref<!tpu.dma_semaphore, #tpu.memory_space<semaphore_mem>>)
      %dma_wait3A_24 = arith.constant 0 : i32
      %dma_wait3A_25 = tpu.memref_slice %arg7[%arg0, %mul3A_18, %dma_wait3A_24] : memref<2x4096x32xf32, #tpu.memory_space<hbm>> -> memref<1x256x32xf32, #tpu.memory_space<hbm>>
      %dma_wait3A_26 = tpu.memref_squeeze %dma_wait3A_25 : memref<1x256x32xf32, #tpu.memory_space<hbm>> -> memref<256x32xf32, #tpu.memory_space<hbm>>
      %dma_wait3A_27 = arith.constant 0 : i32
      %dma_wait3A_28 = tpu.memref_slice %arg12[%mul3A_16, %dma_wait3A_27] : memref<4096x32xf32, #tpu.memory_space<vmem_shared>> -> memref<256x32xf32, #tpu.memory_space<vmem_shared>>
      tpu.wait_dma2 semaphore(%run_scoped3A : memref<!tpu.dma_semaphore, #tpu.memory_space<semaphore_mem>>) src(%dma_wait3A_28 : memref<256x32xf32, #tpu.memory_space<vmem_shared>>) dst(%dma_wait3A_26 : memref<256x32xf32, #tpu.memory_space<hbm>>)
      tpu.yield
    }) : () -> ()
    return
  }
}

module attributes {stable_mosaic.version = 14 : i64} {
  func.func @_embed_body(%arg0: i32, %arg1: memref<512x1xi32, #tpu.memory_space<vmem>>, %arg2: memref<128x32xf32, #tpu.memory_space<vmem>>, %arg3: memref<1x1x2048xf32, #tpu.memory_space<vmem>>, %arg4: memref<1x1x2048xf32, #tpu.memory_space<vmem>>, %arg5: memref<4x32xf32, #tpu.memory_space<vmem>>, %arg6: memref<1x32xf32, #tpu.memory_space<vmem>>, %arg7: memref<512x32xf32, #tpu.memory_space<vmem>>, %arg8: memref<2048x32xf32, #tpu.memory_space<vmem>>) attributes {dimension_semantics = [#tpu.dimension_semantics<arbitrary>], iteration_bounds = array<i64: 8>, scalar_prefetch = 0 : i64, scratch_operands = 0 : i64, tpu.core_type = #tpu.core_type<tc>, window_params = [{transform_indices = @transform_0, window_bounds = array<i64: 512, 1>}, {pipeline_mode = #tpu.pipeline_mode<synchronous>, transform_indices = @transform_1, window_bounds = array<i64: 128, 32>}, {transform_indices = @transform_2, window_bounds = array<i64: 1, 1, 2048>}, {transform_indices = @transform_3, window_bounds = array<i64: 1, 1, 2048>}, {pipeline_mode = #tpu.pipeline_mode<synchronous>, transform_indices = @transform_4, window_bounds = array<i64: 4, 32>}, {pipeline_mode = #tpu.pipeline_mode<synchronous>, transform_indices = @transform_5, window_bounds = array<i64: 1, 32>}, {transform_indices = @transform_6, window_bounds = array<i64: 512, 32>}, {transform_indices = @transform_7, window_bounds = array<i64: 2048, 32>}]} {
    %get3A = arith.constant 0 : index
    %get3A_0 = arith.constant 0 : index
    %get3A_1 = vector.load %arg1[%get3A, %get3A_0] : memref<512x1xi32, #tpu.memory_space<vmem>>, vector<512x1xi32>
    %iota3A = tpu.iota {dimensions = array<i32: 1>} : vector<512x128xi32>
    %eq3A = vector.broadcast %get3A_1 : vector<512x1xi32> to vector<512x128xi32>
    %eq3A_2 = arith.cmpi eq, %eq3A, %iota3A : vector<512x128xi32>
    %convert_element_type3A = arith.extui %eq3A_2 : vector<512x128xi1> to vector<512x128xi32>
    %convert_element_type3A_3 = arith.sitofp %convert_element_type3A : vector<512x128xi32> to vector<512x128xf32>
    %get3A_4 = arith.constant 0 : index
    %get3A_5 = arith.constant 0 : index
    %get3A_6 = vector.load %arg2[%get3A_4, %get3A_5] : memref<128x32xf32, #tpu.memory_space<vmem>>, vector<128x32xf32>
    %dot_general3A = arith.constant dense<0.000000e+00> : vector<512x32xf32>
    %dot_general3A_7 = tpu.matmul %convert_element_type3A_3, %get3A_6, %dot_general3A {dimension_numbers = #tpu.dot_dimension_numbers<[1], [0], [0], [1], [0, 0, 1, 1], [], []>, transpose_lhs_hint = false} : vector<512x128xf32>, vector<128x32xf32>, vector<512x32xf32> -> vector<512x32xf32>
    %swap3A = arith.constant 0 : index
    %swap3A_8 = arith.constant 0 : index
    %swap3A_9 = vector.load %arg7[%swap3A, %swap3A_8] : memref<512x32xf32, #tpu.memory_space<vmem>>, vector<512x32xf32>
    tpu.vector_store %arg7[%swap3A, %swap3A_8], %dot_general3A_7 {strides = array<i32>} : memref<512x32xf32, #tpu.memory_space<vmem>>, vector<512x32xf32>,
    %get3A_10 = arith.constant 0 : index
    %get3A_11 = arith.constant 0 : index
    %get3A_12 = arith.constant 0 : index
    %get3A_13 = vector.load %arg3[%get3A_10, %get3A_11, %get3A_12] : memref<1x1x2048xf32, #tpu.memory_space<vmem>>, vector<1x1x2048xf32>
    %get3A_14 = vector.shape_cast %get3A_13 : vector<1x1x2048xf32> to vector<1x2048xf32>
    %get3A_15 = arith.constant 0 : index
    %get3A_16 = arith.constant 0 : index
    %get3A_17 = arith.constant 0 : index
    %get3A_18 = vector.load %arg4[%get3A_15, %get3A_16, %get3A_17] : memref<1x1x2048xf32, #tpu.memory_space<vmem>>, vector<1x1x2048xf32>
    %get3A_19 = vector.shape_cast %get3A_18 : vector<1x1x2048xf32> to vector<1x2048xf32>
    %abs3A = math.absf %get3A_14 : vector<1x2048xf32>
    %sqrt3A = math.sqrt %abs3A : vector<1x2048xf32>
    %mul3A = arith.mulf %get3A_14, %get3A_14 : vector<1x2048xf32>
    %concatenate3A = tpu.concatenate %get3A_19, %get3A_14, %sqrt3A, %mul3A in 0 : vector<1x2048xf32>, vector<1x2048xf32>, vector<1x2048xf32>, vector<1x2048xf32> -> vector<4x2048xf32>
    %get3A_20 = arith.constant 0 : index
    %get3A_21 = arith.constant 0 : index
    %get3A_22 = vector.load %arg5[%get3A_20, %get3A_21] : memref<4x32xf32, #tpu.memory_space<vmem>>, vector<4x32xf32>
    %dot_general3A_23 = arith.constant dense<0.000000e+00> : vector<2048x32xf32>
    %dot_general3A_24 = tpu.matmul %concatenate3A, %get3A_22, %dot_general3A_23 {dimension_numbers = #tpu.dot_dimension_numbers<[0], [0], [1], [1], [0, 1, 1, 1], [], []>, transpose_lhs_hint = false} : vector<4x2048xf32>, vector<4x32xf32>, vector<2048x32xf32> -> vector<2048x32xf32>
    %get3A_25 = arith.constant 0 : index
    %get3A_26 = arith.constant 0 : index
    %get3A_27 = vector.load %arg6[%get3A_25, %get3A_26] : memref<1x32xf32, #tpu.memory_space<vmem>>, vector<1x32xf32>
    %add3A = vector.broadcast %get3A_27 : vector<1x32xf32> to vector<2048x32xf32>
    %add3A_28 = arith.addf %dot_general3A_24, %add3A : vector<2048x32xf32>
    %swap3A_29 = arith.constant 0 : index
    %swap3A_30 = arith.constant 0 : index
    %swap3A_31 = vector.load %arg8[%swap3A_29, %swap3A_30] : memref<2048x32xf32, #tpu.memory_space<vmem>>, vector<2048x32xf32>
    tpu.vector_store %arg8[%swap3A_29, %swap3A_30], %add3A_28 {strides = array<i32>} : memref<2048x32xf32, #tpu.memory_space<vmem>>, vector<2048x32xf32>,
    return
  }
  func.func @transform_0(%arg0: i32) -> (i32, i32) {
    %c0_i32 = arith.constant 0 : i32
    %c0_i32_0 = arith.constant 0 : i32
    return %arg0, %c0_i32 : i32, i32
  }
  func.func @transform_1(%arg0: i32) -> (i32, i32) {
    %c0_i32 = arith.constant 0 : i32
    %c0_i32_0 = arith.constant 0 : i32
    %c0_i32_1 = arith.constant 0 : i32
    return %c0_i32, %c0_i32_0 : i32, i32
  }
  func.func @transform_2(%arg0: i32) -> (i32, i32, i32) {
    %c0_i32 = arith.constant 0 : i32
    %c0_i32_0 = arith.constant 0 : i32
    %c0_i32_1 = arith.constant 0 : i32
    return %arg0, %c0_i32, %c0_i32_0 : i32, i32, i32
  }
  func.func @transform_3(%arg0: i32) -> (i32, i32, i32) {
    %add3A = arith.constant 8 : i32
    %add3A_0 = arith.addi %add3A, %arg0 : i32
    %c0_i32 = arith.constant 0 : i32
    %c0_i32_1 = arith.constant 0 : i32
    %c0_i32_2 = arith.constant 0 : i32
    return %add3A_0, %c0_i32, %c0_i32_1 : i32, i32, i32
  }
  func.func @transform_4(%arg0: i32) -> (i32, i32) {
    %c0_i32 = arith.constant 0 : i32
    %c0_i32_0 = arith.constant 0 : i32
    %c0_i32_1 = arith.constant 0 : i32
    return %c0_i32, %c0_i32_0 : i32, i32
  }
  func.func @transform_5(%arg0: i32) -> (i32, i32) {
    %c0_i32 = arith.constant 0 : i32
    %c0_i32_0 = arith.constant 0 : i32
    %c0_i32_1 = arith.constant 0 : i32
    return %c0_i32, %c0_i32_0 : i32, i32
  }
  func.func @transform_6(%arg0: i32) -> (i32, i32) {
    %c0_i32 = arith.constant 0 : i32
    %c0_i32_0 = arith.constant 0 : i32
    return %arg0, %c0_i32 : i32, i32
  }
  func.func @transform_7(%arg0: i32) -> (i32, i32) {
    %c0_i32 = arith.constant 0 : i32
    %c0_i32_0 = arith.constant 0 : i32
    return %arg0, %c0_i32 : i32, i32
  }
}

module attributes {stable_mosaic.version = 14 : i64} {
  func.func @_mlp_body(%arg0: i32, %arg1: memref<2x512x32xf32, #tpu.memory_space<vmem>>, %arg2: memref<512x32xf32, #tpu.memory_space<vmem>>, %arg3: memref<32x32xf32, #tpu.memory_space<vmem>>, %arg4: memref<32x32xf32, #tpu.memory_space<vmem>>, %arg5: memref<1x32xf32, #tpu.memory_space<vmem>>, %arg6: memref<32x32xf32, #tpu.memory_space<vmem>>, %arg7: memref<1x32xf32, #tpu.memory_space<vmem>>, %arg8: memref<512x32xf32, #tpu.memory_space<vmem>>) attributes {dimension_semantics = [#tpu.dimension_semantics<arbitrary>], iteration_bounds = array<i64: 8>, scalar_prefetch = 0 : i64, scratch_operands = 0 : i64, tpu.core_type = #tpu.core_type<tc>, window_params = [{transform_indices = @transform_0, window_bounds = array<i64: 2, 512, 32>}, {transform_indices = @transform_1, window_bounds = array<i64: 512, 32>}, {pipeline_mode = #tpu.pipeline_mode<synchronous>, transform_indices = @transform_2, window_bounds = array<i64: 32, 32>}, {pipeline_mode = #tpu.pipeline_mode<synchronous>, transform_indices = @transform_3, window_bounds = array<i64: 32, 32>}, {pipeline_mode = #tpu.pipeline_mode<synchronous>, transform_indices = @transform_4, window_bounds = array<i64: 1, 32>}, {pipeline_mode = #tpu.pipeline_mode<synchronous>, transform_indices = @transform_5, window_bounds = array<i64: 32, 32>}, {pipeline_mode = #tpu.pipeline_mode<synchronous>, transform_indices = @transform_6, window_bounds = array<i64: 1, 32>}, {transform_indices = @transform_7, window_bounds = array<i64: 512, 32>}]} {
    %get3A = arith.constant 0 : index
    %get3A_0 = arith.constant 0 : index
    %get3A_1 = arith.constant 0 : index
    %get3A_2 = vector.load %arg1[%get3A, %get3A_0, %get3A_1] : memref<2x512x32xf32, #tpu.memory_space<vmem>>, vector<1x512x32xf32>
    %get3A_3 = vector.shape_cast %get3A_2 : vector<1x512x32xf32> to vector<512x32xf32>
    %get3A_4 = arith.constant 1 : index
    %get3A_5 = arith.constant 0 : index
    %get3A_6 = arith.constant 0 : index
    %get3A_7 = vector.load %arg1[%get3A_4, %get3A_5, %get3A_6] : memref<2x512x32xf32, #tpu.memory_space<vmem>>, vector<1x512x32xf32>
    %get3A_8 = vector.shape_cast %get3A_7 : vector<1x512x32xf32> to vector<512x32xf32>
    %add3A = arith.addf %get3A_3, %get3A_8 : vector<512x32xf32>
    %get3A_9 = arith.constant 0 : index
    %get3A_10 = arith.constant 0 : index
    %get3A_11 = vector.load %arg3[%get3A_9, %get3A_10] : memref<32x32xf32, #tpu.memory_space<vmem>>, vector<32x32xf32>
    %dot_general3A = arith.constant dense<0.000000e+00> : vector<512x32xf32>
    %dot_general3A_12 = tpu.matmul %add3A, %get3A_11, %dot_general3A {dimension_numbers = #tpu.dot_dimension_numbers<[1], [0], [0], [1], [0, 0, 1, 1], [], []>, transpose_lhs_hint = false} : vector<512x32xf32>, vector<32x32xf32>, vector<512x32xf32> -> vector<512x32xf32>
    %get3A_13 = arith.constant 0 : index
    %get3A_14 = arith.constant 0 : index
    %get3A_15 = vector.load %arg2[%get3A_13, %get3A_14] : memref<512x32xf32, #tpu.memory_space<vmem>>, vector<512x32xf32>
    %get3A_16 = arith.constant 0 : index
    %get3A_17 = arith.constant 0 : index
    %get3A_18 = vector.load %arg4[%get3A_16, %get3A_17] : memref<32x32xf32, #tpu.memory_space<vmem>>, vector<32x32xf32>
    %dot_general3A_19 = arith.constant dense<0.000000e+00> : vector<512x32xf32>
    %dot_general3A_20 = tpu.matmul %get3A_15, %get3A_18, %dot_general3A_19 {dimension_numbers = #tpu.dot_dimension_numbers<[1], [0], [0], [1], [0, 0, 1, 1], [], []>, transpose_lhs_hint = false} : vector<512x32xf32>, vector<32x32xf32>, vector<512x32xf32> -> vector<512x32xf32>
    %add3A_21 = arith.addf %dot_general3A_12, %dot_general3A_20 : vector<512x32xf32>
    %get3A_22 = arith.constant 0 : index
    %get3A_23 = arith.constant 0 : index
    %get3A_24 = vector.load %arg5[%get3A_22, %get3A_23] : memref<1x32xf32, #tpu.memory_space<vmem>>, vector<1x32xf32>
    %add3A_25 = vector.broadcast %get3A_24 : vector<1x32xf32> to vector<512x32xf32>
    %add3A_26 = arith.addf %add3A_21, %add3A_25 : vector<512x32xf32>
    %ge3A = arith.constant 0.000000e+00 : f32
    %ge3A_27 = vector.broadcast %ge3A : f32 to vector<512x32xf32>
    %ge3A_28 = arith.cmpf oge, %add3A_26, %ge3A_27 : vector<512x32xf32>
    %mul3A = arith.constant 0.00999999977 : f32
    %mul3A_29 = vector.broadcast %mul3A : f32 to vector<512x32xf32>
    %mul3A_30 = arith.mulf %mul3A_29, %add3A_26 : vector<512x32xf32>
    %select_n3A = arith.select %ge3A_28, %add3A_26, %mul3A_30 : vector<512x32xi1>, vector<512x32xf32>
    %get3A_31 = arith.constant 0 : index
    %get3A_32 = arith.constant 0 : index
    %get3A_33 = vector.load %arg6[%get3A_31, %get3A_32] : memref<32x32xf32, #tpu.memory_space<vmem>>, vector<32x32xf32>
    %dot_general3A_34 = arith.constant dense<0.000000e+00> : vector<512x32xf32>
    %dot_general3A_35 = tpu.matmul %select_n3A, %get3A_33, %dot_general3A_34 {dimension_numbers = #tpu.dot_dimension_numbers<[1], [0], [0], [1], [0, 0, 1, 1], [], []>, transpose_lhs_hint = false} : vector<512x32xf32>, vector<32x32xf32>, vector<512x32xf32> -> vector<512x32xf32>
    %get3A_36 = arith.constant 0 : index
    %get3A_37 = arith.constant 0 : index
    %get3A_38 = vector.load %arg7[%get3A_36, %get3A_37] : memref<1x32xf32, #tpu.memory_space<vmem>>, vector<1x32xf32>
    %add3A_39 = vector.broadcast %get3A_38 : vector<1x32xf32> to vector<512x32xf32>
    %add3A_40 = arith.addf %dot_general3A_35, %add3A_39 : vector<512x32xf32>
    %swap3A = arith.constant 0 : index
    %swap3A_41 = arith.constant 0 : index
    %swap3A_42 = vector.load %arg8[%swap3A, %swap3A_41] : memref<512x32xf32, #tpu.memory_space<vmem>>, vector<512x32xf32>
    tpu.vector_store %arg8[%swap3A, %swap3A_41], %add3A_40 {strides = array<i32>} : memref<512x32xf32, #tpu.memory_space<vmem>>, vector<512x32xf32>,
    return
  }
  func.func @transform_0(%arg0: i32) -> (i32, i32, i32) {
    %c0_i32 = arith.constant 0 : i32
    %c0_i32_0 = arith.constant 0 : i32
    %c0_i32_1 = arith.constant 0 : i32
    return %c0_i32, %arg0, %c0_i32_0 : i32, i32, i32
  }
  func.func @transform_1(%arg0: i32) -> (i32, i32) {
    %c0_i32 = arith.constant 0 : i32
    %c0_i32_0 = arith.constant 0 : i32
    return %arg0, %c0_i32 : i32, i32
  }
  func.func @transform_2(%arg0: i32) -> (i32, i32) {
    %c0_i32 = arith.constant 0 : i32
    %c0_i32_0 = arith.constant 0 : i32
    %c0_i32_1 = arith.constant 0 : i32
    return %c0_i32, %c0_i32_0 : i32, i32
  }
  func.func @transform_3(%arg0: i32) -> (i32, i32) {
    %c0_i32 = arith.constant 0 : i32
    %c0_i32_0 = arith.constant 0 : i32
    %c0_i32_1 = arith.constant 0 : i32
    return %c0_i32, %c0_i32_0 : i32, i32
  }
  func.func @transform_4(%arg0: i32) -> (i32, i32) {
    %c0_i32 = arith.constant 0 : i32
    %c0_i32_0 = arith.constant 0 : i32
    %c0_i32_1 = arith.constant 0 : i32
    return %c0_i32, %c0_i32_0 : i32, i32
  }
  func.func @transform_5(%arg0: i32) -> (i32, i32) {
    %c0_i32 = arith.constant 0 : i32
    %c0_i32_0 = arith.constant 0 : i32
    %c0_i32_1 = arith.constant 0 : i32
    return %c0_i32, %c0_i32_0 : i32, i32
  }
  func.func @transform_6(%arg0: i32) -> (i32, i32) {
    %c0_i32 = arith.constant 0 : i32
    %c0_i32_0 = arith.constant 0 : i32
    %c0_i32_1 = arith.constant 0 : i32
    return %c0_i32, %c0_i32_0 : i32, i32
  }
  func.func @transform_7(%arg0: i32) -> (i32, i32) {
    %c0_i32 = arith.constant 0 : i32
    %c0_i32_0 = arith.constant 0 : i32
    return %arg0, %c0_i32 : i32, i32
  }
}

module attributes {stable_mosaic.version = 14 : i64} {
  func.func @_mlp3_body(%arg0: i32, %arg1: memref<2x512x32xf32, #tpu.memory_space<vmem>>, %arg2: memref<512x32xf32, #tpu.memory_space<vmem>>, %arg3: memref<32x32xf32, #tpu.memory_space<vmem>>, %arg4: memref<32x32xf32, #tpu.memory_space<vmem>>, %arg5: memref<1x32xf32, #tpu.memory_space<vmem>>, %arg6: memref<32x32xf32, #tpu.memory_space<vmem>>, %arg7: memref<1x32xf32, #tpu.memory_space<vmem>>, %arg8: memref<32x32xf32, #tpu.memory_space<vmem>>, %arg9: memref<32x32xf32, #tpu.memory_space<vmem>>, %arg10: memref<512x32xf32, #tpu.memory_space<vmem>>, %arg11: memref<512x32xf32, #tpu.memory_space<vmem>>) attributes {dimension_semantics = [#tpu.dimension_semantics<arbitrary>], iteration_bounds = array<i64: 8>, scalar_prefetch = 0 : i64, scratch_operands = 0 : i64, tpu.core_type = #tpu.core_type<tc>, window_params = [{transform_indices = @transform_0, window_bounds = array<i64: 2, 512, 32>}, {transform_indices = @transform_1, window_bounds = array<i64: 512, 32>}, {pipeline_mode = #tpu.pipeline_mode<synchronous>, transform_indices = @transform_2, window_bounds = array<i64: 32, 32>}, {pipeline_mode = #tpu.pipeline_mode<synchronous>, transform_indices = @transform_3, window_bounds = array<i64: 32, 32>}, {pipeline_mode = #tpu.pipeline_mode<synchronous>, transform_indices = @transform_4, window_bounds = array<i64: 1, 32>}, {pipeline_mode = #tpu.pipeline_mode<synchronous>, transform_indices = @transform_5, window_bounds = array<i64: 32, 32>}, {pipeline_mode = #tpu.pipeline_mode<synchronous>, transform_indices = @transform_6, window_bounds = array<i64: 1, 32>}, {pipeline_mode = #tpu.pipeline_mode<synchronous>, transform_indices = @transform_7, window_bounds = array<i64: 32, 32>}, {pipeline_mode = #tpu.pipeline_mode<synchronous>, transform_indices = @transform_8, window_bounds = array<i64: 32, 32>}, {transform_indices = @transform_9, window_bounds = array<i64: 512, 32>}, {transform_indices = @transform_10, window_bounds = array<i64: 512, 32>}]} {
    %get3A = arith.constant 0 : index
    %get3A_0 = arith.constant 0 : index
    %get3A_1 = arith.constant 0 : index
    %get3A_2 = vector.load %arg1[%get3A, %get3A_0, %get3A_1] : memref<2x512x32xf32, #tpu.memory_space<vmem>>, vector<1x512x32xf32>
    %get3A_3 = vector.shape_cast %get3A_2 : vector<1x512x32xf32> to vector<512x32xf32>
    %get3A_4 = arith.constant 1 : index
    %get3A_5 = arith.constant 0 : index
    %get3A_6 = arith.constant 0 : index
    %get3A_7 = vector.load %arg1[%get3A_4, %get3A_5, %get3A_6] : memref<2x512x32xf32, #tpu.memory_space<vmem>>, vector<1x512x32xf32>
    %get3A_8 = vector.shape_cast %get3A_7 : vector<1x512x32xf32> to vector<512x32xf32>
    %add3A = arith.addf %get3A_3, %get3A_8 : vector<512x32xf32>
    %get3A_9 = arith.constant 0 : index
    %get3A_10 = arith.constant 0 : index
    %get3A_11 = vector.load %arg3[%get3A_9, %get3A_10] : memref<32x32xf32, #tpu.memory_space<vmem>>, vector<32x32xf32>
    %dot_general3A = arith.constant dense<0.000000e+00> : vector<512x32xf32>
    %dot_general3A_12 = tpu.matmul %add3A, %get3A_11, %dot_general3A {dimension_numbers = #tpu.dot_dimension_numbers<[1], [0], [0], [1], [0, 0, 1, 1], [], []>, transpose_lhs_hint = false} : vector<512x32xf32>, vector<32x32xf32>, vector<512x32xf32> -> vector<512x32xf32>
    %get3A_13 = arith.constant 0 : index
    %get3A_14 = arith.constant 0 : index
    %get3A_15 = vector.load %arg2[%get3A_13, %get3A_14] : memref<512x32xf32, #tpu.memory_space<vmem>>, vector<512x32xf32>
    %get3A_16 = arith.constant 0 : index
    %get3A_17 = arith.constant 0 : index
    %get3A_18 = vector.load %arg4[%get3A_16, %get3A_17] : memref<32x32xf32, #tpu.memory_space<vmem>>, vector<32x32xf32>
    %dot_general3A_19 = arith.constant dense<0.000000e+00> : vector<512x32xf32>
    %dot_general3A_20 = tpu.matmul %get3A_15, %get3A_18, %dot_general3A_19 {dimension_numbers = #tpu.dot_dimension_numbers<[1], [0], [0], [1], [0, 0, 1, 1], [], []>, transpose_lhs_hint = false} : vector<512x32xf32>, vector<32x32xf32>, vector<512x32xf32> -> vector<512x32xf32>
    %add3A_21 = arith.addf %dot_general3A_12, %dot_general3A_20 : vector<512x32xf32>
    %get3A_22 = arith.constant 0 : index
    %get3A_23 = arith.constant 0 : index
    %get3A_24 = vector.load %arg5[%get3A_22, %get3A_23] : memref<1x32xf32, #tpu.memory_space<vmem>>, vector<1x32xf32>
    %add3A_25 = vector.broadcast %get3A_24 : vector<1x32xf32> to vector<512x32xf32>
    %add3A_26 = arith.addf %add3A_21, %add3A_25 : vector<512x32xf32>
    %ge3A = arith.constant 0.000000e+00 : f32
    %ge3A_27 = vector.broadcast %ge3A : f32 to vector<512x32xf32>
    %ge3A_28 = arith.cmpf oge, %add3A_26, %ge3A_27 : vector<512x32xf32>
    %mul3A = arith.constant 0.00999999977 : f32
    %mul3A_29 = vector.broadcast %mul3A : f32 to vector<512x32xf32>
    %mul3A_30 = arith.mulf %mul3A_29, %add3A_26 : vector<512x32xf32>
    %select_n3A = arith.select %ge3A_28, %add3A_26, %mul3A_30 : vector<512x32xi1>, vector<512x32xf32>
    %get3A_31 = arith.constant 0 : index
    %get3A_32 = arith.constant 0 : index
    %get3A_33 = vector.load %arg6[%get3A_31, %get3A_32] : memref<32x32xf32, #tpu.memory_space<vmem>>, vector<32x32xf32>
    %dot_general3A_34 = arith.constant dense<0.000000e+00> : vector<512x32xf32>
    %dot_general3A_35 = tpu.matmul %select_n3A, %get3A_33, %dot_general3A_34 {dimension_numbers = #tpu.dot_dimension_numbers<[1], [0], [0], [1], [0, 0, 1, 1], [], []>, transpose_lhs_hint = false} : vector<512x32xf32>, vector<32x32xf32>, vector<512x32xf32> -> vector<512x32xf32>
    %get3A_36 = arith.constant 0 : index
    %get3A_37 = arith.constant 0 : index
    %get3A_38 = vector.load %arg7[%get3A_36, %get3A_37] : memref<1x32xf32, #tpu.memory_space<vmem>>, vector<1x32xf32>
    %add3A_39 = vector.broadcast %get3A_38 : vector<1x32xf32> to vector<512x32xf32>
    %add3A_40 = arith.addf %dot_general3A_35, %add3A_39 : vector<512x32xf32>
    %get3A_41 = arith.constant 0 : index
    %get3A_42 = arith.constant 0 : index
    %get3A_43 = vector.load %arg8[%get3A_41, %get3A_42] : memref<32x32xf32, #tpu.memory_space<vmem>>, vector<32x32xf32>
    %dot_general3A_44 = arith.constant dense<0.000000e+00> : vector<512x32xf32>
    %dot_general3A_45 = tpu.matmul %add3A_40, %get3A_43, %dot_general3A_44 {dimension_numbers = #tpu.dot_dimension_numbers<[1], [0], [0], [1], [0, 0, 1, 1], [], []>, transpose_lhs_hint = false} : vector<512x32xf32>, vector<32x32xf32>, vector<512x32xf32> -> vector<512x32xf32>
    %swap3A = arith.constant 0 : index
    %swap3A_46 = arith.constant 0 : index
    %swap3A_47 = vector.load %arg10[%swap3A, %swap3A_46] : memref<512x32xf32, #tpu.memory_space<vmem>>, vector<512x32xf32>
    tpu.vector_store %arg10[%swap3A, %swap3A_46], %dot_general3A_45 {strides = array<i32>} : memref<512x32xf32, #tpu.memory_space<vmem>>, vector<512x32xf32>,
    %get3A_48 = arith.constant 0 : index
    %get3A_49 = arith.constant 0 : index
    %get3A_50 = vector.load %arg9[%get3A_48, %get3A_49] : memref<32x32xf32, #tpu.memory_space<vmem>>, vector<32x32xf32>
    %dot_general3A_51 = arith.constant dense<0.000000e+00> : vector<512x32xf32>
    %dot_general3A_52 = tpu.matmul %add3A_40, %get3A_50, %dot_general3A_51 {dimension_numbers = #tpu.dot_dimension_numbers<[1], [0], [0], [1], [0, 0, 1, 1], [], []>, transpose_lhs_hint = false} : vector<512x32xf32>, vector<32x32xf32>, vector<512x32xf32> -> vector<512x32xf32>
    %swap3A_53 = arith.constant 0 : index
    %swap3A_54 = arith.constant 0 : index
    %swap3A_55 = vector.load %arg11[%swap3A_53, %swap3A_54] : memref<512x32xf32, #tpu.memory_space<vmem>>, vector<512x32xf32>
    tpu.vector_store %arg11[%swap3A_53, %swap3A_54], %dot_general3A_52 {strides = array<i32>} : memref<512x32xf32, #tpu.memory_space<vmem>>, vector<512x32xf32>,
    return
  }
  func.func @transform_0(%arg0: i32) -> (i32, i32, i32) {
    %c0_i32 = arith.constant 0 : i32
    %c0_i32_0 = arith.constant 0 : i32
    %c0_i32_1 = arith.constant 0 : i32
    return %c0_i32, %arg0, %c0_i32_0 : i32, i32, i32
  }
  func.func @transform_1(%arg0: i32) -> (i32, i32) {
    %c0_i32 = arith.constant 0 : i32
    %c0_i32_0 = arith.constant 0 : i32
    return %arg0, %c0_i32 : i32, i32
  }
  func.func @transform_2(%arg0: i32) -> (i32, i32) {
    %c0_i32 = arith.constant 0 : i32
    %c0_i32_0 = arith.constant 0 : i32
    %c0_i32_1 = arith.constant 0 : i32
    return %c0_i32, %c0_i32_0 : i32, i32
  }
  func.func @transform_3(%arg0: i32) -> (i32, i32) {
    %c0_i32 = arith.constant 0 : i32
    %c0_i32_0 = arith.constant 0 : i32
    %c0_i32_1 = arith.constant 0 : i32
    return %c0_i32, %c0_i32_0 : i32, i32
  }
  func.func @transform_4(%arg0: i32) -> (i32, i32) {
    %c0_i32 = arith.constant 0 : i32
    %c0_i32_0 = arith.constant 0 : i32
    %c0_i32_1 = arith.constant 0 : i32
    return %c0_i32, %c0_i32_0 : i32, i32
  }
  func.func @transform_5(%arg0: i32) -> (i32, i32) {
    %c0_i32 = arith.constant 0 : i32
    %c0_i32_0 = arith.constant 0 : i32
    %c0_i32_1 = arith.constant 0 : i32
    return %c0_i32, %c0_i32_0 : i32, i32
  }
  func.func @transform_6(%arg0: i32) -> (i32, i32) {
    %c0_i32 = arith.constant 0 : i32
    %c0_i32_0 = arith.constant 0 : i32
    %c0_i32_1 = arith.constant 0 : i32
    return %c0_i32, %c0_i32_0 : i32, i32
  }
  func.func @transform_7(%arg0: i32) -> (i32, i32) {
    %c0_i32 = arith.constant 0 : i32
    %c0_i32_0 = arith.constant 0 : i32
    %c0_i32_1 = arith.constant 0 : i32
    return %c0_i32, %c0_i32_0 : i32, i32
  }
  func.func @transform_8(%arg0: i32) -> (i32, i32) {
    %c0_i32 = arith.constant 0 : i32
    %c0_i32_0 = arith.constant 0 : i32
    %c0_i32_1 = arith.constant 0 : i32
    return %c0_i32, %c0_i32_0 : i32, i32
  }
  func.func @transform_9(%arg0: i32) -> (i32, i32) {
    %c0_i32 = arith.constant 0 : i32
    %c0_i32_0 = arith.constant 0 : i32
    return %arg0, %c0_i32 : i32, i32
  }
  func.func @transform_10(%arg0: i32) -> (i32, i32) {
    %c0_i32 = arith.constant 0 : i32
    %c0_i32_0 = arith.constant 0 : i32
    return %arg0, %c0_i32 : i32, i32
  }
}

module attributes {stable_mosaic.version = 14 : i64} {
  func.func @_pair_body(%arg0: i32, %arg1: i32, %arg2: memref<1x512x576xf32, #tpu.memory_space<vmem>>, %arg3: memref<1x1x2176xi32, #tpu.memory_space<vmem>>, %arg4: memref<1x1x2176xi32, #tpu.memory_space<vmem>>, %arg5: memref<1x1x2176xf32, #tpu.memory_space<vmem>>, %arg6: memref<1x1x2176xf32, #tpu.memory_space<vmem>>, %arg7: memref<1x1x2176xf32, #tpu.memory_space<vmem>>, %arg8: memref<1x1x2176xf32, #tpu.memory_space<vmem>>, %arg9: memref<1x1x2176xf32, #tpu.memory_space<vmem>>, %arg10: memref<1x1x2176xf32, #tpu.memory_space<vmem>>, %arg11: memref<1x1x2176xf32, #tpu.memory_space<vmem>>, %arg12: memref<1x1x2176xf32, #tpu.memory_space<vmem>>, %arg13: memref<1x1x2176xf32, #tpu.memory_space<vmem>>, %arg14: memref<1x1x2176xf32, #tpu.memory_space<vmem>>, %arg15: memref<1x1x2176xf32, #tpu.memory_space<vmem>>, %arg16: memref<1x1x2176xf32, #tpu.memory_space<vmem>>, %arg17: memref<1x1x2176xf32, #tpu.memory_space<vmem>>, %arg18: memref<1x1x2176xf32, #tpu.memory_space<vmem>>, %arg19: memref<1x1x2176xf32, #tpu.memory_space<vmem>>, %arg20: memref<1x1x2176xf32, #tpu.memory_space<vmem>>, %arg21: memref<1x1x2176xf32, #tpu.memory_space<vmem>>, %arg22: memref<1x1x2176xf32, #tpu.memory_space<vmem>>, %arg23: memref<1x1x2176xf32, #tpu.memory_space<vmem>>, %arg24: memref<1x1x2176xf32, #tpu.memory_space<vmem>>, %arg25: memref<1x1x2176xf32, #tpu.memory_space<vmem>>, %arg26: memref<1x1x2176xf32, #tpu.memory_space<vmem>>, %arg27: memref<1x1x2176xf32, #tpu.memory_space<vmem>>, %arg28: memref<1x1x2176xf32, #tpu.memory_space<vmem>>, %arg29: memref<1x1x2176xf32, #tpu.memory_space<vmem>>, %arg30: memref<1x1x2176xf32, #tpu.memory_space<vmem>>, %arg31: memref<1x1x2176xf32, #tpu.memory_space<vmem>>, %arg32: memref<1x1x2176xf32, #tpu.memory_space<vmem>>, %arg33: memref<1x1x2176xf32, #tpu.memory_space<vmem>>, %arg34: memref<1x1x2176xf32, #tpu.memory_space<vmem>>, %arg35: memref<1x1x2176xf32, #tpu.memory_space<vmem>>, %arg36: memref<1x1x2176xf32, #tpu.memory_space<vmem>>, %arg37: memref<512x1xf32, #tpu.memory_space<vmem>>, %arg38: memref<512x1xf32, #tpu.memory_space<vmem>>, %arg39: memref<1x1xf32, #tpu.memory_space<vmem>>, %arg40: memref<1x1x16x2176xf32, #tpu.memory_space<vmem>>) attributes {dimension_semantics = [#tpu.dimension_semantics<arbitrary>, #tpu.dimension_semantics<arbitrary>], iteration_bounds = array<i64: 1, 15>, scalar_prefetch = 0 : i64, scratch_operands = 0 : i64, tpu.core_type = #tpu.core_type<tc>, window_params = [{transform_indices = @transform_0, window_bounds = array<i64: 1, 512, 576>}, {transform_indices = @transform_1, window_bounds = array<i64: 1, 1, 2176>}, {transform_indices = @transform_2, window_bounds = array<i64: 1, 1, 2176>}, {transform_indices = @transform_3, window_bounds = array<i64: 1, 1, 2176>}, {transform_indices = @transform_4, window_bounds = array<i64: 1, 1, 2176>}, {transform_indices = @transform_5, window_bounds = array<i64: 1, 1, 2176>}, {transform_indices = @transform_6, window_bounds = array<i64: 1, 1, 2176>}, {transform_indices = @transform_7, window_bounds = array<i64: 1, 1, 2176>}, {transform_indices = @transform_8, window_bounds = array<i64: 1, 1, 2176>}, {transform_indices = @transform_9, window_bounds = array<i64: 1, 1, 2176>}, {transform_indices = @transform_10, window_bounds = array<i64: 1, 1, 2176>}, {transform_indices = @transform_11, window_bounds = array<i64: 1, 1, 2176>}, {transform_indices = @transform_12, window_bounds = array<i64: 1, 1, 2176>}, {transform_indices = @transform_13, window_bounds = array<i64: 1, 1, 2176>}, {transform_indices = @transform_14, window_bounds = array<i64: 1, 1, 2176>}, {transform_indices = @transform_15, window_bounds = array<i64: 1, 1, 2176>}, {transform_indices = @transform_16, window_bounds = array<i64: 1, 1, 2176>}, {transform_indices = @transform_17, window_bounds = array<i64: 1, 1, 2176>}, {transform_indices = @transform_18, window_bounds = array<i64: 1, 1, 2176>}, {transform_indices = @transform_19, window_bounds = array<i64: 1, 1, 2176>}, {transform_indices = @transform_20, window_bounds = array<i64: 1, 1, 2176>}, {transform_indices = @transform_21, window_bounds = array<i64: 1, 1, 2176>}, {transform_indices = @transform_22, window_bounds = array<i64: 1, 1, 2176>}, {transform_indices = @transform_23, window_bounds = array<i64: 1, 1, 2176>}, {transform_indices = @transform_24, window_bounds = array<i64: 1, 1, 2176>}, {transform_indices = @transform_25, window_bounds = array<i64: 1, 1, 2176>}, {transform_indices = @transform_26, window_bounds = array<i64: 1, 1, 2176>}, {transform_indices = @transform_27, window_bounds = array<i64: 1, 1, 2176>}, {transform_indices = @transform_28, window_bounds = array<i64: 1, 1, 2176>}, {transform_indices = @transform_29, window_bounds = array<i64: 1, 1, 2176>}, {transform_indices = @transform_30, window_bounds = array<i64: 1, 1, 2176>}, {transform_indices = @transform_31, window_bounds = array<i64: 1, 1, 2176>}, {transform_indices = @transform_32, window_bounds = array<i64: 1, 1, 2176>}, {transform_indices = @transform_33, window_bounds = array<i64: 1, 1, 2176>}, {transform_indices = @transform_34, window_bounds = array<i64: 1, 1, 2176>}, {pipeline_mode = #tpu.pipeline_mode<synchronous>, transform_indices = @transform_35, window_bounds = array<i64: 512, 1>}, {pipeline_mode = #tpu.pipeline_mode<synchronous>, transform_indices = @transform_36, window_bounds = array<i64: 512, 1>}, {pipeline_mode = #tpu.pipeline_mode<synchronous>, transform_indices = @transform_37, window_bounds = array<i64: 1, 1>}, {transform_indices = @transform_38, window_bounds = array<i64: 1, 1, 16, 2176>}]} {
    %get3A = arith.constant 0 : index
    %get3A_0 = arith.constant 0 : index
    %get3A_1 = arith.constant 0 : index
    %get3A_2 = vector.load %arg3[%get3A, %get3A_0, %get3A_1] : memref<1x1x2176xi32, #tpu.memory_space<vmem>>, vector<1x1x2176xi32>
    %get3A_3 = vector.shape_cast %get3A_2 : vector<1x1x2176xi32> to vector<1x2176xi32>
    %get3A_4 = arith.constant 0 : index
    %get3A_5 = arith.constant 0 : index
    %get3A_6 = arith.constant 0 : index
    %get3A_7 = vector.load %arg4[%get3A_4, %get3A_5, %get3A_6] : memref<1x1x2176xi32, #tpu.memory_space<vmem>>, vector<1x1x2176xi32>
    %get3A_8 = vector.shape_cast %get3A_7 : vector<1x1x2176xi32> to vector<1x2176xi32>
    %iota3A = tpu.iota {dimensions = array<i32: 0>} : vector<512x2176xi32>
    %eq3A = vector.broadcast %get3A_3 : vector<1x2176xi32> to vector<512x2176xi32>
    %eq3A_9 = arith.cmpi eq, %iota3A, %eq3A : vector<512x2176xi32>
    %sub3A = arith.constant 256 : i32
    %sub3A_10 = vector.broadcast %sub3A : i32 to vector<512x2176xi32>
    %sub3A_11 = arith.subi %iota3A, %sub3A_10 : vector<512x2176xi32>
    %eq3A_12 = vector.broadcast %get3A_8 : vector<1x2176xi32> to vector<512x2176xi32>
    %eq3A_13 = arith.cmpi eq, %sub3A_11, %eq3A_12 : vector<512x2176xi32>
    %or3A = arith.ori %eq3A_9, %eq3A_13 : vector<512x2176xi1>
    %convert_element_type3A = arith.extui %or3A : vector<512x2176xi1> to vector<512x2176xi32>
    %convert_element_type3A_14 = arith.sitofp %convert_element_type3A : vector<512x2176xi32> to vector<512x2176xf32>
    %get3A_15 = arith.constant 0 : index
    %get3A_16 = arith.constant 0 : index
    %get3A_17 = arith.constant 0 : index
    %get3A_18 = vector.load %arg5[%get3A_15, %get3A_16, %get3A_17] : memref<1x1x2176xf32, #tpu.memory_space<vmem>>, vector<1x1x2176xf32>
    %get3A_19 = vector.shape_cast %get3A_18 : vector<1x1x2176xf32> to vector<1x2176xf32>
    %get3A_20 = arith.constant 0 : index
    %get3A_21 = arith.constant 0 : index
    %get3A_22 = arith.constant 0 : index
    %get3A_23 = vector.load %arg21[%get3A_20, %get3A_21, %get3A_22] : memref<1x1x2176xf32, #tpu.memory_space<vmem>>, vector<1x1x2176xf32>
    %get3A_24 = vector.shape_cast %get3A_23 : vector<1x1x2176xf32> to vector<1x2176xf32>
    %abs3A = math.absf %get3A_19 : vector<1x2176xf32>
    %sqrt3A = math.sqrt %abs3A : vector<1x2176xf32>
    %mul3A = arith.mulf %get3A_19, %get3A_19 : vector<1x2176xf32>
    %get3A_25 = arith.constant 0 : index
    %get3A_26 = arith.constant 0 : index
    %get3A_27 = arith.constant 0 : index
    %get3A_28 = vector.load %arg6[%get3A_25, %get3A_26, %get3A_27] : memref<1x1x2176xf32, #tpu.memory_space<vmem>>, vector<1x1x2176xf32>
    %get3A_29 = vector.shape_cast %get3A_28 : vector<1x1x2176xf32> to vector<1x2176xf32>
    %get3A_30 = arith.constant 0 : index
    %get3A_31 = arith.constant 0 : index
    %get3A_32 = arith.constant 0 : index
    %get3A_33 = vector.load %arg22[%get3A_30, %get3A_31, %get3A_32] : memref<1x1x2176xf32, #tpu.memory_space<vmem>>, vector<1x1x2176xf32>
    %get3A_34 = vector.shape_cast %get3A_33 : vector<1x1x2176xf32> to vector<1x2176xf32>
    %abs3A_35 = math.absf %get3A_29 : vector<1x2176xf32>
    %sqrt3A_36 = math.sqrt %abs3A_35 : vector<1x2176xf32>
    %mul3A_37 = arith.mulf %get3A_29, %get3A_29 : vector<1x2176xf32>
    %get3A_38 = arith.constant 0 : index
    %get3A_39 = arith.constant 0 : index
    %get3A_40 = arith.constant 0 : index
    %get3A_41 = vector.load %arg7[%get3A_38, %get3A_39, %get3A_40] : memref<1x1x2176xf32, #tpu.memory_space<vmem>>, vector<1x1x2176xf32>
    %get3A_42 = vector.shape_cast %get3A_41 : vector<1x1x2176xf32> to vector<1x2176xf32>
    %get3A_43 = arith.constant 0 : index
    %get3A_44 = arith.constant 0 : index
    %get3A_45 = arith.constant 0 : index
    %get3A_46 = vector.load %arg23[%get3A_43, %get3A_44, %get3A_45] : memref<1x1x2176xf32, #tpu.memory_space<vmem>>, vector<1x1x2176xf32>
    %get3A_47 = vector.shape_cast %get3A_46 : vector<1x1x2176xf32> to vector<1x2176xf32>
    %abs3A_48 = math.absf %get3A_42 : vector<1x2176xf32>
    %sqrt3A_49 = math.sqrt %abs3A_48 : vector<1x2176xf32>
    %mul3A_50 = arith.mulf %get3A_42, %get3A_42 : vector<1x2176xf32>
    %get3A_51 = arith.constant 0 : index
    %get3A_52 = arith.constant 0 : index
    %get3A_53 = arith.constant 0 : index
    %get3A_54 = vector.load %arg8[%get3A_51, %get3A_52, %get3A_53] : memref<1x1x2176xf32, #tpu.memory_space<vmem>>, vector<1x1x2176xf32>
    %get3A_55 = vector.shape_cast %get3A_54 : vector<1x1x2176xf32> to vector<1x2176xf32>
    %get3A_56 = arith.constant 0 : index
    %get3A_57 = arith.constant 0 : index
    %get3A_58 = arith.constant 0 : index
    %get3A_59 = vector.load %arg24[%get3A_56, %get3A_57, %get3A_58] : memref<1x1x2176xf32, #tpu.memory_space<vmem>>, vector<1x1x2176xf32>
    %get3A_60 = vector.shape_cast %get3A_59 : vector<1x1x2176xf32> to vector<1x2176xf32>
    %abs3A_61 = math.absf %get3A_55 : vector<1x2176xf32>
    %sqrt3A_62 = math.sqrt %abs3A_61 : vector<1x2176xf32>
    %mul3A_63 = arith.mulf %get3A_55, %get3A_55 : vector<1x2176xf32>
    %get3A_64 = arith.constant 0 : index
    %get3A_65 = arith.constant 0 : index
    %get3A_66 = arith.constant 0 : index
    %get3A_67 = vector.load %arg9[%get3A_64, %get3A_65, %get3A_66] : memref<1x1x2176xf32, #tpu.memory_space<vmem>>, vector<1x1x2176xf32>
    %get3A_68 = vector.shape_cast %get3A_67 : vector<1x1x2176xf32> to vector<1x2176xf32>
    %get3A_69 = arith.constant 0 : index
    %get3A_70 = arith.constant 0 : index
    %get3A_71 = arith.constant 0 : index
    %get3A_72 = vector.load %arg25[%get3A_69, %get3A_70, %get3A_71] : memref<1x1x2176xf32, #tpu.memory_space<vmem>>, vector<1x1x2176xf32>
    %get3A_73 = vector.shape_cast %get3A_72 : vector<1x1x2176xf32> to vector<1x2176xf32>
    %abs3A_74 = math.absf %get3A_68 : vector<1x2176xf32>
    %sqrt3A_75 = math.sqrt %abs3A_74 : vector<1x2176xf32>
    %mul3A_76 = arith.mulf %get3A_68, %get3A_68 : vector<1x2176xf32>
    %get3A_77 = arith.constant 0 : index
    %get3A_78 = arith.constant 0 : index
    %get3A_79 = arith.constant 0 : index
    %get3A_80 = vector.load %arg10[%get3A_77, %get3A_78, %get3A_79] : memref<1x1x2176xf32, #tpu.memory_space<vmem>>, vector<1x1x2176xf32>
    %get3A_81 = vector.shape_cast %get3A_80 : vector<1x1x2176xf32> to vector<1x2176xf32>
    %get3A_82 = arith.constant 0 : index
    %get3A_83 = arith.constant 0 : index
    %get3A_84 = arith.constant 0 : index
    %get3A_85 = vector.load %arg26[%get3A_82, %get3A_83, %get3A_84] : memref<1x1x2176xf32, #tpu.memory_space<vmem>>, vector<1x1x2176xf32>
    %get3A_86 = vector.shape_cast %get3A_85 : vector<1x1x2176xf32> to vector<1x2176xf32>
    %abs3A_87 = math.absf %get3A_81 : vector<1x2176xf32>
    %sqrt3A_88 = math.sqrt %abs3A_87 : vector<1x2176xf32>
    %mul3A_89 = arith.mulf %get3A_81, %get3A_81 : vector<1x2176xf32>
    %get3A_90 = arith.constant 0 : index
    %get3A_91 = arith.constant 0 : index
    %get3A_92 = arith.constant 0 : index
    %get3A_93 = vector.load %arg11[%get3A_90, %get3A_91, %get3A_92] : memref<1x1x2176xf32, #tpu.memory_space<vmem>>, vector<1x1x2176xf32>
    %get3A_94 = vector.shape_cast %get3A_93 : vector<1x1x2176xf32> to vector<1x2176xf32>
    %get3A_95 = arith.constant 0 : index
    %get3A_96 = arith.constant 0 : index
    %get3A_97 = arith.constant 0 : index
    %get3A_98 = vector.load %arg27[%get3A_95, %get3A_96, %get3A_97] : memref<1x1x2176xf32, #tpu.memory_space<vmem>>, vector<1x1x2176xf32>
    %get3A_99 = vector.shape_cast %get3A_98 : vector<1x1x2176xf32> to vector<1x2176xf32>
    %abs3A_100 = math.absf %get3A_94 : vector<1x2176xf32>
    %sqrt3A_101 = math.sqrt %abs3A_100 : vector<1x2176xf32>
    %mul3A_102 = arith.mulf %get3A_94, %get3A_94 : vector<1x2176xf32>
    %get3A_103 = arith.constant 0 : index
    %get3A_104 = arith.constant 0 : index
    %get3A_105 = arith.constant 0 : index
    %get3A_106 = vector.load %arg12[%get3A_103, %get3A_104, %get3A_105] : memref<1x1x2176xf32, #tpu.memory_space<vmem>>, vector<1x1x2176xf32>
    %get3A_107 = vector.shape_cast %get3A_106 : vector<1x1x2176xf32> to vector<1x2176xf32>
    %get3A_108 = arith.constant 0 : index
    %get3A_109 = arith.constant 0 : index
    %get3A_110 = arith.constant 0 : index
    %get3A_111 = vector.load %arg28[%get3A_108, %get3A_109, %get3A_110] : memref<1x1x2176xf32, #tpu.memory_space<vmem>>, vector<1x1x2176xf32>
    %get3A_112 = vector.shape_cast %get3A_111 : vector<1x1x2176xf32> to vector<1x2176xf32>
    %abs3A_113 = math.absf %get3A_107 : vector<1x2176xf32>
    %sqrt3A_114 = math.sqrt %abs3A_113 : vector<1x2176xf32>
    %mul3A_115 = arith.mulf %get3A_107, %get3A_107 : vector<1x2176xf32>
    %get3A_116 = arith.constant 0 : index
    %get3A_117 = arith.constant 0 : index
    %get3A_118 = arith.constant 0 : index
    %get3A_119 = vector.load %arg13[%get3A_116, %get3A_117, %get3A_118] : memref<1x1x2176xf32, #tpu.memory_space<vmem>>, vector<1x1x2176xf32>
    %get3A_120 = vector.shape_cast %get3A_119 : vector<1x1x2176xf32> to vector<1x2176xf32>
    %get3A_121 = arith.constant 0 : index
    %get3A_122 = arith.constant 0 : index
    %get3A_123 = arith.constant 0 : index
    %get3A_124 = vector.load %arg29[%get3A_121, %get3A_122, %get3A_123] : memref<1x1x2176xf32, #tpu.memory_space<vmem>>, vector<1x1x2176xf32>
    %get3A_125 = vector.shape_cast %get3A_124 : vector<1x1x2176xf32> to vector<1x2176xf32>
    %abs3A_126 = math.absf %get3A_120 : vector<1x2176xf32>
    %sqrt3A_127 = math.sqrt %abs3A_126 : vector<1x2176xf32>
    %mul3A_128 = arith.mulf %get3A_120, %get3A_120 : vector<1x2176xf32>
    %get3A_129 = arith.constant 0 : index
    %get3A_130 = arith.constant 0 : index
    %get3A_131 = arith.constant 0 : index
    %get3A_132 = vector.load %arg14[%get3A_129, %get3A_130, %get3A_131] : memref<1x1x2176xf32, #tpu.memory_space<vmem>>, vector<1x1x2176xf32>
    %get3A_133 = vector.shape_cast %get3A_132 : vector<1x1x2176xf32> to vector<1x2176xf32>
    %get3A_134 = arith.constant 0 : index
    %get3A_135 = arith.constant 0 : index
    %get3A_136 = arith.constant 0 : index
    %get3A_137 = vector.load %arg30[%get3A_134, %get3A_135, %get3A_136] : memref<1x1x2176xf32, #tpu.memory_space<vmem>>, vector<1x1x2176xf32>
    %get3A_138 = vector.shape_cast %get3A_137 : vector<1x1x2176xf32> to vector<1x2176xf32>
    %abs3A_139 = math.absf %get3A_133 : vector<1x2176xf32>
    %sqrt3A_140 = math.sqrt %abs3A_139 : vector<1x2176xf32>
    %mul3A_141 = arith.mulf %get3A_133, %get3A_133 : vector<1x2176xf32>
    %get3A_142 = arith.constant 0 : index
    %get3A_143 = arith.constant 0 : index
    %get3A_144 = arith.constant 0 : index
    %get3A_145 = vector.load %arg15[%get3A_142, %get3A_143, %get3A_144] : memref<1x1x2176xf32, #tpu.memory_space<vmem>>, vector<1x1x2176xf32>
    %get3A_146 = vector.shape_cast %get3A_145 : vector<1x1x2176xf32> to vector<1x2176xf32>
    %get3A_147 = arith.constant 0 : index
    %get3A_148 = arith.constant 0 : index
    %get3A_149 = arith.constant 0 : index
    %get3A_150 = vector.load %arg31[%get3A_147, %get3A_148, %get3A_149] : memref<1x1x2176xf32, #tpu.memory_space<vmem>>, vector<1x1x2176xf32>
    %get3A_151 = vector.shape_cast %get3A_150 : vector<1x1x2176xf32> to vector<1x2176xf32>
    %abs3A_152 = math.absf %get3A_146 : vector<1x2176xf32>
    %sqrt3A_153 = math.sqrt %abs3A_152 : vector<1x2176xf32>
    %mul3A_154 = arith.mulf %get3A_146, %get3A_146 : vector<1x2176xf32>
    %get3A_155 = arith.constant 0 : index
    %get3A_156 = arith.constant 0 : index
    %get3A_157 = arith.constant 0 : index
    %get3A_158 = vector.load %arg16[%get3A_155, %get3A_156, %get3A_157] : memref<1x1x2176xf32, #tpu.memory_space<vmem>>, vector<1x1x2176xf32>
    %get3A_159 = vector.shape_cast %get3A_158 : vector<1x1x2176xf32> to vector<1x2176xf32>
    %get3A_160 = arith.constant 0 : index
    %get3A_161 = arith.constant 0 : index
    %get3A_162 = arith.constant 0 : index
    %get3A_163 = vector.load %arg32[%get3A_160, %get3A_161, %get3A_162] : memref<1x1x2176xf32, #tpu.memory_space<vmem>>, vector<1x1x2176xf32>
    %get3A_164 = vector.shape_cast %get3A_163 : vector<1x1x2176xf32> to vector<1x2176xf32>
    %abs3A_165 = math.absf %get3A_159 : vector<1x2176xf32>
    %sqrt3A_166 = math.sqrt %abs3A_165 : vector<1x2176xf32>
    %mul3A_167 = arith.mulf %get3A_159, %get3A_159 : vector<1x2176xf32>
    %get3A_168 = arith.constant 0 : index
    %get3A_169 = arith.constant 0 : index
    %get3A_170 = arith.constant 0 : index
    %get3A_171 = vector.load %arg17[%get3A_168, %get3A_169, %get3A_170] : memref<1x1x2176xf32, #tpu.memory_space<vmem>>, vector<1x1x2176xf32>
    %get3A_172 = vector.shape_cast %get3A_171 : vector<1x1x2176xf32> to vector<1x2176xf32>
    %get3A_173 = arith.constant 0 : index
    %get3A_174 = arith.constant 0 : index
    %get3A_175 = arith.constant 0 : index
    %get3A_176 = vector.load %arg33[%get3A_173, %get3A_174, %get3A_175] : memref<1x1x2176xf32, #tpu.memory_space<vmem>>, vector<1x1x2176xf32>
    %get3A_177 = vector.shape_cast %get3A_176 : vector<1x1x2176xf32> to vector<1x2176xf32>
    %abs3A_178 = math.absf %get3A_172 : vector<1x2176xf32>
    %sqrt3A_179 = math.sqrt %abs3A_178 : vector<1x2176xf32>
    %mul3A_180 = arith.mulf %get3A_172, %get3A_172 : vector<1x2176xf32>
    %get3A_181 = arith.constant 0 : index
    %get3A_182 = arith.constant 0 : index
    %get3A_183 = arith.constant 0 : index
    %get3A_184 = vector.load %arg18[%get3A_181, %get3A_182, %get3A_183] : memref<1x1x2176xf32, #tpu.memory_space<vmem>>, vector<1x1x2176xf32>
    %get3A_185 = vector.shape_cast %get3A_184 : vector<1x1x2176xf32> to vector<1x2176xf32>
    %get3A_186 = arith.constant 0 : index
    %get3A_187 = arith.constant 0 : index
    %get3A_188 = arith.constant 0 : index
    %get3A_189 = vector.load %arg34[%get3A_186, %get3A_187, %get3A_188] : memref<1x1x2176xf32, #tpu.memory_space<vmem>>, vector<1x1x2176xf32>
    %get3A_190 = vector.shape_cast %get3A_189 : vector<1x1x2176xf32> to vector<1x2176xf32>
    %abs3A_191 = math.absf %get3A_185 : vector<1x2176xf32>
    %sqrt3A_192 = math.sqrt %abs3A_191 : vector<1x2176xf32>
    %mul3A_193 = arith.mulf %get3A_185, %get3A_185 : vector<1x2176xf32>
    %get3A_194 = arith.constant 0 : index
    %get3A_195 = arith.constant 0 : index
    %get3A_196 = arith.constant 0 : index
    %get3A_197 = vector.load %arg19[%get3A_194, %get3A_195, %get3A_196] : memref<1x1x2176xf32, #tpu.memory_space<vmem>>, vector<1x1x2176xf32>
    %get3A_198 = vector.shape_cast %get3A_197 : vector<1x1x2176xf32> to vector<1x2176xf32>
    %get3A_199 = arith.constant 0 : index
    %get3A_200 = arith.constant 0 : index
    %get3A_201 = arith.constant 0 : index
    %get3A_202 = vector.load %arg35[%get3A_199, %get3A_200, %get3A_201] : memref<1x1x2176xf32, #tpu.memory_space<vmem>>, vector<1x1x2176xf32>
    %get3A_203 = vector.shape_cast %get3A_202 : vector<1x1x2176xf32> to vector<1x2176xf32>
    %abs3A_204 = math.absf %get3A_198 : vector<1x2176xf32>
    %sqrt3A_205 = math.sqrt %abs3A_204 : vector<1x2176xf32>
    %mul3A_206 = arith.mulf %get3A_198, %get3A_198 : vector<1x2176xf32>
    %get3A_207 = arith.constant 0 : index
    %get3A_208 = arith.constant 0 : index
    %get3A_209 = arith.constant 0 : index
    %get3A_210 = vector.load %arg20[%get3A_207, %get3A_208, %get3A_209] : memref<1x1x2176xf32, #tpu.memory_space<vmem>>, vector<1x1x2176xf32>
    %get3A_211 = vector.shape_cast %get3A_210 : vector<1x1x2176xf32> to vector<1x2176xf32>
    %get3A_212 = arith.constant 0 : index
    %get3A_213 = arith.constant 0 : index
    %get3A_214 = arith.constant 0 : index
    %get3A_215 = vector.load %arg36[%get3A_212, %get3A_213, %get3A_214] : memref<1x1x2176xf32, #tpu.memory_space<vmem>>, vector<1x1x2176xf32>
    %get3A_216 = vector.shape_cast %get3A_215 : vector<1x1x2176xf32> to vector<1x2176xf32>
    %abs3A_217 = math.absf %get3A_211 : vector<1x2176xf32>
    %sqrt3A_218 = math.sqrt %abs3A_217 : vector<1x2176xf32>
    %mul3A_219 = arith.mulf %get3A_211, %get3A_211 : vector<1x2176xf32>
    %concatenate3A = tpu.concatenate %convert_element_type3A_14, %get3A_24, %get3A_19, %sqrt3A, %mul3A, %get3A_34, %get3A_29, %sqrt3A_36, %mul3A_37, %get3A_47, %get3A_42, %sqrt3A_49, %mul3A_50, %get3A_60, %get3A_55, %sqrt3A_62, %mul3A_63, %get3A_73, %get3A_68, %sqrt3A_75, %mul3A_76, %get3A_86, %get3A_81, %sqrt3A_88, %mul3A_89, %get3A_99, %get3A_94, %sqrt3A_101, %mul3A_102, %get3A_112, %get3A_107, %sqrt3A_114, %mul3A_115, %get3A_125, %get3A_120, %sqrt3A_127, %mul3A_128, %get3A_138, %get3A_133, %sqrt3A_140, %mul3A_141, %get3A_151, %get3A_146, %sqrt3A_153, %mul3A_154, %get3A_164, %get3A_159, %sqrt3A_166, %mul3A_167, %get3A_177, %get3A_172, %sqrt3A_179, %mul3A_180, %get3A_190, %get3A_185, %sqrt3A_192, %mul3A_193, %get3A_203, %get3A_198, %sqrt3A_205, %mul3A_206, %get3A_216, %get3A_211, %sqrt3A_218, %mul3A_219 in 0 : vector<512x2176xf32>, vector<1x2176xf32>, vector<1x2176xf32>, vector<1x2176xf32>, vector<1x2176xf32>, vector<1x2176xf32>, vector<1x2176xf32>, vector<1x2176xf32>, vector<1x2176xf32>, vector<1x2176xf32>, vector<1x2176xf32>, vector<1x2176xf32>, vector<1x2176xf32>, vector<1x2176xf32>, vector<1x2176xf32>, vector<1x2176xf32>, vector<1x2176xf32>, vector<1x2176xf32>, vector<1x2176xf32>, vector<1x2176xf32>, vector<1x2176xf32>, vector<1x2176xf32>, vector<1x2176xf32>, vector<1x2176xf32>, vector<1x2176xf32>, vector<1x2176xf32>, vector<1x2176xf32>, vector<1x2176xf32>, vector<1x2176xf32>, vector<1x2176xf32>, vector<1x2176xf32>, vector<1x2176xf32>, vector<1x2176xf32>, vector<1x2176xf32>, vector<1x2176xf32>, vector<1x2176xf32>, vector<1x2176xf32>, vector<1x2176xf32>, vector<1x2176xf32>, vector<1x2176xf32>, vector<1x2176xf32>, vector<1x2176xf32>, vector<1x2176xf32>, vector<1x2176xf32>, vector<1x2176xf32>, vector<1x2176xf32>, vector<1x2176xf32>, vector<1x2176xf32>, vector<1x2176xf32>, vector<1x2176xf32>, vector<1x2176xf32>, vector<1x2176xf32>, vector<1x2176xf32>, vector<1x2176xf32>, vector<1x2176xf32>, vector<1x2176xf32>, vector<1x2176xf32>, vector<1x2176xf32>, vector<1x2176xf32>, vector<1x2176xf32>, vector<1x2176xf32>, vector<1x2176xf32>, vector<1x2176xf32>, vector<1x2176xf32>, vector<1x2176xf32> -> vector<576x2176xf32>
    %get3A_220 = arith.constant 0 : index
    %get3A_221 = arith.constant 0 : index
    %get3A_222 = arith.constant 0 : index
    %get3A_223 = vector.load %arg2[%get3A_220, %get3A_221, %get3A_222] : memref<1x512x576xf32, #tpu.memory_space<vmem>>, vector<1x512x576xf32>
    %get3A_224 = vector.shape_cast %get3A_223 : vector<1x512x576xf32> to vector<512x576xf32>
    %dot_general3A = arith.constant dense<0.000000e+00> : vector<512x2176xf32>
    %dot_general3A_225 = tpu.matmul %get3A_224, %concatenate3A, %dot_general3A {dimension_numbers = #tpu.dot_dimension_numbers<[1], [0], [0], [1], [0, 0, 1, 1], [], []>, transpose_lhs_hint = false} : vector<512x576xf32>, vector<576x2176xf32>, vector<512x2176xf32> -> vector<512x2176xf32>
    %get3A_226 = arith.constant 0 : index
    %get3A_227 = arith.constant 0 : index
    %get3A_228 = vector.load %arg37[%get3A_226, %get3A_227] : memref<512x1xf32, #tpu.memory_space<vmem>>, vector<512x1xf32>
    %add3A = vector.broadcast %get3A_228 : vector<512x1xf32> to vector<512x2176xf32>
    %add3A_229 = arith.addf %dot_general3A_225, %add3A : vector<512x2176xf32>
    %ge3A = arith.constant 0.000000e+00 : f32
    %ge3A_230 = vector.broadcast %ge3A : f32 to vector<512x2176xf32>
    %ge3A_231 = arith.cmpf oge, %add3A_229, %ge3A_230 : vector<512x2176xf32>
    %mul3A_232 = arith.constant 0.00999999977 : f32
    %mul3A_233 = vector.broadcast %mul3A_232 : f32 to vector<512x2176xf32>
    %mul3A_234 = arith.mulf %mul3A_233, %add3A_229 : vector<512x2176xf32>
    %select_n3A = arith.select %ge3A_231, %add3A_229, %mul3A_234 : vector<512x2176xi1>, vector<512x2176xf32>
    %get3A_235 = arith.constant 0 : index
    %get3A_236 = arith.constant 0 : index
    %get3A_237 = vector.load %arg38[%get3A_235, %get3A_236] : memref<512x1xf32, #tpu.memory_space<vmem>>, vector<512x1xf32>
    %mul3A_238 = vector.broadcast %get3A_237 : vector<512x1xf32> to vector<512x2176xf32>
    %mul3A_239 = arith.mulf %select_n3A, %mul3A_238 : vector<512x2176xf32>
    %reshape3A = vector.shape_cast %mul3A_239 : vector<512x2176xf32> to vector<16x32x2176xf32>
    %reduce_sum3A = arith.constant dense<0.000000e+00> : vector<16x2176xf32>
    %reduce_sum3A_240 = vector.multi_reduction <add>, %reshape3A, %reduce_sum3A [1] : vector<16x32x2176xf32> to vector<16x2176xf32>
    %get3A_241 = arith.constant 0 : index
    %get3A_242 = arith.constant 0 : index
    %get3A_243 = vector.load %arg39[%get3A_241, %get3A_242] : memref<1x1xf32, #tpu.memory_space<vmem>>, vector<1x1xf32>
    %add3A_244 = vector.broadcast %get3A_243 : vector<1x1xf32> to vector<16x2176xf32>
    %add3A_245 = arith.addf %reduce_sum3A_240, %add3A_244 : vector<16x2176xf32>
    %swap3A = arith.constant 0 : index
    %swap3A_246 = arith.constant 0 : index
    %swap3A_247 = arith.constant 0 : index
    %swap3A_248 = arith.constant 0 : index
    %swap3A_249 = vector.load %arg40[%swap3A, %swap3A_246, %swap3A_247, %swap3A_248] : memref<1x1x16x2176xf32, #tpu.memory_space<vmem>>, vector<1x1x16x2176xf32>
    %swap3A_250 = vector.shape_cast %swap3A_249 : vector<1x1x16x2176xf32> to vector<16x2176xf32>
    %swap3A_251 = vector.shape_cast %add3A_245 : vector<16x2176xf32> to vector<1x1x16x2176xf32>
    tpu.vector_store %arg40[%swap3A, %swap3A_246, %swap3A_247, %swap3A_248], %swap3A_251 {strides = array<i32>} : memref<1x1x16x2176xf32, #tpu.memory_space<vmem>>, vector<1x1x16x2176xf32>,
    return
  }
  func.func @transform_0(%arg0: i32, %arg1: i32) -> (i32, i32, i32) {
    %c0_i32 = arith.constant 0 : i32
    %c0_i32_0 = arith.constant 0 : i32
    %c0_i32_1 = arith.constant 0 : i32
    return %arg0, %c0_i32, %c0_i32_0 : i32, i32, i32
  }
  func.func @transform_1(%arg0: i32, %arg1: i32) -> (i32, i32, i32) {
    %c0_i32 = arith.constant 0 : i32
    %c0_i32_0 = arith.constant 0 : i32
    %c0_i32_1 = arith.constant 0 : i32
    return %arg1, %c0_i32, %c0_i32_0 : i32, i32, i32
  }
  func.func @transform_2(%arg0: i32, %arg1: i32) -> (i32, i32, i32) {
    %c0_i32 = arith.constant 0 : i32
    %c0_i32_0 = arith.constant 0 : i32
    %c0_i32_1 = arith.constant 0 : i32
    return %arg1, %c0_i32, %c0_i32_0 : i32, i32, i32
  }
  func.func @transform_3(%arg0: i32, %arg1: i32) -> (i32, i32, i32) {
    %mul3A = arith.constant 16 : i32
    %mul3A_0 = arith.muli %arg0, %mul3A : i32
    %add3A = arith.constant 0 : i32
    %add3A_1 = arith.addi %mul3A_0, %add3A : i32
    %mul3A_2 = arith.constant 15 : i32
    %mul3A_3 = arith.muli %add3A_1, %mul3A_2 : i32
    %add3A_4 = arith.addi %mul3A_3, %arg1 : i32
    %c0_i32 = arith.constant 0 : i32
    %c0_i32_5 = arith.constant 0 : i32
    %c0_i32_6 = arith.constant 0 : i32
    return %add3A_4, %c0_i32, %c0_i32_5 : i32, i32, i32
  }
  func.func @transform_4(%arg0: i32, %arg1: i32) -> (i32, i32, i32) {
    %mul3A = arith.constant 16 : i32
    %mul3A_0 = arith.muli %arg0, %mul3A : i32
    %add3A = arith.constant 1 : i32
    %add3A_1 = arith.addi %mul3A_0, %add3A : i32
    %mul3A_2 = arith.constant 15 : i32
    %mul3A_3 = arith.muli %add3A_1, %mul3A_2 : i32
    %add3A_4 = arith.addi %mul3A_3, %arg1 : i32
    %c0_i32 = arith.constant 0 : i32
    %c0_i32_5 = arith.constant 0 : i32
    %c0_i32_6 = arith.constant 0 : i32
    return %add3A_4, %c0_i32, %c0_i32_5 : i32, i32, i32
  }
  func.func @transform_5(%arg0: i32, %arg1: i32) -> (i32, i32, i32) {
    %mul3A = arith.constant 16 : i32
    %mul3A_0 = arith.muli %arg0, %mul3A : i32
    %add3A = arith.constant 2 : i32
    %add3A_1 = arith.addi %mul3A_0, %add3A : i32
    %mul3A_2 = arith.constant 15 : i32
    %mul3A_3 = arith.muli %add3A_1, %mul3A_2 : i32
    %add3A_4 = arith.addi %mul3A_3, %arg1 : i32
    %c0_i32 = arith.constant 0 : i32
    %c0_i32_5 = arith.constant 0 : i32
    %c0_i32_6 = arith.constant 0 : i32
    return %add3A_4, %c0_i32, %c0_i32_5 : i32, i32, i32
  }
  func.func @transform_6(%arg0: i32, %arg1: i32) -> (i32, i32, i32) {
    %mul3A = arith.constant 16 : i32
    %mul3A_0 = arith.muli %arg0, %mul3A : i32
    %add3A = arith.constant 3 : i32
    %add3A_1 = arith.addi %mul3A_0, %add3A : i32
    %mul3A_2 = arith.constant 15 : i32
    %mul3A_3 = arith.muli %add3A_1, %mul3A_2 : i32
    %add3A_4 = arith.addi %mul3A_3, %arg1 : i32
    %c0_i32 = arith.constant 0 : i32
    %c0_i32_5 = arith.constant 0 : i32
    %c0_i32_6 = arith.constant 0 : i32
    return %add3A_4, %c0_i32, %c0_i32_5 : i32, i32, i32
  }
  func.func @transform_7(%arg0: i32, %arg1: i32) -> (i32, i32, i32) {
    %mul3A = arith.constant 16 : i32
    %mul3A_0 = arith.muli %arg0, %mul3A : i32
    %add3A = arith.constant 4 : i32
    %add3A_1 = arith.addi %mul3A_0, %add3A : i32
    %mul3A_2 = arith.constant 15 : i32
    %mul3A_3 = arith.muli %add3A_1, %mul3A_2 : i32
    %add3A_4 = arith.addi %mul3A_3, %arg1 : i32
    %c0_i32 = arith.constant 0 : i32
    %c0_i32_5 = arith.constant 0 : i32
    %c0_i32_6 = arith.constant 0 : i32
    return %add3A_4, %c0_i32, %c0_i32_5 : i32, i32, i32
  }
  func.func @transform_8(%arg0: i32, %arg1: i32) -> (i32, i32, i32) {
    %mul3A = arith.constant 16 : i32
    %mul3A_0 = arith.muli %arg0, %mul3A : i32
    %add3A = arith.constant 5 : i32
    %add3A_1 = arith.addi %mul3A_0, %add3A : i32
    %mul3A_2 = arith.constant 15 : i32
    %mul3A_3 = arith.muli %add3A_1, %mul3A_2 : i32
    %add3A_4 = arith.addi %mul3A_3, %arg1 : i32
    %c0_i32 = arith.constant 0 : i32
    %c0_i32_5 = arith.constant 0 : i32
    %c0_i32_6 = arith.constant 0 : i32
    return %add3A_4, %c0_i32, %c0_i32_5 : i32, i32, i32
  }
  func.func @transform_9(%arg0: i32, %arg1: i32) -> (i32, i32, i32) {
    %mul3A = arith.constant 16 : i32
    %mul3A_0 = arith.muli %arg0, %mul3A : i32
    %add3A = arith.constant 6 : i32
    %add3A_1 = arith.addi %mul3A_0, %add3A : i32
    %mul3A_2 = arith.constant 15 : i32
    %mul3A_3 = arith.muli %add3A_1, %mul3A_2 : i32
    %add3A_4 = arith.addi %mul3A_3, %arg1 : i32
    %c0_i32 = arith.constant 0 : i32
    %c0_i32_5 = arith.constant 0 : i32
    %c0_i32_6 = arith.constant 0 : i32
    return %add3A_4, %c0_i32, %c0_i32_5 : i32, i32, i32
  }
  func.func @transform_10(%arg0: i32, %arg1: i32) -> (i32, i32, i32) {
    %mul3A = arith.constant 16 : i32
    %mul3A_0 = arith.muli %arg0, %mul3A : i32
    %add3A = arith.constant 7 : i32
    %add3A_1 = arith.addi %mul3A_0, %add3A : i32
    %mul3A_2 = arith.constant 15 : i32
    %mul3A_3 = arith.muli %add3A_1, %mul3A_2 : i32
    %add3A_4 = arith.addi %mul3A_3, %arg1 : i32
    %c0_i32 = arith.constant 0 : i32
    %c0_i32_5 = arith.constant 0 : i32
    %c0_i32_6 = arith.constant 0 : i32
    return %add3A_4, %c0_i32, %c0_i32_5 : i32, i32, i32
  }
  func.func @transform_11(%arg0: i32, %arg1: i32) -> (i32, i32, i32) {
    %mul3A = arith.constant 16 : i32
    %mul3A_0 = arith.muli %arg0, %mul3A : i32
    %add3A = arith.constant 8 : i32
    %add3A_1 = arith.addi %mul3A_0, %add3A : i32
    %mul3A_2 = arith.constant 15 : i32
    %mul3A_3 = arith.muli %add3A_1, %mul3A_2 : i32
    %add3A_4 = arith.addi %mul3A_3, %arg1 : i32
    %c0_i32 = arith.constant 0 : i32
    %c0_i32_5 = arith.constant 0 : i32
    %c0_i32_6 = arith.constant 0 : i32
    return %add3A_4, %c0_i32, %c0_i32_5 : i32, i32, i32
  }
  func.func @transform_12(%arg0: i32, %arg1: i32) -> (i32, i32, i32) {
    %mul3A = arith.constant 16 : i32
    %mul3A_0 = arith.muli %arg0, %mul3A : i32
    %add3A = arith.constant 9 : i32
    %add3A_1 = arith.addi %mul3A_0, %add3A : i32
    %mul3A_2 = arith.constant 15 : i32
    %mul3A_3 = arith.muli %add3A_1, %mul3A_2 : i32
    %add3A_4 = arith.addi %mul3A_3, %arg1 : i32
    %c0_i32 = arith.constant 0 : i32
    %c0_i32_5 = arith.constant 0 : i32
    %c0_i32_6 = arith.constant 0 : i32
    return %add3A_4, %c0_i32, %c0_i32_5 : i32, i32, i32
  }
  func.func @transform_13(%arg0: i32, %arg1: i32) -> (i32, i32, i32) {
    %mul3A = arith.constant 16 : i32
    %mul3A_0 = arith.muli %arg0, %mul3A : i32
    %add3A = arith.constant 10 : i32
    %add3A_1 = arith.addi %mul3A_0, %add3A : i32
    %mul3A_2 = arith.constant 15 : i32
    %mul3A_3 = arith.muli %add3A_1, %mul3A_2 : i32
    %add3A_4 = arith.addi %mul3A_3, %arg1 : i32
    %c0_i32 = arith.constant 0 : i32
    %c0_i32_5 = arith.constant 0 : i32
    %c0_i32_6 = arith.constant 0 : i32
    return %add3A_4, %c0_i32, %c0_i32_5 : i32, i32, i32
  }
  func.func @transform_14(%arg0: i32, %arg1: i32) -> (i32, i32, i32) {
    %mul3A = arith.constant 16 : i32
    %mul3A_0 = arith.muli %arg0, %mul3A : i32
    %add3A = arith.constant 11 : i32
    %add3A_1 = arith.addi %mul3A_0, %add3A : i32
    %mul3A_2 = arith.constant 15 : i32
    %mul3A_3 = arith.muli %add3A_1, %mul3A_2 : i32
    %add3A_4 = arith.addi %mul3A_3, %arg1 : i32
    %c0_i32 = arith.constant 0 : i32
    %c0_i32_5 = arith.constant 0 : i32
    %c0_i32_6 = arith.constant 0 : i32
    return %add3A_4, %c0_i32, %c0_i32_5 : i32, i32, i32
  }
  func.func @transform_15(%arg0: i32, %arg1: i32) -> (i32, i32, i32) {
    %mul3A = arith.constant 16 : i32
    %mul3A_0 = arith.muli %arg0, %mul3A : i32
    %add3A = arith.constant 12 : i32
    %add3A_1 = arith.addi %mul3A_0, %add3A : i32
    %mul3A_2 = arith.constant 15 : i32
    %mul3A_3 = arith.muli %add3A_1, %mul3A_2 : i32
    %add3A_4 = arith.addi %mul3A_3, %arg1 : i32
    %c0_i32 = arith.constant 0 : i32
    %c0_i32_5 = arith.constant 0 : i32
    %c0_i32_6 = arith.constant 0 : i32
    return %add3A_4, %c0_i32, %c0_i32_5 : i32, i32, i32
  }
  func.func @transform_16(%arg0: i32, %arg1: i32) -> (i32, i32, i32) {
    %mul3A = arith.constant 16 : i32
    %mul3A_0 = arith.muli %arg0, %mul3A : i32
    %add3A = arith.constant 13 : i32
    %add3A_1 = arith.addi %mul3A_0, %add3A : i32
    %mul3A_2 = arith.constant 15 : i32
    %mul3A_3 = arith.muli %add3A_1, %mul3A_2 : i32
    %add3A_4 = arith.addi %mul3A_3, %arg1 : i32
    %c0_i32 = arith.constant 0 : i32
    %c0_i32_5 = arith.constant 0 : i32
    %c0_i32_6 = arith.constant 0 : i32
    return %add3A_4, %c0_i32, %c0_i32_5 : i32, i32, i32
  }
  func.func @transform_17(%arg0: i32, %arg1: i32) -> (i32, i32, i32) {
    %mul3A = arith.constant 16 : i32
    %mul3A_0 = arith.muli %arg0, %mul3A : i32
    %add3A = arith.constant 14 : i32
    %add3A_1 = arith.addi %mul3A_0, %add3A : i32
    %mul3A_2 = arith.constant 15 : i32
    %mul3A_3 = arith.muli %add3A_1, %mul3A_2 : i32
    %add3A_4 = arith.addi %mul3A_3, %arg1 : i32
    %c0_i32 = arith.constant 0 : i32
    %c0_i32_5 = arith.constant 0 : i32
    %c0_i32_6 = arith.constant 0 : i32
    return %add3A_4, %c0_i32, %c0_i32_5 : i32, i32, i32
  }
  func.func @transform_18(%arg0: i32, %arg1: i32) -> (i32, i32, i32) {
    %mul3A = arith.constant 16 : i32
    %mul3A_0 = arith.muli %arg0, %mul3A : i32
    %add3A = arith.constant 15 : i32
    %add3A_1 = arith.addi %mul3A_0, %add3A : i32
    %mul3A_2 = arith.constant 15 : i32
    %mul3A_3 = arith.muli %add3A_1, %mul3A_2 : i32
    %add3A_4 = arith.addi %mul3A_3, %arg1 : i32
    %c0_i32 = arith.constant 0 : i32
    %c0_i32_5 = arith.constant 0 : i32
    %c0_i32_6 = arith.constant 0 : i32
    return %add3A_4, %c0_i32, %c0_i32_5 : i32, i32, i32
  }
  func.func @transform_19(%arg0: i32, %arg1: i32) -> (i32, i32, i32) {
    %mul3A = arith.constant 16 : i32
    %mul3A_0 = arith.muli %arg0, %mul3A : i32
    %add3A = arith.constant 0 : i32
    %add3A_1 = arith.addi %mul3A_0, %add3A : i32
    %mul3A_2 = arith.constant 15 : i32
    %mul3A_3 = arith.muli %add3A_1, %mul3A_2 : i32
    %add3A_4 = arith.addi %mul3A_3, %arg1 : i32
    %c0_i32 = arith.constant 0 : i32
    %c0_i32_5 = arith.constant 0 : i32
    %c0_i32_6 = arith.constant 0 : i32
    return %add3A_4, %c0_i32, %c0_i32_5 : i32, i32, i32
  }
  func.func @transform_20(%arg0: i32, %arg1: i32) -> (i32, i32, i32) {
    %mul3A = arith.constant 16 : i32
    %mul3A_0 = arith.muli %arg0, %mul3A : i32
    %add3A = arith.constant 1 : i32
    %add3A_1 = arith.addi %mul3A_0, %add3A : i32
    %mul3A_2 = arith.constant 15 : i32
    %mul3A_3 = arith.muli %add3A_1, %mul3A_2 : i32
    %add3A_4 = arith.addi %mul3A_3, %arg1 : i32
    %c0_i32 = arith.constant 0 : i32
    %c0_i32_5 = arith.constant 0 : i32
    %c0_i32_6 = arith.constant 0 : i32
    return %add3A_4, %c0_i32, %c0_i32_5 : i32, i32, i32
  }
  func.func @transform_21(%arg0: i32, %arg1: i32) -> (i32, i32, i32) {
    %mul3A = arith.constant 16 : i32
    %mul3A_0 = arith.muli %arg0, %mul3A : i32
    %add3A = arith.constant 2 : i32
    %add3A_1 = arith.addi %mul3A_0, %add3A : i32
    %mul3A_2 = arith.constant 15 : i32
    %mul3A_3 = arith.muli %add3A_1, %mul3A_2 : i32
    %add3A_4 = arith.addi %mul3A_3, %arg1 : i32
    %c0_i32 = arith.constant 0 : i32
    %c0_i32_5 = arith.constant 0 : i32
    %c0_i32_6 = arith.constant 0 : i32
    return %add3A_4, %c0_i32, %c0_i32_5 : i32, i32, i32
  }
  func.func @transform_22(%arg0: i32, %arg1: i32) -> (i32, i32, i32) {
    %mul3A = arith.constant 16 : i32
    %mul3A_0 = arith.muli %arg0, %mul3A : i32
    %add3A = arith.constant 3 : i32
    %add3A_1 = arith.addi %mul3A_0, %add3A : i32
    %mul3A_2 = arith.constant 15 : i32
    %mul3A_3 = arith.muli %add3A_1, %mul3A_2 : i32
    %add3A_4 = arith.addi %mul3A_3, %arg1 : i32
    %c0_i32 = arith.constant 0 : i32
    %c0_i32_5 = arith.constant 0 : i32
    %c0_i32_6 = arith.constant 0 : i32
    return %add3A_4, %c0_i32, %c0_i32_5 : i32, i32, i32
  }
  func.func @transform_23(%arg0: i32, %arg1: i32) -> (i32, i32, i32) {
    %mul3A = arith.constant 16 : i32
    %mul3A_0 = arith.muli %arg0, %mul3A : i32
    %add3A = arith.constant 4 : i32
    %add3A_1 = arith.addi %mul3A_0, %add3A : i32
    %mul3A_2 = arith.constant 15 : i32
    %mul3A_3 = arith.muli %add3A_1, %mul3A_2 : i32
    %add3A_4 = arith.addi %mul3A_3, %arg1 : i32
    %c0_i32 = arith.constant 0 : i32
    %c0_i32_5 = arith.constant 0 : i32
    %c0_i32_6 = arith.constant 0 : i32
    return %add3A_4, %c0_i32, %c0_i32_5 : i32, i32, i32
  }
  func.func @transform_24(%arg0: i32, %arg1: i32) -> (i32, i32, i32) {
    %mul3A = arith.constant 16 : i32
    %mul3A_0 = arith.muli %arg0, %mul3A : i32
    %add3A = arith.constant 5 : i32
    %add3A_1 = arith.addi %mul3A_0, %add3A : i32
    %mul3A_2 = arith.constant 15 : i32
    %mul3A_3 = arith.muli %add3A_1, %mul3A_2 : i32
    %add3A_4 = arith.addi %mul3A_3, %arg1 : i32
    %c0_i32 = arith.constant 0 : i32
    %c0_i32_5 = arith.constant 0 : i32
    %c0_i32_6 = arith.constant 0 : i32
    return %add3A_4, %c0_i32, %c0_i32_5 : i32, i32, i32
  }
  func.func @transform_25(%arg0: i32, %arg1: i32) -> (i32, i32, i32) {
    %mul3A = arith.constant 16 : i32
    %mul3A_0 = arith.muli %arg0, %mul3A : i32
    %add3A = arith.constant 6 : i32
    %add3A_1 = arith.addi %mul3A_0, %add3A : i32
    %mul3A_2 = arith.constant 15 : i32
    %mul3A_3 = arith.muli %add3A_1, %mul3A_2 : i32
    %add3A_4 = arith.addi %mul3A_3, %arg1 : i32
    %c0_i32 = arith.constant 0 : i32
    %c0_i32_5 = arith.constant 0 : i32
    %c0_i32_6 = arith.constant 0 : i32
    return %add3A_4, %c0_i32, %c0_i32_5 : i32, i32, i32
  }
  func.func @transform_26(%arg0: i32, %arg1: i32) -> (i32, i32, i32) {
    %mul3A = arith.constant 16 : i32
    %mul3A_0 = arith.muli %arg0, %mul3A : i32
    %add3A = arith.constant 7 : i32
    %add3A_1 = arith.addi %mul3A_0, %add3A : i32
    %mul3A_2 = arith.constant 15 : i32
    %mul3A_3 = arith.muli %add3A_1, %mul3A_2 : i32
    %add3A_4 = arith.addi %mul3A_3, %arg1 : i32
    %c0_i32 = arith.constant 0 : i32
    %c0_i32_5 = arith.constant 0 : i32
    %c0_i32_6 = arith.constant 0 : i32
    return %add3A_4, %c0_i32, %c0_i32_5 : i32, i32, i32
  }
  func.func @transform_27(%arg0: i32, %arg1: i32) -> (i32, i32, i32) {
    %mul3A = arith.constant 16 : i32
    %mul3A_0 = arith.muli %arg0, %mul3A : i32
    %add3A = arith.constant 8 : i32
    %add3A_1 = arith.addi %mul3A_0, %add3A : i32
    %mul3A_2 = arith.constant 15 : i32
    %mul3A_3 = arith.muli %add3A_1, %mul3A_2 : i32
    %add3A_4 = arith.addi %mul3A_3, %arg1 : i32
    %c0_i32 = arith.constant 0 : i32
    %c0_i32_5 = arith.constant 0 : i32
    %c0_i32_6 = arith.constant 0 : i32
    return %add3A_4, %c0_i32, %c0_i32_5 : i32, i32, i32
  }
  func.func @transform_28(%arg0: i32, %arg1: i32) -> (i32, i32, i32) {
    %mul3A = arith.constant 16 : i32
    %mul3A_0 = arith.muli %arg0, %mul3A : i32
    %add3A = arith.constant 9 : i32
    %add3A_1 = arith.addi %mul3A_0, %add3A : i32
    %mul3A_2 = arith.constant 15 : i32
    %mul3A_3 = arith.muli %add3A_1, %mul3A_2 : i32
    %add3A_4 = arith.addi %mul3A_3, %arg1 : i32
    %c0_i32 = arith.constant 0 : i32
    %c0_i32_5 = arith.constant 0 : i32
    %c0_i32_6 = arith.constant 0 : i32
    return %add3A_4, %c0_i32, %c0_i32_5 : i32, i32, i32
  }
  func.func @transform_29(%arg0: i32, %arg1: i32) -> (i32, i32, i32) {
    %mul3A = arith.constant 16 : i32
    %mul3A_0 = arith.muli %arg0, %mul3A : i32
    %add3A = arith.constant 10 : i32
    %add3A_1 = arith.addi %mul3A_0, %add3A : i32
    %mul3A_2 = arith.constant 15 : i32
    %mul3A_3 = arith.muli %add3A_1, %mul3A_2 : i32
    %add3A_4 = arith.addi %mul3A_3, %arg1 : i32
    %c0_i32 = arith.constant 0 : i32
    %c0_i32_5 = arith.constant 0 : i32
    %c0_i32_6 = arith.constant 0 : i32
    return %add3A_4, %c0_i32, %c0_i32_5 : i32, i32, i32
  }
  func.func @transform_30(%arg0: i32, %arg1: i32) -> (i32, i32, i32) {
    %mul3A = arith.constant 16 : i32
    %mul3A_0 = arith.muli %arg0, %mul3A : i32
    %add3A = arith.constant 11 : i32
    %add3A_1 = arith.addi %mul3A_0, %add3A : i32
    %mul3A_2 = arith.constant 15 : i32
    %mul3A_3 = arith.muli %add3A_1, %mul3A_2 : i32
    %add3A_4 = arith.addi %mul3A_3, %arg1 : i32
    %c0_i32 = arith.constant 0 : i32
    %c0_i32_5 = arith.constant 0 : i32
    %c0_i32_6 = arith.constant 0 : i32
    return %add3A_4, %c0_i32, %c0_i32_5 : i32, i32, i32
  }
  func.func @transform_31(%arg0: i32, %arg1: i32) -> (i32, i32, i32) {
    %mul3A = arith.constant 16 : i32
    %mul3A_0 = arith.muli %arg0, %mul3A : i32
    %add3A = arith.constant 12 : i32
    %add3A_1 = arith.addi %mul3A_0, %add3A : i32
    %mul3A_2 = arith.constant 15 : i32
    %mul3A_3 = arith.muli %add3A_1, %mul3A_2 : i32
    %add3A_4 = arith.addi %mul3A_3, %arg1 : i32
    %c0_i32 = arith.constant 0 : i32
    %c0_i32_5 = arith.constant 0 : i32
    %c0_i32_6 = arith.constant 0 : i32
    return %add3A_4, %c0_i32, %c0_i32_5 : i32, i32, i32
  }
  func.func @transform_32(%arg0: i32, %arg1: i32) -> (i32, i32, i32) {
    %mul3A = arith.constant 16 : i32
    %mul3A_0 = arith.muli %arg0, %mul3A : i32
    %add3A = arith.constant 13 : i32
    %add3A_1 = arith.addi %mul3A_0, %add3A : i32
    %mul3A_2 = arith.constant 15 : i32
    %mul3A_3 = arith.muli %add3A_1, %mul3A_2 : i32
    %add3A_4 = arith.addi %mul3A_3, %arg1 : i32
    %c0_i32 = arith.constant 0 : i32
    %c0_i32_5 = arith.constant 0 : i32
    %c0_i32_6 = arith.constant 0 : i32
    return %add3A_4, %c0_i32, %c0_i32_5 : i32, i32, i32
  }
  func.func @transform_33(%arg0: i32, %arg1: i32) -> (i32, i32, i32) {
    %mul3A = arith.constant 16 : i32
    %mul3A_0 = arith.muli %arg0, %mul3A : i32
    %add3A = arith.constant 14 : i32
    %add3A_1 = arith.addi %mul3A_0, %add3A : i32
    %mul3A_2 = arith.constant 15 : i32
    %mul3A_3 = arith.muli %add3A_1, %mul3A_2 : i32
    %add3A_4 = arith.addi %mul3A_3, %arg1 : i32
    %c0_i32 = arith.constant 0 : i32
    %c0_i32_5 = arith.constant 0 : i32
    %c0_i32_6 = arith.constant 0 : i32
    return %add3A_4, %c0_i32, %c0_i32_5 : i32, i32, i32
  }
  func.func @transform_34(%arg0: i32, %arg1: i32) -> (i32, i32, i32) {
    %mul3A = arith.constant 16 : i32
    %mul3A_0 = arith.muli %arg0, %mul3A : i32
    %add3A = arith.constant 15 : i32
    %add3A_1 = arith.addi %mul3A_0, %add3A : i32
    %mul3A_2 = arith.constant 15 : i32
    %mul3A_3 = arith.muli %add3A_1, %mul3A_2 : i32
    %add3A_4 = arith.addi %mul3A_3, %arg1 : i32
    %c0_i32 = arith.constant 0 : i32
    %c0_i32_5 = arith.constant 0 : i32
    %c0_i32_6 = arith.constant 0 : i32
    return %add3A_4, %c0_i32, %c0_i32_5 : i32, i32, i32
  }
  func.func @transform_35(%arg0: i32, %arg1: i32) -> (i32, i32) {
    %c0_i32 = arith.constant 0 : i32
    %c0_i32_0 = arith.constant 0 : i32
    %c0_i32_1 = arith.constant 0 : i32
    return %c0_i32, %c0_i32_0 : i32, i32
  }
  func.func @transform_36(%arg0: i32, %arg1: i32) -> (i32, i32) {
    %c0_i32 = arith.constant 0 : i32
    %c0_i32_0 = arith.constant 0 : i32
    %c0_i32_1 = arith.constant 0 : i32
    return %c0_i32, %c0_i32_0 : i32, i32
  }
  func.func @transform_37(%arg0: i32, %arg1: i32) -> (i32, i32) {
    %c0_i32 = arith.constant 0 : i32
    %c0_i32_0 = arith.constant 0 : i32
    %c0_i32_1 = arith.constant 0 : i32
    return %c0_i32, %c0_i32_0 : i32, i32
  }
  func.func @transform_38(%arg0: i32, %arg1: i32) -> (i32, i32, i32, i32) {
    %c0_i32 = arith.constant 0 : i32
    %c0_i32_0 = arith.constant 0 : i32
    %c0_i32_1 = arith.constant 0 : i32
    return %arg0, %arg1, %c0_i32, %c0_i32_0 : i32, i32, i32, i32
  }
}

</mosaic_0001>

<sc_bundles>
// kernel: kernel.11.cloned.1.call-start
scs
__scs_entry_jumppad:
0x0: {  	(pc) =	sbr.rel $0x88, $3  }
0x1: {  	(tag) =	ssettag $0x0;
	lr =	simm.s32 $0x1  }
0x2: {  	[smem:$0x3F8A] =	sst lr;
	_ =	strace $0xD0000000  }
0x3: {  	_ = 	snop  }
0x4: {  	_ = 	snop  }
0x5: {  	_ = 	snop  }
0x6: {  	_ = 	snop  }
0x7: {  	_ = 	snop  }
__scs_overlays_trampoline_lowered:
0x8: {  	[smem:$0x3F99] =	sst s0  }
0x9: {  	[smem:$0x3F9A] =	sst s1  }
0xa: {  	[smem:$0x3F9B] =	sst s2  }
0xb: {  	[smem:$0x3F9C] =	sst s3  }
0xc: {  	[smem:$0x3F9D] =	sst s4  }
0xd: {  	[smem:$0x3F9E] =	sst s5  }
0xe: {  	[smem:$0x3F9F] =	sst s6  }
0xf: {  	[smem:$0x3FA0] =	sst s7  }
0x10: {  	[smem:$0x3FA1] =	sst s8  }
0x11: {  	[smem:$0x3FA2] =	sst s9;
	s0 =	simm.s32 @!p0 $0x0  }
0x12: {  	s1 =	sld [smem:$0x3F88];
	s0 =	simm.s32 @p0 $0x1  }
0x13: {  	[smem:$0x3FA3] =	sst s0;
	s0 =	simm.s32 @!p1 $0x0  }
0x14: {  	s2 =	sld [smem:$0x3F87];
	s0 =	simm.s32 @p1 $0x1  }
0x15: {  	[smem:$0x3FA4] =	sst s0;
	s0 =	simm.s32 @!p2 $0x0  }
0x16: {  	s3 =	sld [smem:$0x3FDB];
	s0 =	simm.s32 @p2 $0x1  }
0x17: {  	s4 =	simm.s32 $0x1BF5;
	[smem:$0x3FA6] =	sst s0  }
0x18: {  	s0 =	sld [smem:$0x3F89];
	_ =	swait.ge [sflag:s4], $0x0  }
0x19: {  	s7 =	sld [smem:$0x3F8A]  }
0x1a: {  	s8 =	sadd.s32 $0xFFFFE003, lr  }
0x1b: {  	s9 =	sadd.s32 $0xFFFFFEF7, lr;
	s5 =	simm.s32 $0xFFFFFFFF;
	p2 =	slt.u32 s8, $0xFFFFF086  }
0x1c: {  	p1 =	slt.u32 s9, $0xF7A;
	s5 =	simm.s32 @!p2 $0x0  }
0x1d: {  	s5 =	simm.s32 @p1 $0x1;
	p0 =	seq.s32 s7, s2  }
0x1e: {  	s7 =	smul.u32 @!p0 $0xF7A, s2;
	p2 =	seq.s32 @!p0 s5, $0x0  }
0x1f: {  	s9 =	smul.u32 $0xF7A, s1;
	s8 =	simm.s32 @!p0 $0x1BF5;
	p2 =	por !p2, p0  }
0x20: {  	[sflag:s8] =	ssyncset.s32 @!p0 $0xFFFFF086;
	s6 =	sadd.s32 @!p0 s3, s7;
	s7 =	simm.s32 @!p0 $0x108  }
0x21: {  	s3 =	sadd.s32 s3, s9;
	s6 =	sadd.s32 @!p0 $0x88, s6;
	s7 =	simm.s32 @p2 $0x1082  }
0x22: {  	[simem:s7], [sflag:s8] =	dma.local @!p0 [hbm:s6], $0xF7A  }
0x23: {  	s9 =	sor.u32 $0xD0000000, s2;
	s6 =	simm.s32 $0x108;
	_ =	swait.ge @!p0 [sflag:s8], $0x0  }
0x24: {  	s3 =	sadd.s32 $0x88, s3;
	s6 =	simm.s32 @!p1 $0x1082;
	[sflag:s4] =	ssyncset.s32 $0xFFFFF086  }
0x25: {  	[simem:s6], [sflag:s4] =	dma.local [hbm:s3], $0xF7A  }
0x26: {  	[smem:$0x3F8A] =	sst s1;
	(tag) =	ssettag s2;
	_ =	strace s9  }
0x27: {  	s1 =	sld [smem:$0x3F9A]  }
0x28: {  	s2 =	sld [smem:$0x3F9B]  }
0x29: {  	s4 =	sld [smem:$0x3F9D]  }
0x2a: {  	p0 =	seq.s32 s5, $0x0;
	s5 =	sld [smem:$0x3F9E]  }
0x2b: {  	s6 =	sld [smem:$0x3F9F]  }
0x2c: {  	s7 =	sld [smem:$0x3FA0]  }
0x2d: {  	s3 =	simm.s32 $0x108;
	s8 =	sld [smem:$0x3FA1]  }
0x2e: {  	s3 =	simm.s32 @!p0 $0x1082;
	s9 =	sld [smem:$0x3FA2]  }
0x2f: {  	lr =	sadd.s32 s0, s3;
	s0 =	sld [smem:$0x3F99]  }
0x30: {  	s3 =	sld [smem:$0x3F9C]  }
0x31: {  	[smem:$0x3FA5] =	sst s10  }
0x32: {  	s10 =	sld [smem:$0x3FA3];
	_ =	sdelay $0x3  }
0x33: {  	p0 =	seq.s32 s10, $0x1;
	s10 =	sld [smem:$0x3FA5];
	_ =	sdelay $0x3  }
0x34: {  	[smem:$0x3FA5] =	sst s10  }
0x35: {  	s10 =	sld [smem:$0x3FA4];
	_ =	sdelay $0x3  }
0x36: {  	p1 =	seq.s32 s10, $0x1;
	s10 =	sld [smem:$0x3FA5];
	_ =	sdelay $0x3  }
0x37: {  	[smem:$0x3FA5] =	sst s10  }
0x38: {  	s10 =	sld [smem:$0x3FA6]  }
0x39: {  	_ = 	snop;
	(pc) =	sbr.ind lr, $3  }
0x3a: {  	_ = 	snop  }
0x3b: {  	_ = 	snop  }
0x3c: {  	p2 =	seq.s32 s10, $0x1;
	s10 =	sld [smem:$0x3FA5]  }
0x3d: {  	_ =	shalt  }
0x3e: {  	_ =	shalt  }
0x3f: {  	_ =	shalt  }
0x40: {  	_ =	shalt  }
0x41: {  	_ =	shalt  }
0x42: {  	_ =	shalt  }
0x43: {  	_ =	shalt  }
0x44: {  	_ =	shalt  }
0x45: {  	_ =	shalt  }
0x46: {  	_ =	shalt  }
0x47: {  	_ =	shalt  }
0x48: {  	_ =	shalt  }
0x49: {  	_ =	shalt  }
0x4a: {  	_ =	shalt  }
0x4b: {  	_ =	shalt  }
0x4c: {  	_ =	shalt  }
0x4d: {  	_ =	shalt  }
0x4e: {  	_ =	shalt  }
0x4f: {  	_ =	shalt  }
0x50: {  	_ =	shalt  }
0x51: {  	_ =	shalt  }
0x52: {  	_ =	shalt  }
0x53: {  	_ =	shalt  }
0x54: {  	_ =	shalt  }
0x55: {  	_ =	shalt  }
0x56: {  	_ =	shalt  }
0x57: {  	_ =	shalt  }
0x58: {  	_ =	shalt  }
0x59: {  	_ =	shalt  }
0x5a: {  	_ =	shalt  }
0x5b: {  	_ =	shalt  }
0x5c: {  	_ =	shalt  }
0x5d: {  	_ =	shalt  }
0x5e: {  	_ =	shalt  }
0x5f: {  	_ =	shalt  }
0x60: {  	_ =	shalt  }
0x61: {  	_ =	shalt  }
0x62: {  	_ =	shalt  }
0x63: {  	_ =	shalt  }
0x64: {  	_ =	shalt  }
0x65: {  	_ =	shalt  }
0x66: {  	_ =	shalt  }
0x67: {  	_ =	shalt  }
0x68: {  	_ =	shalt  }
0x69: {  	_ =	shalt  }
0x6a: {  	_ =	shalt  }
0x6b: {  	_ =	shalt  }
0x6c: {  	_ =	shalt  }
0x6d: {  	_ =	shalt  }
0x6e: {  	_ =	shalt  }
0x6f: {  	_ =	shalt  }
0x70: {  	_ =	shalt  }
0x71: {  	_ =	shalt  }
0x72: {  	_ =	shalt  }
0x73: {  	_ =	shalt  }
0x74: {  	_ =	shalt  }
0x75: {  	_ =	shalt  }
0x76: {  	_ =	shalt  }
0x77: {  	_ =	shalt  }
0x78: {  	_ =	shalt  }
0x79: {  	_ =	shalt  }
0x7a: {  	_ =	shalt  }
0x7b: {  	_ =	shalt  }
0x7c: {  	_ =	shalt  }
0x7d: {  	_ =	shalt  }
0x7e: {  	_ =	shalt  }
0x7f: {  	_ =	shalt  }
0x80: {  	_ =	shalt  }
0x81: {  	_ =	shalt  }
0x82: {  	_ =	shalt  }
0x83: {  	_ =	shalt  }
0x84: {  	_ =	shalt  }
0x85: {  	_ =	shalt  }
0x86: {  	_ =	shalt  }
0x87: {  	_ =	shalt  }
.Lfunc_end0:
.L_simem_size_0:
called_computation_lowered:
.L_overlay_start_0:
0x88: {  	s2 =	sld [smem:$0x3FD9]  }
0x89: {  	s3 =	sld [smem:$0x3FFE];
	_ =	sdelay $0x1  }
0x8a: {  	s1 =	srdreg.scid  }
0x8b: {  	s0 =	sand.u32 $0x1, s1  }
0x8c: {  	s17 =	sshll.u32 s0, $0xA;
	s2 =	sadd.s32 s3, s2  }
0x8d: {  	s2 =	sadd.s32 s2, s17  }
0x8e: {  	[smem:$0x3FB1] =	sst s2  }
0x8f: {  	_ = 	snop  }
0x90: {  	s2 =	sld [smem:$0x3FD0];
	(tm) =	ssettm $0x1  }
0x91: {  	s18 =	sld [smem:$0x3FFB];
	_ =	sdelay $0x3  }
0x92: {  	_ =	strace s18  }
0x93: {  	s3 =	sld [smem:$0x3FFC];
	_ =	sdelay $0x3  }
0x94: {  	_ =	strace s3  }
0x95: {  	s3 =	sld [smem:$0x3FFD];
	_ =	sdelay $0x3  }
0x96: {  	_ =	strace s3  }
0x97: {  	_ =	strace $0x8FFFFFFF  }
0x98: {  	s19 =	sld [smem:$0x3FDB];
	_ =	sdelay $0x1  }
0x99: {  	s4 =	simm.s32 $_scs_section_size  }
0x9a: {  	s5 =	simm.s32 $_size__tile_overlayer_lowered;
	s6 =	simm.s32 $_tile_overlayer_lowered  }
0x9b: {  	s22 =	simm.s32 $0x1BFF;
	s21 =	sshll.u32 s6, $0x1;
	s3 =	sadd.s32 s4, s19  }
0x9c: {  	s7 =	simm.s32 $0x0;
	s20 =	sshll.u32 s5, $0x1;
	s5 =	sadd.s32 s21, s3  }
0x9d: {  	[timem:s7], [sflag:s22] =	dma.local [hbm:s5], s20  }
0x9e: {  	_ =	swait.ge [sflag:s22], s20  }
0x9f: {  	s4 =	ssub.s32 $0x0, s20;
	[sflag:s22] =	ssyncset.done $0x0  }
0xa0: {  	[sflag:s22] =	ssyncadd.s32 s4;
	_ =	sdelay $0x1  }
0xa1: {  	s23 =	simm.s32 $0x1B8B  }
0xa2: {  	_ =	swait.ge [sflag:s23], $0x1  }
0xa3: {  	[sflag:s23] =	ssyncset.done $0x0  }
0xa4: {  	s25 =	simm.s32 $0x1B8E;
	s24 =	sld [smem:$0x3FFE];
	[sflag:s23] =	ssyncadd.s32 $0xFFFFFFFF  }
0xa5: {  	s26 =	simm.s32 $execute0_lowered;
	[smem:$0x3FD2] =	sst s25  }
0xa6: {  	s5 =	sshll.u32 s26, $0x1;
	_ =	strace $0x80000046;
	[dreg:$0x1] =	wrdreg $0xFFFFFFFF  }
0xa7: {  	s28 =	simm.s32 $_size_execute0_lowered;
	s3 =	sadd.s32 s3, s5;
	[dreg:$0x0] =	wrdreg $0x0  }
0xa8: {  	s5 =	sshll.u32 s28, $0x1;
	[dreg:$0x2] =	wrdreg s3  }
0xa9: {  	[dreg:$0x3] =	wrdreg s5  }
0xaa: {  	[dreg:$0x4] =	wrdreg $0xC0  }
0xab: {  	_ =	task [dreg:s7], $0x5FFFF  }
0xac: {  	[dreg:$0x1] =	wrdreg $0xFFFFFFFF  }
0xad: {  	[dreg:$0x0] =	wrdreg $0x60  }
0xae: {  	[dreg:$0x2] =	wrdreg s2  }
0xaf: {  	[dreg:$0x3] =	wrdreg s24  }
0xb0: {  	[dreg:$0x4] =	wrdreg $0x9  }
0xb1: {  	_ =	task.clear_ibuf [dreg:s7], $0x5FFFF;
	_ =	strace $0x90000046  }
0xb2: {  	s29 =	simm.s32 $0x9;
	_ =	strace $0x80000048  }
0xb3: {  	_ =	swait.ge [sflag:s29], $0x1  }
0xb4: {  	[sflag:s29] =	ssyncadd.s32 $0xFFFFFFFF  }
0xb5: {  	_ =	strace $0x90000048  }
0xb6: {  	_ =	sfence  }
0xb7: {  	s30 =	sld [smem:$0x0];
	_ =	sdelay $0x2  }
0xb8: {  	s31 =	sshll.u32 s1, $0xD;
	s1 =	sshrl.u32 s1, $0x2  }
0xb9: {  	s3 =	sand.u32 $0x4000, s31;
	s1 =	sadd.s32 s1, s30  }
0xba: {  	s0 =	sor.u32 s3, s0;
	s1 =	sshll.u32 s1, $0x11  }
0xbb: {  	s0 =	sor.u32 s1, s0  }
0xbc: {  	s0 =	sadd.s32 $0x8F2B, s0  }
0xbd: {  	[sflag:s0] =	ssyncadd.remote.s32 $0x1  }
0xbe: {  	_ =	sfence.sel $0xFFFF  }
0xbf: {  	[dreg:$0x0] =	wrdreg $0xFFFFFFFF;
	(pc) =	sbr.abs _section_cstart, $3  }
0xc0: {  	[dreg:$0x1] =	wrdreg $0xFFFFFFFF  }
0xc1: {  	_ =	task.clear_ibuf [dreg:s7], $0x2FFFF;
	_ =	strace $0x9FFFFFFF  }
0xc2: {  	(tm) =	ssettm $0x7FFFFFFF  }
0xc3: {  	_ =	shalt  }
tec
execute0_lowered:
.L_overlay_start_1:
0x0: {  	(tag) =	ssettag $0x1  }
0x1: {  	s1 =	srdreg.scid  }
0x2: {  	s2 =	rddreg [dreg:$0x0];
	s0 =	stileid.u32;
	s10 =	sand.u32 $0x1, s1  }
0x3: {  	s8 =	rddreg [dreg:$0x1];
	s4 =	sshll.u32 s0, $0x7;
	s5 =	sshll.u32 s10, $0x6  }
0x4: {  	s3 =	simm.s32 $0x0;
	s1 =	rddreg [dreg:$0x2];
	s4 =	sor.u32 s5, s4  }
0x5: {  	[smem:$0x7FF] =	sst s3;
	s11 =	sadd.s32 s4, s8  }
0x6: {  	_ =	strace $0x80000047;
	s4 =	simm.s32 $0x2;
	s5 =	sadd.s32 $0x16200, s11  }
0x7: {  	[tilespmem:s3], [sflag:$0x2] =	stream.linear.gather [hbm4b:s5+s3], $0x200, $0x38;
	[tilespmem:$0x600] =	vst v63  }
0x8: {  	_ =	swait.ge [sflag:s4], $0x200  }
0x9: {  	[sflag:s4] =	ssyncset.done $0x0  }
0xa: {  	s6 =	simm.s32 $0x200;
	s7 =	simm.s32 $0x1;
	[sflag:s4] =	ssyncadd.s32 $0xFFFFFE00  }
0xb: {  	[tilespmem:s6], [sflag:$0x1] =	stream.indirect.gather [hbm4b:s2+s6], $0x1, s3, s6, $0xb8;
	[tilespmem:$0x600] =	vst v63  }
0xc: {  	_ =	swait.ge [sflag:s7], $0x200  }
0xd: {  	s9 =	simm.s32 $0x400;
	[sflag:s7] =	ssyncset.done $0x0  }
0xe: {  	s12 =	ssub.s32 $0x2, s10;
	s8 =	sadd.s32 $0x6200, s8;
	[sflag:s7] =	ssyncadd.s32 $0xFFFFFE00  }
0xf: {  	[tilespmem:s9], [sflag:$0x1] =	stream.indirect.gather [hbm4b:s8+s6], $0x1, s3, s6, $0xb8;
	[tilespmem:$0x600] =	vst v63  }
0x10: {  	s13 =	sshrl.u32 s12, $0x1;
	_ =	swait.ge [sflag:s7], $0x200  }
0x11: {  	s12 =	ssub.s32 s12, s13;
	[sflag:s7] =	ssyncset.done $0x0  }
0x12: {  	s10 =	sadd.s32 $0x16A00, s11;
	s12 =	smax.u32 s12, $0x1;
	[sflag:s7] =	ssyncadd.s32 $0xFFFFFE00  }
0x13: {  	[hbm4b:s10+s3] =	stream.linear.scatter [tilespmem:s6], [sflag:$0x2], $0x200, $0x38;
	[tilespmem:$0x600] =	vst v63  }
0x14: {  	p0 =	sne.s32 s12, $0x1;
	_ =	swait.ge [sflag:s4], $0x200  }
.Ltmp0:
0x15: {  	[sflag:s4] =	ssyncset.done $0x0;
	(pc) =	sbr.rel @!p0 .LBB2_2-.Ltmp0, $4  }
0x16: {  	s11 =	sadd.s32 $0x17200, s11;
	[sflag:s4] =	ssyncadd.s32 $0xFFFFFE00  }
0x17: {  	[hbm4b:s11+s3] =	stream.linear.scatter [tilespmem:s9], [sflag:$0x2], $0x200, $0x38;
	[tilespmem:$0x600] =	vst v63  }
0x18: {  	_ =	swait.ge [sflag:s4], $0x200  }
0x19: {  	s12 =	sadd.s32 $0xFFFFFFFF, s12;
	[sflag:s4] =	ssyncset.done $0x0  }
.LBB2_1:
0x1a: {  	p0 =	sne.s32 s12, $0x1;
	s12 =	sadd.s32 $0xFFFFFFFF, s12;
	[sflag:s4] =	ssyncadd.s32 $0xFFFFFE00  }
0x1b: {  	[tilespmem:s3], [sflag:$0x2] =	stream.linear.gather [hbm4b:s5+s3], $0x200, $0x38;
	[tilespmem:$0x600] =	vst v63  }
0x1c: {  	_ =	swait.ge [sflag:s4], $0x200  }
0x1d: {  	[sflag:s4] =	ssyncset.done $0x0  }
0x1e: {  	[sflag:s4] =	ssyncadd.s32 $0xFFFFFE00  }
0x1f: {  	[tilespmem:s6], [sflag:$0x1] =	stream.indirect.gather [hbm4b:s2+s6], $0x1, s3, s6, $0xb8;
	[tilespmem:$0x600] =	vst v63  }
0x20: {  	_ =	swait.ge [sflag:s7], $0x200  }
0x21: {  	[sflag:s7] =	ssyncset.done $0x0  }
0x22: {  	[sflag:s7] =	ssyncadd.s32 $0xFFFFFE00  }
0x23: {  	[tilespmem:s9], [sflag:$0x1] =	stream.indirect.gather [hbm4b:s8+s6], $0x1, s3, s6, $0xb8;
	[tilespmem:$0x600] =	vst v63  }
0x24: {  	_ =	swait.ge [sflag:s7], $0x200  }
0x25: {  	[sflag:s7] =	ssyncset.done $0x0  }
0x26: {  	[sflag:s7] =	ssyncadd.s32 $0xFFFFFE00  }
0x27: {  	[hbm4b:s10+s3] =	stream.linear.scatter [tilespmem:s6], [sflag:$0x2], $0x200, $0x38;
	[tilespmem:$0x600] =	vst v63  }
0x28: {  	_ =	swait.ge [sflag:s4], $0x200  }
.Ltmp1:
0x29: {  	[sflag:s4] =	ssyncset.done $0x0;
	(pc) =	sbr.rel @p0 .LBB2_1-.Ltmp1, $4  }
0x2a: {  	[sflag:s4] =	ssyncadd.s32 $0xFFFFFE00  }
0x2b: {  	[hbm4b:s11+s3] =	stream.linear.scatter [tilespmem:s9], [sflag:$0x2], $0x200, $0x38;
	[tilespmem:$0x600] =	vst v63  }
0x2c: {  	_ =	swait.ge [sflag:s4], $0x200  }
0x2d: {  	[sflag:s4] =	ssyncset.done $0x0  }
.LBB2_2:
0x2e: {  	[sflag:s4] =	ssyncadd.s32 $0xFFFFFE00  }
0x2f: {  	_ =	sfence.sel $0x180000  }
0x30: {  	[bflag:$0x0] =	sbarrier.arrive $0xFFFF  }
0x31: {  	p0 =	sne.s32 s0, $0x0;
	_ =	strace $0x90000047  }
0x32: {  	s0 =	sadd.s32 @!p0 $0x100000, s1;
	[bflag:$0x2] =	sbarrier.arrive $0xFFFF  }
0x33: {  	[sflag:s0] =	ssyncadd.tile.s32 @!p0 $0x1;
	_ =	shalt  }
.Lfunc_end2:
_tile_overlayer_lowered:
.L_overlay_start_2:
0x34: {  	(tag) =	ssettag $0x2  }
0x35: {  	s0 =	rddreg [dreg:$0x0];
	s2 =	stileid.u32  }
0x36: {  	s1 =	rddreg [dreg:$0x1];
	p0 =	sne.s32 s2, $0x0  }
0x37: {  	s3 =	rddreg [dreg:$0x2];
	[bflag:$0x3] =	sbarrier.arrive $0xFFFF;
	s2 =	simm.s32 @!p0 $0x1C02  }
0x38: {  	[timem:s3], [sflag:s2] =	dma.local @!p0 [hbm:s0], s1  }
0x39: {  	s0 =	simm.s32 @!p0 $0x2  }
0x3a: {  	_ =	swait.ge @!p0 [sflag:s0], s1  }
0x3b: {  	s1 =	ssub.s32 @!p0 $0x0, s1;
	[sflag:s0] =	ssyncset.done @!p0 $0x0  }
0x3c: {  	[sflag:s0] =	ssyncadd.s32 @!p0 s1  }
0x3d: {  	[bflag:$0x3] =	sbarrier.arrive $0xFFFF  }
0x3e: {  	_ =	shalt  }

// kernel: kernel.14.cloned.1.call-start
scs
__scs_entry_jumppad:
0x0: {  	(pc) =	sbr.rel $0x88, $3  }
0x1: {  	(tag) =	ssettag $0x0;
	lr =	simm.s32 $0x1  }
0x2: {  	[smem:$0x3F8A] =	sst lr;
	_ =	strace $0xD0000000  }
0x3: {  	_ = 	snop  }
0x4: {  	_ = 	snop  }
0x5: {  	_ = 	snop  }
0x6: {  	_ = 	snop  }
0x7: {  	_ = 	snop  }
__scs_overlays_trampoline_lowered:
0x8: {  	[smem:$0x3F99] =	sst s0  }
0x9: {  	[smem:$0x3F9A] =	sst s1  }
0xa: {  	[smem:$0x3F9B] =	sst s2  }
0xb: {  	[smem:$0x3F9C] =	sst s3  }
0xc: {  	[smem:$0x3F9D] =	sst s4  }
0xd: {  	[smem:$0x3F9E] =	sst s5  }
0xe: {  	[smem:$0x3F9F] =	sst s6  }
0xf: {  	[smem:$0x3FA0] =	sst s7  }
0x10: {  	[smem:$0x3FA1] =	sst s8  }
0x11: {  	[smem:$0x3FA2] =	sst s9;
	s0 =	simm.s32 @!p0 $0x0  }
0x12: {  	s1 =	sld [smem:$0x3F88];
	s0 =	simm.s32 @p0 $0x1  }
0x13: {  	[smem:$0x3FA3] =	sst s0;
	s0 =	simm.s32 @!p1 $0x0  }
0x14: {  	s2 =	sld [smem:$0x3F87];
	s0 =	simm.s32 @p1 $0x1  }
0x15: {  	[smem:$0x3FA4] =	sst s0;
	s0 =	simm.s32 @!p2 $0x0  }
0x16: {  	s3 =	sld [smem:$0x3FDB];
	s0 =	simm.s32 @p2 $0x1  }
0x17: {  	s4 =	simm.s32 $0x1BF5;
	[smem:$0x3FA6] =	sst s0  }
0x18: {  	s0 =	sld [smem:$0x3F89];
	_ =	swait.ge [sflag:s4], $0x0  }
0x19: {  	s7 =	sld [smem:$0x3F8A]  }
0x1a: {  	s8 =	sadd.s32 $0xFFFFE003, lr  }
0x1b: {  	s9 =	sadd.s32 $0xFFFFFEF7, lr;
	s5 =	simm.s32 $0xFFFFFFFF;
	p2 =	slt.u32 s8, $0xFFFFF086  }
0x1c: {  	p1 =	slt.u32 s9, $0xF7A;
	s5 =	simm.s32 @!p2 $0x0  }
0x1d: {  	s5 =	simm.s32 @p1 $0x1;
	p0 =	seq.s32 s7, s2  }
0x1e: {  	s7 =	smul.u32 @!p0 $0xF7A, s2;
	p2 =	seq.s32 @!p0 s5, $0x0  }
0x1f: {  	s9 =	smul.u32 $0xF7A, s1;
	s8 =	simm.s32 @!p0 $0x1BF5;
	p2 =	por !p2, p0  }
0x20: {  	[sflag:s8] =	ssyncset.s32 @!p0 $0xFFFFF086;
	s6 =	sadd.s32 @!p0 s3, s7;
	s7 =	simm.s32 @!p0 $0x108  }
0x21: {  	s3 =	sadd.s32 s3, s9;
	s6 =	sadd.s32 @!p0 $0x88, s6;
	s7 =	simm.s32 @p2 $0x1082  }
0x22: {  	[simem:s7], [sflag:s8] =	dma.local @!p0 [hbm:s6], $0xF7A  }
0x23: {  	s9 =	sor.u32 $0xD0000000, s2;
	s6 =	simm.s32 $0x108;
	_ =	swait.ge @!p0 [sflag:s8], $0x0  }
0x24: {  	s3 =	sadd.s32 $0x88, s3;
	s6 =	simm.s32 @!p1 $0x1082;
	[sflag:s4] =	ssyncset.s32 $0xFFFFF086  }
0x25: {  	[simem:s6], [sflag:s4] =	dma.local [hbm:s3], $0xF7A  }
0x26: {  	[smem:$0x3F8A] =	sst s1;
	(tag) =	ssettag s2;
	_ =	strace s9  }
0x27: {  	s1 =	sld [smem:$0x3F9A]  }
0x28: {  	s2 =	sld [smem:$0x3F9B]  }
0x29: {  	s4 =	sld [smem:$0x3F9D]  }
0x2a: {  	p0 =	seq.s32 s5, $0x0;
	s5 =	sld [smem:$0x3F9E]  }
0x2b: {  	s6 =	sld [smem:$0x3F9F]  }
0x2c: {  	s7 =	sld [smem:$0x3FA0]  }
0x2d: {  	s3 =	simm.s32 $0x108;
	s8 =	sld [smem:$0x3FA1]  }
0x2e: {  	s3 =	simm.s32 @!p0 $0x1082;
	s9 =	sld [smem:$0x3FA2]  }
0x2f: {  	lr =	sadd.s32 s0, s3;
	s0 =	sld [smem:$0x3F99]  }
0x30: {  	s3 =	sld [smem:$0x3F9C]  }
0x31: {  	[smem:$0x3FA5] =	sst s10  }
0x32: {  	s10 =	sld [smem:$0x3FA3];
	_ =	sdelay $0x3  }
0x33: {  	p0 =	seq.s32 s10, $0x1;
	s10 =	sld [smem:$0x3FA5];
	_ =	sdelay $0x3  }
0x34: {  	[smem:$0x3FA5] =	sst s10  }
0x35: {  	s10 =	sld [smem:$0x3FA4];
	_ =	sdelay $0x3  }
0x36: {  	p1 =	seq.s32 s10, $0x1;
	s10 =	sld [smem:$0x3FA5];
	_ =	sdelay $0x3  }
0x37: {  	[smem:$0x3FA5] =	sst s10  }
0x38: {  	s10 =	sld [smem:$0x3FA6]  }
0x39: {  	_ = 	snop;
	(pc) =	sbr.ind lr, $3  }
0x3a: {  	_ = 	snop  }
0x3b: {  	_ = 	snop  }
0x3c: {  	p2 =	seq.s32 s10, $0x1;
	s10 =	sld [smem:$0x3FA5]  }
0x3d: {  	_ =	shalt  }
0x3e: {  	_ =	shalt  }
0x3f: {  	_ =	shalt  }
0x40: {  	_ =	shalt  }
0x41: {  	_ =	shalt  }
0x42: {  	_ =	shalt  }
0x43: {  	_ =	shalt  }
0x44: {  	_ =	shalt  }
0x45: {  	_ =	shalt  }
0x46: {  	_ =	shalt  }
0x47: {  	_ =	shalt  }
0x48: {  	_ =	shalt  }
0x49: {  	_ =	shalt  }
0x4a: {  	_ =	shalt  }
0x4b: {  	_ =	shalt  }
0x4c: {  	_ =	shalt  }
0x4d: {  	_ =	shalt  }
0x4e: {  	_ =	shalt  }
0x4f: {  	_ =	shalt  }
0x50: {  	_ =	shalt  }
0x51: {  	_ =	shalt  }
0x52: {  	_ =	shalt  }
0x53: {  	_ =	shalt  }
0x54: {  	_ =	shalt  }
0x55: {  	_ =	shalt  }
0x56: {  	_ =	shalt  }
0x57: {  	_ =	shalt  }
0x58: {  	_ =	shalt  }
0x59: {  	_ =	shalt  }
0x5a: {  	_ =	shalt  }
0x5b: {  	_ =	shalt  }
0x5c: {  	_ =	shalt  }
0x5d: {  	_ =	shalt  }
0x5e: {  	_ =	shalt  }
0x5f: {  	_ =	shalt  }
0x60: {  	_ =	shalt  }
0x61: {  	_ =	shalt  }
0x62: {  	_ =	shalt  }
0x63: {  	_ =	shalt  }
0x64: {  	_ =	shalt  }
0x65: {  	_ =	shalt  }
0x66: {  	_ =	shalt  }
0x67: {  	_ =	shalt  }
0x68: {  	_ =	shalt  }
0x69: {  	_ =	shalt  }
0x6a: {  	_ =	shalt  }
0x6b: {  	_ =	shalt  }
0x6c: {  	_ =	shalt  }
0x6d: {  	_ =	shalt  }
0x6e: {  	_ =	shalt  }
0x6f: {  	_ =	shalt  }
0x70: {  	_ =	shalt  }
0x71: {  	_ =	shalt  }
0x72: {  	_ =	shalt  }
0x73: {  	_ =	shalt  }
0x74: {  	_ =	shalt  }
0x75: {  	_ =	shalt  }
0x76: {  	_ =	shalt  }
0x77: {  	_ =	shalt  }
0x78: {  	_ =	shalt  }
0x79: {  	_ =	shalt  }
0x7a: {  	_ =	shalt  }
0x7b: {  	_ =	shalt  }
0x7c: {  	_ =	shalt  }
0x7d: {  	_ =	shalt  }
0x7e: {  	_ =	shalt  }
0x7f: {  	_ =	shalt  }
0x80: {  	_ =	shalt  }
0x81: {  	_ =	shalt  }
0x82: {  	_ =	shalt  }
0x83: {  	_ =	shalt  }
0x84: {  	_ =	shalt  }
0x85: {  	_ =	shalt  }
0x86: {  	_ =	shalt  }
0x87: {  	_ =	shalt  }
.Lfunc_end0:
.L_simem_size_0:
called_computation.1_lowered:
.L_overlay_start_0:
0x88: {  	s2 =	sld [smem:$0x3FD9]  }
0x89: {  	s3 =	sld [smem:$0x3FFE];
	_ =	sdelay $0x1  }
0x8a: {  	s1 =	srdreg.scid  }
0x8b: {  	s0 =	sand.u32 $0x1, s1  }
0x8c: {  	s17 =	sshll.u32 s0, $0xA;
	s2 =	sadd.s32 s3, s2  }
0x8d: {  	s2 =	sadd.s32 s2, s17  }
0x8e: {  	[smem:$0x3FB1] =	sst s2  }
0x8f: {  	_ = 	snop  }
0x90: {  	s2 =	sld [smem:$0x3FD0];
	(tm) =	ssettm $0x1  }
0x91: {  	s18 =	sld [smem:$0x3FFB];
	_ =	sdelay $0x3  }
0x92: {  	_ =	strace s18  }
0x93: {  	s3 =	sld [smem:$0x3FFC];
	_ =	sdelay $0x3  }
0x94: {  	_ =	strace s3  }
0x95: {  	s3 =	sld [smem:$0x3FFD];
	_ =	sdelay $0x3  }
0x96: {  	_ =	strace s3  }
0x97: {  	_ =	strace $0x8FFFFFFF  }
0x98: {  	s19 =	sld [smem:$0x3FDB];
	_ =	sdelay $0x1  }
0x99: {  	s4 =	simm.s32 $_scs_section_size  }
0x9a: {  	s5 =	simm.s32 $_size__tile_overlayer_lowered;
	s6 =	simm.s32 $_tile_overlayer_lowered  }
0x9b: {  	s22 =	simm.s32 $0x1BFF;
	s21 =	sshll.u32 s6, $0x1;
	s3 =	sadd.s32 s4, s19  }
0x9c: {  	s7 =	simm.s32 $0x0;
	s20 =	sshll.u32 s5, $0x1;
	s5 =	sadd.s32 s21, s3  }
0x9d: {  	[timem:s7], [sflag:s22] =	dma.local [hbm:s5], s20  }
0x9e: {  	_ =	swait.ge [sflag:s22], s20  }
0x9f: {  	s4 =	ssub.s32 $0x0, s20;
	[sflag:s22] =	ssyncset.done $0x0  }
0xa0: {  	[sflag:s22] =	ssyncadd.s32 s4;
	_ =	sdelay $0x1  }
0xa1: {  	s23 =	simm.s32 $0x1B8B  }
0xa2: {  	_ =	swait.ge [sflag:s23], $0x1  }
0xa3: {  	[sflag:s23] =	ssyncset.done $0x0  }
0xa4: {  	s25 =	simm.s32 $0x1B8E;
	s24 =	sld [smem:$0x3FFE];
	[sflag:s23] =	ssyncadd.s32 $0xFFFFFFFF  }
0xa5: {  	s26 =	simm.s32 $execute0_lowered;
	[smem:$0x3FD2] =	sst s25  }
0xa6: {  	s5 =	sshll.u32 s26, $0x1;
	_ =	strace $0x80000049;
	[dreg:$0x1] =	wrdreg $0xFFFFFFFF  }
0xa7: {  	s28 =	simm.s32 $_size_execute0_lowered;
	s3 =	sadd.s32 s3, s5;
	[dreg:$0x0] =	wrdreg $0x0  }
0xa8: {  	s5 =	sshll.u32 s28, $0x1;
	[dreg:$0x2] =	wrdreg s3  }
0xa9: {  	[dreg:$0x3] =	wrdreg s5  }
0xaa: {  	[dreg:$0x4] =	wrdreg $0xC0  }
0xab: {  	_ =	task [dreg:s7], $0x5FFFF  }
0xac: {  	[dreg:$0x1] =	wrdreg $0xFFFFFFFF  }
0xad: {  	[dreg:$0x0] =	wrdreg $0x60  }
0xae: {  	[dreg:$0x2] =	wrdreg s24  }
0xaf: {  	[dreg:$0x3] =	wrdreg s2  }
0xb0: {  	[dreg:$0x4] =	wrdreg $0x84000  }
0xb1: {  	[dreg:$0x5] =	wrdreg $0x9  }
0xb2: {  	_ =	task.clear_ibuf [dreg:s7], $0x6FFFF;
	_ =	strace $0x90000049  }
0xb3: {  	s29 =	simm.s32 $0x9;
	_ =	strace $0x8000004B  }
0xb4: {  	_ =	swait.ge [sflag:s29], $0x1  }
0xb5: {  	[sflag:s29] =	ssyncadd.s32 $0xFFFFFFFF  }
0xb6: {  	_ =	strace $0x9000004B  }
0xb7: {  	_ =	sfence  }
0xb8: {  	s30 =	sld [smem:$0x0];
	_ =	sdelay $0x2  }
0xb9: {  	s31 =	sshll.u32 s1, $0xD;
	s1 =	sshrl.u32 s1, $0x2  }
0xba: {  	s3 =	sand.u32 $0x4000, s31;
	s1 =	sadd.s32 s1, s30  }
0xbb: {  	s0 =	sor.u32 s3, s0;
	s1 =	sshll.u32 s1, $0x11  }
0xbc: {  	s0 =	sor.u32 s1, s0  }
0xbd: {  	s0 =	sadd.s32 $0x8F2B, s0  }
0xbe: {  	[sflag:s0] =	ssyncadd.remote.s32 $0x1  }
0xbf: {  	_ =	sfence.sel $0xFFFF  }
0xc0: {  	[dreg:$0x0] =	wrdreg $0xFFFFFFFF;
	(pc) =	sbr.abs _section_cstart, $3  }
0xc1: {  	[dreg:$0x1] =	wrdreg $0xFFFFFFFF  }
0xc2: {  	_ =	task.clear_ibuf [dreg:s7], $0x2FFFF;
	_ =	strace $0x9FFFFFFF  }
0xc3: {  	(tm) =	ssettm $0x7FFFFFFF  }
tec
execute0_lowered:
.L_overlay_start_1:
0x0: {  	(tag) =	ssettag $0x1  }
0x1: {  	s4 =	rddreg [dreg:$0x0]  }
0x2: {  	s8 =	rddreg [dreg:$0x1]  }
0x3: {  	s1 =	rddreg [dreg:$0x2]  }
0x4: {  	s0 =	rddreg [dreg:$0x3]  }
0x5: {  	s3 =	srdreg.scid;
	s2 =	simm.s32 $0x0;
	s16 =	stileid.u32  }
0x6: {  	s12 =	simm.s32 $0x200;
	s13 =	simm.s32 $0x400;
	s14 =	simm.s32 $0x1  }
0x7: {  	s15 =	simm.s32 $0x4400;
	s18 =	simm.s32 $0x0;
	s5 =	sand.u32 $0x1, s3  }
0x8: {  	[smem:$0x7FF] =	sst s2;
	s30 =	sshll.u32 s16, $0xA;
	s3 =	sadd.s32 $0x16200, s4  }
0x9: {  	s11 =	sshll.u32 s16, $0xD;
	p0 =	sne.s32 s16, $0x0;
	s16 =	sshll.u32 s16, $0x6  }
0xa: {  	s6 =	sshll.u32 s5, $0x9;
	_ =	strace $0x8000004A;
	s9 =	ssub.s32 $0x2, s5  }
0xb: {  	s5 =	sshll.u32 s5, $0x11;
	s17 =	sadd.s32 s11, s1;
	s16 =	sor.u32 $0x1C02, s16  }
0xc: {  	s6 =	sor.u32 s6, s30;
	s10 =	sshrl.u32 s9, $0x1;
	s31 =	sor.u32 s11, s5  }
0xd: {  	s11 =	simm.s32 $0x2;
	s17 =	sshrl.u32 s17, $0x3;
	s7 =	sshll.u32 s6, $0x2  }
0xe: {  	s6 =	sshrl.u32 s6, $0x3;
	s9 =	ssub.s32 s9, s10;
	s10 =	sshrl.u32 s31, $0x3  }
0xf: {  	s7 =	sadd.s32 s7, s4;
	s6 =	sadd.s32 s6, s4;
	s4 =	sadd.s32 $0x1A200, s4  }
0x10: {  	s8 =	sadd.s32 s8, s10;
	s9 =	smax.u32 s9, $0x1;
	s10 =	sshrl.u32 @!p0 s1, $0x3  }
0x11: {  	s5 =	sadd.s32 $0x5A00, s6;
	s6 =	sadd.s32 $0x5200, s6;
	s7 =	sadd.s32 $0x6200, s7  }
.LBB2_1:
0x12: {  	s19 =	simm.s32 @!p0 $0x1C02  }
0x13: {  	[spmem:s10], [sflag:s19] =	dma.local @!p0 [hbm:s4], $0x4000  }
0x14: {  	s19 =	simm.s32 @!p0 $0x2  }
0x15: {  	_ =	swait.ge @!p0 [sflag:s19], $0x4000  }
0x16: {  	[sflag:s19] =	ssyncset.done @!p0 $0x0  }
0x17: {  	[sflag:s19] =	ssyncadd.s32 @!p0 $0xFFFFC000  }
0x18: {  	[bflag:$0x0] =	sbarrier.arrive $0xFFFF  }
0x19: {  	[tilespmem:s2], [sflag:$0x2] =	stream.linear.gather [hbm4b:s5+s2], $0x200, $0x38;
	[tilespmem:$0xA400] =	vst v63  }
0x1a: {  	_ =	swait.ge [sflag:s11], $0x200  }
0x1b: {  	[sflag:s11] =	ssyncset.done $0x0  }
0x1c: {  	[sflag:s11] =	ssyncadd.s32 $0xFFFFFE00  }
0x1d: {  	[tilespmem:s12], [sflag:$0x2] =	stream.linear.gather [hbm4b:s6+s2], $0x200, $0x38;
	[tilespmem:$0xA400] =	vst v63  }
0x1e: {  	_ =	swait.ge [sflag:s11], $0x200  }
0x1f: {  	[sflag:s11] =	ssyncset.done $0x0  }
0x20: {  	[sflag:s11] =	ssyncadd.s32 $0xFFFFFE00  }
0x21: {  	[tilespmem:s13], [sflag:$0x1] =	stream.indirect.gather [hbm4b:s3+s12], $0x20, s2, s12, $0xb8;
	[tilespmem:$0xA400] =	vst v63  }
0x22: {  	_ =	swait.ge [sflag:s14], $0x4000  }
0x23: {  	[sflag:s14] =	ssyncset.done $0x0  }
0x24: {  	[sflag:s14] =	ssyncadd.s32 $0xFFFFC000  }
0x25: {  	[tilespmem:s15], [sflag:$0x2] =	stream.linear.gather [hbm4b:s7+s2], $0x4000, $0x38;
	[tilespmem:$0xA400] =	vst v63  }
0x26: {  	_ =	swait.ge [sflag:s11], $0x4000  }
0x27: {  	[sflag:s11] =	ssyncset.done $0x0  }
0x28: {  	s19 =	simm.s32 $0x0;
	[sflag:s11] =	ssyncadd.s32 $0xFFFFC000  }
0x29: {  	v6 =	vld [tilespmem:s19+$0x4400]  }
0x2a: {  	v11 =	vld [tilespmem:s19+$0x4410]  }
0x2b: {  	v5 =	vld [tilespmem:s19+$0x4420]  }
0x2c: {  	v4 =	vld [tilespmem:s19+$0x4430]  }
0x2d: {  	v3 =	vld [tilespmem:s19+$0x4440]  }
0x2e: {  	v2 =	vld [tilespmem:s19+$0x4450]  }
0x2f: {  	v1 =	vld [tilespmem:s19+$0x4460]  }
0x30: {  	v0 =	vld [tilespmem:s19+$0x4470]  }
0x31: {  	v12 =	vld [tilespmem:s19+$0x400]  }
0x32: {  	v13 =	vld [tilespmem:s19+$0x410]  }
0x33: {  	v10 =	vld [tilespmem:s19+$0x420]  }
0x34: {  	v9 =	vld [tilespmem:s19+$0x430]  }
0x35: {  	v8 =	vld [tilespmem:s19+$0x440]  }
0x36: {  	v7 =	vld [tilespmem:s19+$0x450];
	v12 =	vadd.f32 v6, v12  }
0x37: {  	s20 =	simm.s32 $0x200;
	v11 =	vadd.f32 v11, v13;
	v6 =	vld [tilespmem:s19+$0x460]  }
.LBB2_2:
0x38: {  	s21 =	sshra.s32 s20, $0x2;
	p1 =	sne.s32 s20, $0xFE00;
	v12 =	vmax.f32 v12, $0.0e+00;
	v5 =	vadd.f32 v5, v10;
	v10 =	vld [tilespmem:s19+$0x470]  }
0x39: {  	v13 =	vld [tilespmem:s21+$0x4400];
	[tilespmem:s19+$0x400] =	vst v12;
	v11 =	vmax.f32 v11, $0.0e+00;
	v4 =	vadd.f32 v4, v9  }
0x3a: {  	v14 =	vld [tilespmem:s21+$0x4410];
	[tilespmem:s19+$0x410] =	vst v11;
	v9 =	vmax.f32 v5, $0.0e+00;
	v3 =	vadd.f32 v3, v8  }
0x3b: {  	v5 =	vld [tilespmem:s21+$0x4420];
	[tilespmem:s19+$0x420] =	vst v9;
	v8 =	vmax.f32 v4, $0.0e+00;
	v2 =	vadd.f32 v2, v7  }
0x3c: {  	v4 =	vld [tilespmem:s21+$0x4430];
	[tilespmem:s19+$0x430] =	vst v8;
	v7 =	vmax.f32 v3, $0.0e+00;
	v1 =	vadd.f32 v1, v6  }
0x3d: {  	v3 =	vld [tilespmem:s21+$0x4440];
	[tilespmem:s19+$0x440] =	vst v7;
	v6 =	vmax.f32 v2, $0.0e+00;
	v0 =	vadd.f32 v0, v10  }
0x3e: {  	v2 =	vld [tilespmem:s21+$0x4450];
	[tilespmem:s19+$0x450] =	vst v6;
	v6 =	vmax.f32 v1, $0.0e+00  }
0x3f: {  	v1 =	vld [tilespmem:s21+$0x4460];
	[tilespmem:s19+$0x460] =	vst v6;
	v6 =	vmax.f32 v0, $0.0e+00  }
0x40: {  	v0 =	vld [tilespmem:s21+$0x4470];
	[tilespmem:s19+$0x470] =	vst v6;
	s19 =	smov.u32 s21  }
0x41: {  	v6 =	vld [tilespmem:s19+$0x400]  }
0x42: {  	v11 =	vld [tilespmem:s19+$0x410]  }
.Ltmp0:
0x43: {  	v10 =	vld [tilespmem:s19+$0x420];
	(pc) =	sbr.rel @p1 .LBB2_2-.Ltmp0, $4  }
0x44: {  	v9 =	vld [tilespmem:s19+$0x430]  }
0x45: {  	v8 =	vld [tilespmem:s19+$0x440]  }
0x46: {  	v12 =	vadd.f32 v13, v6;
	v7 =	vld [tilespmem:s19+$0x450]  }
0x47: {  	s20 =	sadd.s32 $0x200, s20;
	v11 =	vadd.f32 v14, v11;
	v6 =	vld [tilespmem:s19+$0x460]  }
0x48: {  	v12 =	vmax.f32 v12, $0.0e+00;
	v5 =	vadd.f32 v5, v10;
	v63 =	vld [tilespmem:s19+$0x470]  }
0x49: {  	[tilespmem:s19+$0x400] =	vst v12;
	v11 =	vmax.f32 v11, $0.0e+00;
	v4 =	vadd.f32 v4, v9  }
0x4a: {  	[tilespmem:s19+$0x410] =	vst v11;
	v5 =	vmax.f32 v5, $0.0e+00;
	v3 =	vadd.f32 v3, v8  }
0x4b: {  	[tilespmem:s19+$0x420] =	vst v5;
	v4 =	vmax.f32 v4, $0.0e+00;
	v2 =	vadd.f32 v2, v7  }
0x4c: {  	[tilespmem:s19+$0x430] =	vst v4;
	v3 =	vmax.f32 v3, $0.0e+00;
	v1 =	vadd.f32 v1, v6  }
0x4d: {  	[tilespmem:s19+$0x440] =	vst v3;
	v2 =	vmax.f32 v2, $0.0e+00;
	v0 =	vadd.f32 v0, v63  }
0x4e: {  	[tilespmem:s19+$0x450] =	vst v2;
	v1 =	vmax.f32 v1, $0.0e+00  }
0x4f: {  	[tilespmem:s19+$0x460] =	vst v1;
	v0 =	vmax.f32 v0, $0.0e+00  }
0x50: {  	[tilespmem:s19+$0x470] =	vst v0  }
0x51: {  	[spmem:s1] =	stream.indirect.scatter.add.f32 [tilespmem:s13], [sflag:$0x2], $0x20, s12, s12, $0xb8;
	[tilespmem:$0xA400] =	vst v63  }
0x52: {  	_ =	swait.ge [sflag:s11], $0x4000  }
0x53: {  	s18 =	sadd.s32 $0x1, s18;
	[sflag:s11] =	ssyncset.done $0x0  }
0x54: {  	p1 =	sne.s32 s18, s9;
	[sflag:s11] =	ssyncadd.s32 $0xFFFFC000  }
.Ltmp1:
0x55: {  	[bflag:$0x0] =	sbarrier.arrive $0xFFFF;
	(pc) =	sbr.rel @p1 .LBB2_1-.Ltmp1, $4  }
0x56: {  	[hbm:s8], [sflag:s16] =	dma.local [spmem:s17], $0x400  }
0x57: {  	_ =	swait.ge [sflag:s11], $0x400  }
0x58: {  	[sflag:s11] =	ssyncset.done $0x0  }
0x59: {  	[sflag:s11] =	ssyncadd.s32 $0xFFFFFC00  }
0x5a: {  	_ =	sfence.sel $0x180000  }
0x5b: {  	[bflag:$0x0] =	sbarrier.arrive $0xFFFF  }
0x5c: {  	_ =	strace $0x9000004A  }
0x5d: {  	s0 =	sadd.s32 @!p0 $0x100000, s0;
	[bflag:$0x2] =	sbarrier.arrive $0xFFFF  }
0x5e: {  	[sflag:s0] =	ssyncadd.tile.s32 @!p0 $0x1;
	_ =	shalt  }
.Lfunc_end2:
_tile_overlayer_lowered:
.L_overlay_start_2:
0x5f: {  	(tag) =	ssettag $0x2  }
0x60: {  	s0 =	rddreg [dreg:$0x0];
	s2 =	stileid.u32  }
0x61: {  	s1 =	rddreg [dreg:$0x1];
	p0 =	sne.s32 s2, $0x0  }
0x62: {  	s3 =	rddreg [dreg:$0x2];
	[bflag:$0x3] =	sbarrier.arrive $0xFFFF;
	s2 =	simm.s32 @!p0 $0x1C02  }
0x63: {  	[timem:s3], [sflag:s2] =	dma.local @!p0 [hbm:s0], s1  }
0x64: {  	s0 =	simm.s32 @!p0 $0x2  }
0x65: {  	_ =	swait.ge @!p0 [sflag:s0], s1  }
0x66: {  	s1 =	ssub.s32 @!p0 $0x0, s1;
	[sflag:s0] =	ssyncset.done @!p0 $0x0  }
0x67: {  	[sflag:s0] =	ssyncadd.s32 @!p0 s1  }
0x68: {  	[bflag:$0x3] =	sbarrier.arrive $0xFFFF  }
0x69: {  	_ =	shalt  }

// kernel: kernel.17.cloned.1.call-start
scs
__scs_entry_jumppad:
0x0: {  	(pc) =	sbr.rel $0x88, $3  }
0x1: {  	(tag) =	ssettag $0x0;
	lr =	simm.s32 $0x1  }
0x2: {  	[smem:$0x3F8A] =	sst lr;
	_ =	strace $0xD0000000  }
0x3: {  	_ = 	snop  }
0x4: {  	_ = 	snop  }
0x5: {  	_ = 	snop  }
0x6: {  	_ = 	snop  }
0x7: {  	_ = 	snop  }
__scs_overlays_trampoline_lowered:
0x8: {  	[smem:$0x3F99] =	sst s0  }
0x9: {  	[smem:$0x3F9A] =	sst s1  }
0xa: {  	[smem:$0x3F9B] =	sst s2  }
0xb: {  	[smem:$0x3F9C] =	sst s3  }
0xc: {  	[smem:$0x3F9D] =	sst s4  }
0xd: {  	[smem:$0x3F9E] =	sst s5  }
0xe: {  	[smem:$0x3F9F] =	sst s6  }
0xf: {  	[smem:$0x3FA0] =	sst s7  }
0x10: {  	[smem:$0x3FA1] =	sst s8  }
0x11: {  	[smem:$0x3FA2] =	sst s9;
	s0 =	simm.s32 @!p0 $0x0  }
0x12: {  	s1 =	sld [smem:$0x3F88];
	s0 =	simm.s32 @p0 $0x1  }
0x13: {  	[smem:$0x3FA3] =	sst s0;
	s0 =	simm.s32 @!p1 $0x0  }
0x14: {  	s2 =	sld [smem:$0x3F87];
	s0 =	simm.s32 @p1 $0x1  }
0x15: {  	[smem:$0x3FA4] =	sst s0;
	s0 =	simm.s32 @!p2 $0x0  }
0x16: {  	s3 =	sld [smem:$0x3FDB];
	s0 =	simm.s32 @p2 $0x1  }
0x17: {  	s4 =	simm.s32 $0x1BF5;
	[smem:$0x3FA6] =	sst s0  }
0x18: {  	s0 =	sld [smem:$0x3F89];
	_ =	swait.ge [sflag:s4], $0x0  }
0x19: {  	s7 =	sld [smem:$0x3F8A]  }
0x1a: {  	s8 =	sadd.s32 $0xFFFFE003, lr  }
0x1b: {  	s9 =	sadd.s32 $0xFFFFFEF7, lr;
	s5 =	simm.s32 $0xFFFFFFFF;
	p2 =	slt.u32 s8, $0xFFFFF086  }
0x1c: {  	p1 =	slt.u32 s9, $0xF7A;
	s5 =	simm.s32 @!p2 $0x0  }
0x1d: {  	s5 =	simm.s32 @p1 $0x1;
	p0 =	seq.s32 s7, s2  }
0x1e: {  	s7 =	smul.u32 @!p0 $0xF7A, s2;
	p2 =	seq.s32 @!p0 s5, $0x0  }
0x1f: {  	s9 =	smul.u32 $0xF7A, s1;
	s8 =	simm.s32 @!p0 $0x1BF5;
	p2 =	por !p2, p0  }
0x20: {  	[sflag:s8] =	ssyncset.s32 @!p0 $0xFFFFF086;
	s6 =	sadd.s32 @!p0 s3, s7;
	s7 =	simm.s32 @!p0 $0x108  }
0x21: {  	s3 =	sadd.s32 s3, s9;
	s6 =	sadd.s32 @!p0 $0x88, s6;
	s7 =	simm.s32 @p2 $0x1082  }
0x22: {  	[simem:s7], [sflag:s8] =	dma.local @!p0 [hbm:s6], $0xF7A  }
0x23: {  	s9 =	sor.u32 $0xD0000000, s2;
	s6 =	simm.s32 $0x108;
	_ =	swait.ge @!p0 [sflag:s8], $0x0  }
0x24: {  	s3 =	sadd.s32 $0x88, s3;
	s6 =	simm.s32 @!p1 $0x1082;
	[sflag:s4] =	ssyncset.s32 $0xFFFFF086  }
0x25: {  	[simem:s6], [sflag:s4] =	dma.local [hbm:s3], $0xF7A  }
0x26: {  	[smem:$0x3F8A] =	sst s1;
	(tag) =	ssettag s2;
	_ =	strace s9  }
0x27: {  	s1 =	sld [smem:$0x3F9A]  }
0x28: {  	s2 =	sld [smem:$0x3F9B]  }
0x29: {  	s4 =	sld [smem:$0x3F9D]  }
0x2a: {  	p0 =	seq.s32 s5, $0x0;
	s5 =	sld [smem:$0x3F9E]  }
0x2b: {  	s6 =	sld [smem:$0x3F9F]  }
0x2c: {  	s7 =	sld [smem:$0x3FA0]  }
0x2d: {  	s3 =	simm.s32 $0x108;
	s8 =	sld [smem:$0x3FA1]  }
0x2e: {  	s3 =	simm.s32 @!p0 $0x1082;
	s9 =	sld [smem:$0x3FA2]  }
0x2f: {  	lr =	sadd.s32 s0, s3;
	s0 =	sld [smem:$0x3F99]  }
0x30: {  	s3 =	sld [smem:$0x3F9C]  }
0x31: {  	[smem:$0x3FA5] =	sst s10  }
0x32: {  	s10 =	sld [smem:$0x3FA3];
	_ =	sdelay $0x3  }
0x33: {  	p0 =	seq.s32 s10, $0x1;
	s10 =	sld [smem:$0x3FA5];
	_ =	sdelay $0x3  }
0x34: {  	[smem:$0x3FA5] =	sst s10  }
0x35: {  	s10 =	sld [smem:$0x3FA4];
	_ =	sdelay $0x3  }
0x36: {  	p1 =	seq.s32 s10, $0x1;
	s10 =	sld [smem:$0x3FA5];
	_ =	sdelay $0x3  }
0x37: {  	[smem:$0x3FA5] =	sst s10  }
0x38: {  	s10 =	sld [smem:$0x3FA6]  }
0x39: {  	_ = 	snop;
	(pc) =	sbr.ind lr, $3  }
0x3a: {  	_ = 	snop  }
0x3b: {  	_ = 	snop  }
0x3c: {  	p2 =	seq.s32 s10, $0x1;
	s10 =	sld [smem:$0x3FA5]  }
0x3d: {  	_ =	shalt  }
0x3e: {  	_ =	shalt  }
0x3f: {  	_ =	shalt  }
0x40: {  	_ =	shalt  }
0x41: {  	_ =	shalt  }
0x42: {  	_ =	shalt  }
0x43: {  	_ =	shalt  }
0x44: {  	_ =	shalt  }
0x45: {  	_ =	shalt  }
0x46: {  	_ =	shalt  }
0x47: {  	_ =	shalt  }
0x48: {  	_ =	shalt  }
0x49: {  	_ =	shalt  }
0x4a: {  	_ =	shalt  }
0x4b: {  	_ =	shalt  }
0x4c: {  	_ =	shalt  }
0x4d: {  	_ =	shalt  }
0x4e: {  	_ =	shalt  }
0x4f: {  	_ =	shalt  }
0x50: {  	_ =	shalt  }
0x51: {  	_ =	shalt  }
0x52: {  	_ =	shalt  }
0x53: {  	_ =	shalt  }
0x54: {  	_ =	shalt  }
0x55: {  	_ =	shalt  }
0x56: {  	_ =	shalt  }
0x57: {  	_ =	shalt  }
0x58: {  	_ =	shalt  }
0x59: {  	_ =	shalt  }
0x5a: {  	_ =	shalt  }
0x5b: {  	_ =	shalt  }
0x5c: {  	_ =	shalt  }
0x5d: {  	_ =	shalt  }
0x5e: {  	_ =	shalt  }
0x5f: {  	_ =	shalt  }
0x60: {  	_ =	shalt  }
0x61: {  	_ =	shalt  }
0x62: {  	_ =	shalt  }
0x63: {  	_ =	shalt  }
0x64: {  	_ =	shalt  }
0x65: {  	_ =	shalt  }
0x66: {  	_ =	shalt  }
0x67: {  	_ =	shalt  }
0x68: {  	_ =	shalt  }
0x69: {  	_ =	shalt  }
0x6a: {  	_ =	shalt  }
0x6b: {  	_ =	shalt  }
0x6c: {  	_ =	shalt  }
0x6d: {  	_ =	shalt  }
0x6e: {  	_ =	shalt  }
0x6f: {  	_ =	shalt  }
0x70: {  	_ =	shalt  }
0x71: {  	_ =	shalt  }
0x72: {  	_ =	shalt  }
0x73: {  	_ =	shalt  }
0x74: {  	_ =	shalt  }
0x75: {  	_ =	shalt  }
0x76: {  	_ =	shalt  }
0x77: {  	_ =	shalt  }
0x78: {  	_ =	shalt  }
0x79: {  	_ =	shalt  }
0x7a: {  	_ =	shalt  }
0x7b: {  	_ =	shalt  }
0x7c: {  	_ =	shalt  }
0x7d: {  	_ =	shalt  }
0x7e: {  	_ =	shalt  }
0x7f: {  	_ =	shalt  }
0x80: {  	_ =	shalt  }
0x81: {  	_ =	shalt  }
0x82: {  	_ =	shalt  }
0x83: {  	_ =	shalt  }
0x84: {  	_ =	shalt  }
0x85: {  	_ =	shalt  }
0x86: {  	_ =	shalt  }
0x87: {  	_ =	shalt  }
.Lfunc_end0:
.L_simem_size_0:
called_computation.2_lowered:
.L_overlay_start_0:
0x88: {  	s2 =	sld [smem:$0x3FD9]  }
0x89: {  	s3 =	sld [smem:$0x3FFE];
	_ =	sdelay $0x1  }
0x8a: {  	s1 =	srdreg.scid  }
0x8b: {  	s0 =	sand.u32 $0x1, s1  }
0x8c: {  	s17 =	sshll.u32 s0, $0xA;
	s2 =	sadd.s32 s3, s2  }
0x8d: {  	s2 =	sadd.s32 s2, s17  }
0x8e: {  	[smem:$0x3FB1] =	sst s2  }
0x8f: {  	_ = 	snop  }
0x90: {  	s2 =	sld [smem:$0x3FD0];
	(tm) =	ssettm $0x1  }
0x91: {  	s18 =	sld [smem:$0x3FFB];
	_ =	sdelay $0x3  }
0x92: {  	_ =	strace s18  }
0x93: {  	s3 =	sld [smem:$0x3FFC];
	_ =	sdelay $0x3  }
0x94: {  	_ =	strace s3  }
0x95: {  	s3 =	sld [smem:$0x3FFD];
	_ =	sdelay $0x3  }
0x96: {  	_ =	strace s3  }
0x97: {  	_ =	strace $0x8FFFFFFF  }
0x98: {  	s19 =	sld [smem:$0x3FDB];
	_ =	sdelay $0x1  }
0x99: {  	s4 =	simm.s32 $_scs_section_size  }
0x9a: {  	s5 =	simm.s32 $_size__tile_overlayer_lowered;
	s6 =	simm.s32 $_tile_overlayer_lowered  }
0x9b: {  	s22 =	simm.s32 $0x1BFF;
	s21 =	sshll.u32 s6, $0x1;
	s3 =	sadd.s32 s4, s19  }
0x9c: {  	s7 =	simm.s32 $0x0;
	s20 =	sshll.u32 s5, $0x1;
	s5 =	sadd.s32 s21, s3  }
0x9d: {  	[timem:s7], [sflag:s22] =	dma.local [hbm:s5], s20  }
0x9e: {  	_ =	swait.ge [sflag:s22], s20  }
0x9f: {  	s4 =	ssub.s32 $0x0, s20;
	[sflag:s22] =	ssyncset.done $0x0  }
0xa0: {  	[sflag:s22] =	ssyncadd.s32 s4;
	_ =	sdelay $0x1  }
0xa1: {  	s23 =	simm.s32 $0x1B8B  }
0xa2: {  	_ =	swait.ge [sflag:s23], $0x1  }
0xa3: {  	[sflag:s23] =	ssyncset.done $0x0  }
0xa4: {  	s25 =	simm.s32 $0x1B8E;
	s24 =	sld [smem:$0x3FFE];
	[sflag:s23] =	ssyncadd.s32 $0xFFFFFFFF  }
0xa5: {  	s26 =	simm.s32 $execute0_lowered;
	[smem:$0x3FD2] =	sst s25  }
0xa6: {  	s5 =	sshll.u32 s26, $0x1;
	_ =	strace $0x8000004C;
	[dreg:$0x1] =	wrdreg $0xFFFFFFFF  }
0xa7: {  	s28 =	simm.s32 $_size_execute0_lowered;
	s3 =	sadd.s32 s3, s5;
	[dreg:$0x0] =	wrdreg $0x0  }
0xa8: {  	s5 =	sshll.u32 s28, $0x1;
	[dreg:$0x2] =	wrdreg s3  }
0xa9: {  	[dreg:$0x3] =	wrdreg s5  }
0xaa: {  	[dreg:$0x4] =	wrdreg $0xC0  }
0xab: {  	_ =	task [dreg:s7], $0x5FFFF  }
0xac: {  	[dreg:$0x1] =	wrdreg $0xFFFFFFFF  }
0xad: {  	[dreg:$0x0] =	wrdreg $0x60  }
0xae: {  	[dreg:$0x2] =	wrdreg s24  }
0xaf: {  	[dreg:$0x3] =	wrdreg s2  }
0xb0: {  	[dreg:$0x4] =	wrdreg $0x84000  }
0xb1: {  	[dreg:$0x5] =	wrdreg $0x9  }
0xb2: {  	_ =	task.clear_ibuf [dreg:s7], $0x6FFFF;
	_ =	strace $0x9000004C  }
0xb3: {  	s29 =	simm.s32 $0x9;
	_ =	strace $0x8000004E  }
0xb4: {  	_ =	swait.ge [sflag:s29], $0x1  }
0xb5: {  	[sflag:s29] =	ssyncadd.s32 $0xFFFFFFFF  }
0xb6: {  	_ =	strace $0x9000004E  }
0xb7: {  	_ =	sfence  }
0xb8: {  	s30 =	sld [smem:$0x0];
	_ =	sdelay $0x2  }
0xb9: {  	s31 =	sshll.u32 s1, $0xD;
	s1 =	sshrl.u32 s1, $0x2  }
0xba: {  	s3 =	sand.u32 $0x4000, s31;
	s1 =	sadd.s32 s1, s30  }
0xbb: {  	s0 =	sor.u32 s3, s0;
	s1 =	sshll.u32 s1, $0x11  }
0xbc: {  	s0 =	sor.u32 s1, s0  }
0xbd: {  	s0 =	sadd.s32 $0x8F2B, s0  }
0xbe: {  	[sflag:s0] =	ssyncadd.remote.s32 $0x1  }
0xbf: {  	_ =	sfence.sel $0xFFFF  }
0xc0: {  	[dreg:$0x0] =	wrdreg $0xFFFFFFFF;
	(pc) =	sbr.abs _section_cstart, $3  }
0xc1: {  	[dreg:$0x1] =	wrdreg $0xFFFFFFFF  }
0xc2: {  	_ =	task.clear_ibuf [dreg:s7], $0x2FFFF;
	_ =	strace $0x9FFFFFFF  }
0xc3: {  	(tm) =	ssettm $0x7FFFFFFF  }
tec
execute0_lowered:
.L_overlay_start_1:
0x0: {  	(tag) =	ssettag $0x1  }
0x1: {  	s4 =	rddreg [dreg:$0x0]  }
0x2: {  	s8 =	rddreg [dreg:$0x1]  }
0x3: {  	s1 =	rddreg [dreg:$0x2]  }
0x4: {  	s0 =	rddreg [dreg:$0x3]  }
0x5: {  	s3 =	srdreg.scid;
	s2 =	simm.s32 $0x0;
	s16 =	stileid.u32  }
0x6: {  	s12 =	simm.s32 $0x200;
	s13 =	simm.s32 $0x400;
	s14 =	simm.s32 $0x1  }
0x7: {  	s15 =	simm.s32 $0x4400;
	s18 =	simm.s32 $0x0;
	s5 =	sand.u32 $0x1, s3  }
0x8: {  	[smem:$0x7FF] =	sst s2;
	s30 =	sshll.u32 s16, $0xA;
	s3 =	sadd.s32 $0x16200, s4  }
0x9: {  	s11 =	sshll.u32 s16, $0xD;
	p0 =	sne.s32 s16, $0x0;
	s16 =	sshll.u32 s16, $0x6  }
0xa: {  	s6 =	sshll.u32 s5, $0x9;
	_ =	strace $0x8000004D;
	s9 =	ssub.s32 $0x2, s5  }
0xb: {  	s5 =	sshll.u32 s5, $0x11;
	s17 =	sadd.s32 s11, s1;
	s16 =	sor.u32 $0x1C02, s16  }
0xc: {  	s6 =	sor.u32 s6, s30;
	s10 =	sshrl.u32 s9, $0x1;
	s31 =	sor.u32 s11, s5  }
0xd: {  	s11 =	simm.s32 $0x2;
	s17 =	sshrl.u32 s17, $0x3;
	s7 =	sshll.u32 s6, $0x2  }
0xe: {  	s6 =	sshrl.u32 s6, $0x3;
	s9 =	ssub.s32 s9, s10;
	s10 =	sshrl.u32 s31, $0x3  }
0xf: {  	s7 =	sadd.s32 s7, s4;
	s6 =	sadd.s32 s6, s4;
	s4 =	sadd.s32 $0x1A200, s4  }
0x10: {  	s8 =	sadd.s32 s8, s10;
	s9 =	smax.u32 s9, $0x1;
	s10 =	sshrl.u32 @!p0 s1, $0x3  }
0x11: {  	s5 =	sadd.s32 $0x5A00, s6;
	s6 =	sadd.s32 $0x5200, s6;
	s7 =	sadd.s32 $0x6200, s7  }
.LBB2_1:
0x12: {  	s19 =	simm.s32 @!p0 $0x1C02  }
0x13: {  	[spmem:s10], [sflag:s19] =	dma.local @!p0 [hbm:s4], $0x4000  }
0x14: {  	s19 =	simm.s32 @!p0 $0x2  }
0x15: {  	_ =	swait.ge @!p0 [sflag:s19], $0x4000  }
0x16: {  	[sflag:s19] =	ssyncset.done @!p0 $0x0  }
0x17: {  	[sflag:s19] =	ssyncadd.s32 @!p0 $0xFFFFC000  }
0x18: {  	[bflag:$0x0] =	sbarrier.arrive $0xFFFF  }
0x19: {  	[tilespmem:s2], [sflag:$0x2] =	stream.linear.gather [hbm4b:s5+s2], $0x200, $0x38;
	[tilespmem:$0xA400] =	vst v63  }
0x1a: {  	_ =	swait.ge [sflag:s11], $0x200  }
0x1b: {  	[sflag:s11] =	ssyncset.done $0x0  }
0x1c: {  	[sflag:s11] =	ssyncadd.s32 $0xFFFFFE00  }
0x1d: {  	[tilespmem:s12], [sflag:$0x2] =	stream.linear.gather [hbm4b:s6+s2], $0x200, $0x38;
	[tilespmem:$0xA400] =	vst v63  }
0x1e: {  	_ =	swait.ge [sflag:s11], $0x200  }
0x1f: {  	[sflag:s11] =	ssyncset.done $0x0  }
0x20: {  	[sflag:s11] =	ssyncadd.s32 $0xFFFFFE00  }
0x21: {  	[tilespmem:s13], [sflag:$0x1] =	stream.indirect.gather [hbm4b:s3+s12], $0x20, s2, s12, $0xb8;
	[tilespmem:$0xA400] =	vst v63  }
0x22: {  	_ =	swait.ge [sflag:s14], $0x4000  }
0x23: {  	[sflag:s14] =	ssyncset.done $0x0  }
0x24: {  	[sflag:s14] =	ssyncadd.s32 $0xFFFFC000  }
0x25: {  	[tilespmem:s15], [sflag:$0x2] =	stream.linear.gather [hbm4b:s7+s2], $0x4000, $0x38;
	[tilespmem:$0xA400] =	vst v63  }
0x26: {  	_ =	swait.ge [sflag:s11], $0x4000  }
0x27: {  	[sflag:s11] =	ssyncset.done $0x0  }
0x28: {  	s19 =	simm.s32 $0x0;
	[sflag:s11] =	ssyncadd.s32 $0xFFFFC000  }
0x29: {  	v6 =	vld [tilespmem:s19+$0x4400]  }
0x2a: {  	v11 =	vld [tilespmem:s19+$0x4410]  }
0x2b: {  	v5 =	vld [tilespmem:s19+$0x4420]  }
0x2c: {  	v4 =	vld [tilespmem:s19+$0x4430]  }
0x2d: {  	v3 =	vld [tilespmem:s19+$0x4440]  }
0x2e: {  	v2 =	vld [tilespmem:s19+$0x4450]  }
0x2f: {  	v1 =	vld [tilespmem:s19+$0x4460]  }
0x30: {  	v0 =	vld [tilespmem:s19+$0x4470]  }
0x31: {  	v12 =	vld [tilespmem:s19+$0x400]  }
0x32: {  	v13 =	vld [tilespmem:s19+$0x410]  }
0x33: {  	v10 =	vld [tilespmem:s19+$0x420]  }
0x34: {  	v9 =	vld [tilespmem:s19+$0x430]  }
0x35: {  	v8 =	vld [tilespmem:s19+$0x440]  }
0x36: {  	v7 =	vld [tilespmem:s19+$0x450];
	v12 =	vadd.f32 v6, v12  }
0x37: {  	s20 =	simm.s32 $0x200;
	v11 =	vadd.f32 v11, v13;
	v6 =	vld [tilespmem:s19+$0x460]  }
.LBB2_2:
0x38: {  	s21 =	sshra.s32 s20, $0x2;
	p1 =	sne.s32 s20, $0xFE00;
	v12 =	vmax.f32 v12, $0.0e+00;
	v5 =	vadd.f32 v5, v10;
	v10 =	vld [tilespmem:s19+$0x470]  }
0x39: {  	v13 =	vld [tilespmem:s21+$0x4400];
	[tilespmem:s19+$0x400] =	vst v12;
	v11 =	vmax.f32 v11, $0.0e+00;
	v4 =	vadd.f32 v4, v9  }
0x3a: {  	v14 =	vld [tilespmem:s21+$0x4410];
	[tilespmem:s19+$0x410] =	vst v11;
	v9 =	vmax.f32 v5, $0.0e+00;
	v3 =	vadd.f32 v3, v8  }
0x3b: {  	v5 =	vld [tilespmem:s21+$0x4420];
	[tilespmem:s19+$0x420] =	vst v9;
	v8 =	vmax.f32 v4, $0.0e+00;
	v2 =	vadd.f32 v2, v7  }
0x3c: {  	v4 =	vld [tilespmem:s21+$0x4430];
	[tilespmem:s19+$0x430] =	vst v8;
	v7 =	vmax.f32 v3, $0.0e+00;
	v1 =	vadd.f32 v1, v6  }
0x3d: {  	v3 =	vld [tilespmem:s21+$0x4440];
	[tilespmem:s19+$0x440] =	vst v7;
	v6 =	vmax.f32 v2, $0.0e+00;
	v0 =	vadd.f32 v0, v10  }
0x3e: {  	v2 =	vld [tilespmem:s21+$0x4450];
	[tilespmem:s19+$0x450] =	vst v6;
	v6 =	vmax.f32 v1, $0.0e+00  }
0x3f: {  	v1 =	vld [tilespmem:s21+$0x4460];
	[tilespmem:s19+$0x460] =	vst v6;
	v6 =	vmax.f32 v0, $0.0e+00  }
0x40: {  	v0 =	vld [tilespmem:s21+$0x4470];
	[tilespmem:s19+$0x470] =	vst v6;
	s19 =	smov.u32 s21  }
0x41: {  	v6 =	vld [tilespmem:s19+$0x400]  }
0x42: {  	v11 =	vld [tilespmem:s19+$0x410]  }
.Ltmp0:
0x43: {  	v10 =	vld [tilespmem:s19+$0x420];
	(pc) =	sbr.rel @p1 .LBB2_2-.Ltmp0, $4  }
0x44: {  	v9 =	vld [tilespmem:s19+$0x430]  }
0x45: {  	v8 =	vld [tilespmem:s19+$0x440]  }
0x46: {  	v12 =	vadd.f32 v13, v6;
	v7 =	vld [tilespmem:s19+$0x450]  }
0x47: {  	s20 =	sadd.s32 $0x200, s20;
	v11 =	vadd.f32 v14, v11;
	v6 =	vld [tilespmem:s19+$0x460]  }
0x48: {  	v12 =	vmax.f32 v12, $0.0e+00;
	v5 =	vadd.f32 v5, v10;
	v63 =	vld [tilespmem:s19+$0x470]  }
0x49: {  	[tilespmem:s19+$0x400] =	vst v12;
	v11 =	vmax.f32 v11, $0.0e+00;
	v4 =	vadd.f32 v4, v9  }
0x4a: {  	[tilespmem:s19+$0x410] =	vst v11;
	v5 =	vmax.f32 v5, $0.0e+00;
	v3 =	vadd.f32 v3, v8  }
0x4b: {  	[tilespmem:s19+$0x420] =	vst v5;
	v4 =	vmax.f32 v4, $0.0e+00;
	v2 =	vadd.f32 v2, v7  }
0x4c: {  	[tilespmem:s19+$0x430] =	vst v4;
	v3 =	vmax.f32 v3, $0.0e+00;
	v1 =	vadd.f32 v1, v6  }
0x4d: {  	[tilespmem:s19+$0x440] =	vst v3;
	v2 =	vmax.f32 v2, $0.0e+00;
	v0 =	vadd.f32 v0, v63  }
0x4e: {  	[tilespmem:s19+$0x450] =	vst v2;
	v1 =	vmax.f32 v1, $0.0e+00  }
0x4f: {  	[tilespmem:s19+$0x460] =	vst v1;
	v0 =	vmax.f32 v0, $0.0e+00  }
0x50: {  	[tilespmem:s19+$0x470] =	vst v0  }
0x51: {  	[spmem:s1] =	stream.indirect.scatter.add.f32 [tilespmem:s13], [sflag:$0x2], $0x20, s12, s12, $0xb8;
	[tilespmem:$0xA400] =	vst v63  }
0x52: {  	_ =	swait.ge [sflag:s11], $0x4000  }
0x53: {  	s18 =	sadd.s32 $0x1, s18;
	[sflag:s11] =	ssyncset.done $0x0  }
0x54: {  	p1 =	sne.s32 s18, s9;
	[sflag:s11] =	ssyncadd.s32 $0xFFFFC000  }
.Ltmp1:
0x55: {  	[bflag:$0x0] =	sbarrier.arrive $0xFFFF;
	(pc) =	sbr.rel @p1 .LBB2_1-.Ltmp1, $4  }
0x56: {  	[hbm:s8], [sflag:s16] =	dma.local [spmem:s17], $0x400  }
0x57: {  	_ =	swait.ge [sflag:s11], $0x400  }
0x58: {  	[sflag:s11] =	ssyncset.done $0x0  }
0x59: {  	[sflag:s11] =	ssyncadd.s32 $0xFFFFFC00  }
0x5a: {  	_ =	sfence.sel $0x180000  }
0x5b: {  	[bflag:$0x0] =	sbarrier.arrive $0xFFFF  }
0x5c: {  	_ =	strace $0x9000004D  }
0x5d: {  	s0 =	sadd.s32 @!p0 $0x100000, s0;
	[bflag:$0x2] =	sbarrier.arrive $0xFFFF  }
0x5e: {  	[sflag:s0] =	ssyncadd.tile.s32 @!p0 $0x1;
	_ =	shalt  }
.Lfunc_end2:
_tile_overlayer_lowered:
.L_overlay_start_2:
0x5f: {  	(tag) =	ssettag $0x2  }
0x60: {  	s0 =	rddreg [dreg:$0x0];
	s2 =	stileid.u32  }
0x61: {  	s1 =	rddreg [dreg:$0x1];
	p0 =	sne.s32 s2, $0x0  }
0x62: {  	s3 =	rddreg [dreg:$0x2];
	[bflag:$0x3] =	sbarrier.arrive $0xFFFF;
	s2 =	simm.s32 @!p0 $0x1C02  }
0x63: {  	[timem:s3], [sflag:s2] =	dma.local @!p0 [hbm:s0], s1  }
0x64: {  	s0 =	simm.s32 @!p0 $0x2  }
0x65: {  	_ =	swait.ge @!p0 [sflag:s0], s1  }
0x66: {  	s1 =	ssub.s32 @!p0 $0x0, s1;
	[sflag:s0] =	ssyncset.done @!p0 $0x0  }
0x67: {  	[sflag:s0] =	ssyncadd.s32 @!p0 s1  }
0x68: {  	[bflag:$0x3] =	sbarrier.arrive $0xFFFF  }
0x69: {  	_ =	shalt  }

// kernel: kernel.20.cloned.1.call-start
scs
__scs_entry_jumppad:
0x0: {  	(pc) =	sbr.rel $0x88, $3  }
0x1: {  	(tag) =	ssettag $0x0;
	lr =	simm.s32 $0x1  }
0x2: {  	[smem:$0x3F8A] =	sst lr;
	_ =	strace $0xD0000000  }
0x3: {  	_ = 	snop  }
0x4: {  	_ = 	snop  }
0x5: {  	_ = 	snop  }
0x6: {  	_ = 	snop  }
0x7: {  	_ = 	snop  }
__scs_overlays_trampoline_lowered:
0x8: {  	[smem:$0x3F99] =	sst s0  }
0x9: {  	[smem:$0x3F9A] =	sst s1  }
0xa: {  	[smem:$0x3F9B] =	sst s2  }
0xb: {  	[smem:$0x3F9C] =	sst s3  }
0xc: {  	[smem:$0x3F9D] =	sst s4  }
0xd: {  	[smem:$0x3F9E] =	sst s5  }
0xe: {  	[smem:$0x3F9F] =	sst s6  }
0xf: {  	[smem:$0x3FA0] =	sst s7  }
0x10: {  	[smem:$0x3FA1] =	sst s8  }
0x11: {  	[smem:$0x3FA2] =	sst s9;
	s0 =	simm.s32 @!p0 $0x0  }
0x12: {  	s1 =	sld [smem:$0x3F88];
	s0 =	simm.s32 @p0 $0x1  }
0x13: {  	[smem:$0x3FA3] =	sst s0;
	s0 =	simm.s32 @!p1 $0x0  }
0x14: {  	s2 =	sld [smem:$0x3F87];
	s0 =	simm.s32 @p1 $0x1  }
0x15: {  	[smem:$0x3FA4] =	sst s0;
	s0 =	simm.s32 @!p2 $0x0  }
0x16: {  	s3 =	sld [smem:$0x3FDB];
	s0 =	simm.s32 @p2 $0x1  }
0x17: {  	s4 =	simm.s32 $0x1BF5;
	[smem:$0x3FA6] =	sst s0  }
0x18: {  	s0 =	sld [smem:$0x3F89];
	_ =	swait.ge [sflag:s4], $0x0  }
0x19: {  	s7 =	sld [smem:$0x3F8A]  }
0x1a: {  	s8 =	sadd.s32 $0xFFFFE003, lr  }
0x1b: {  	s9 =	sadd.s32 $0xFFFFFEF7, lr;
	s5 =	simm.s32 $0xFFFFFFFF;
	p2 =	slt.u32 s8, $0xFFFFF086  }
0x1c: {  	p1 =	slt.u32 s9, $0xF7A;
	s5 =	simm.s32 @!p2 $0x0  }
0x1d: {  	s5 =	simm.s32 @p1 $0x1;
	p0 =	seq.s32 s7, s2  }
0x1e: {  	s7 =	smul.u32 @!p0 $0xF7A, s2;
	p2 =	seq.s32 @!p0 s5, $0x0  }
0x1f: {  	s9 =	smul.u32 $0xF7A, s1;
	s8 =	simm.s32 @!p0 $0x1BF5;
	p2 =	por !p2, p0  }
0x20: {  	[sflag:s8] =	ssyncset.s32 @!p0 $0xFFFFF086;
	s6 =	sadd.s32 @!p0 s3, s7;
	s7 =	simm.s32 @!p0 $0x108  }
0x21: {  	s3 =	sadd.s32 s3, s9;
	s6 =	sadd.s32 @!p0 $0x88, s6;
	s7 =	simm.s32 @p2 $0x1082  }
0x22: {  	[simem:s7], [sflag:s8] =	dma.local @!p0 [hbm:s6], $0xF7A  }
0x23: {  	s9 =	sor.u32 $0xD0000000, s2;
	s6 =	simm.s32 $0x108;
	_ =	swait.ge @!p0 [sflag:s8], $0x0  }
0x24: {  	s3 =	sadd.s32 $0x88, s3;
	s6 =	simm.s32 @!p1 $0x1082;
	[sflag:s4] =	ssyncset.s32 $0xFFFFF086  }
0x25: {  	[simem:s6], [sflag:s4] =	dma.local [hbm:s3], $0xF7A  }
0x26: {  	[smem:$0x3F8A] =	sst s1;
	(tag) =	ssettag s2;
	_ =	strace s9  }
0x27: {  	s1 =	sld [smem:$0x3F9A]  }
0x28: {  	s2 =	sld [smem:$0x3F9B]  }
0x29: {  	s4 =	sld [smem:$0x3F9D]  }
0x2a: {  	p0 =	seq.s32 s5, $0x0;
	s5 =	sld [smem:$0x3F9E]  }
0x2b: {  	s6 =	sld [smem:$0x3F9F]  }
0x2c: {  	s7 =	sld [smem:$0x3FA0]  }
0x2d: {  	s3 =	simm.s32 $0x108;
	s8 =	sld [smem:$0x3FA1]  }
0x2e: {  	s3 =	simm.s32 @!p0 $0x1082;
	s9 =	sld [smem:$0x3FA2]  }
0x2f: {  	lr =	sadd.s32 s0, s3;
	s0 =	sld [smem:$0x3F99]  }
0x30: {  	s3 =	sld [smem:$0x3F9C]  }
0x31: {  	[smem:$0x3FA5] =	sst s10  }
0x32: {  	s10 =	sld [smem:$0x3FA3];
	_ =	sdelay $0x3  }
0x33: {  	p0 =	seq.s32 s10, $0x1;
	s10 =	sld [smem:$0x3FA5];
	_ =	sdelay $0x3  }
0x34: {  	[smem:$0x3FA5] =	sst s10  }
0x35: {  	s10 =	sld [smem:$0x3FA4];
	_ =	sdelay $0x3  }
0x36: {  	p1 =	seq.s32 s10, $0x1;
	s10 =	sld [smem:$0x3FA5];
	_ =	sdelay $0x3  }
0x37: {  	[smem:$0x3FA5] =	sst s10  }
0x38: {  	s10 =	sld [smem:$0x3FA6]  }
0x39: {  	_ = 	snop;
	(pc) =	sbr.ind lr, $3  }
0x3a: {  	_ = 	snop  }
0x3b: {  	_ = 	snop  }
0x3c: {  	p2 =	seq.s32 s10, $0x1;
	s10 =	sld [smem:$0x3FA5]  }
0x3d: {  	_ =	shalt  }
0x3e: {  	_ =	shalt  }
0x3f: {  	_ =	shalt  }
0x40: {  	_ =	shalt  }
0x41: {  	_ =	shalt  }
0x42: {  	_ =	shalt  }
0x43: {  	_ =	shalt  }
0x44: {  	_ =	shalt  }
0x45: {  	_ =	shalt  }
0x46: {  	_ =	shalt  }
0x47: {  	_ =	shalt  }
0x48: {  	_ =	shalt  }
0x49: {  	_ =	shalt  }
0x4a: {  	_ =	shalt  }
0x4b: {  	_ =	shalt  }
0x4c: {  	_ =	shalt  }
0x4d: {  	_ =	shalt  }
0x4e: {  	_ =	shalt  }
0x4f: {  	_ =	shalt  }
0x50: {  	_ =	shalt  }
0x51: {  	_ =	shalt  }
0x52: {  	_ =	shalt  }
0x53: {  	_ =	shalt  }
0x54: {  	_ =	shalt  }
0x55: {  	_ =	shalt  }
0x56: {  	_ =	shalt  }
0x57: {  	_ =	shalt  }
0x58: {  	_ =	shalt  }
0x59: {  	_ =	shalt  }
0x5a: {  	_ =	shalt  }
0x5b: {  	_ =	shalt  }
0x5c: {  	_ =	shalt  }
0x5d: {  	_ =	shalt  }
0x5e: {  	_ =	shalt  }
0x5f: {  	_ =	shalt  }
0x60: {  	_ =	shalt  }
0x61: {  	_ =	shalt  }
0x62: {  	_ =	shalt  }
0x63: {  	_ =	shalt  }
0x64: {  	_ =	shalt  }
0x65: {  	_ =	shalt  }
0x66: {  	_ =	shalt  }
0x67: {  	_ =	shalt  }
0x68: {  	_ =	shalt  }
0x69: {  	_ =	shalt  }
0x6a: {  	_ =	shalt  }
0x6b: {  	_ =	shalt  }
0x6c: {  	_ =	shalt  }
0x6d: {  	_ =	shalt  }
0x6e: {  	_ =	shalt  }
0x6f: {  	_ =	shalt  }
0x70: {  	_ =	shalt  }
0x71: {  	_ =	shalt  }
0x72: {  	_ =	shalt  }
0x73: {  	_ =	shalt  }
0x74: {  	_ =	shalt  }
0x75: {  	_ =	shalt  }
0x76: {  	_ =	shalt  }
0x77: {  	_ =	shalt  }
0x78: {  	_ =	shalt  }
0x79: {  	_ =	shalt  }
0x7a: {  	_ =	shalt  }
0x7b: {  	_ =	shalt  }
0x7c: {  	_ =	shalt  }
0x7d: {  	_ =	shalt  }
0x7e: {  	_ =	shalt  }
0x7f: {  	_ =	shalt  }
0x80: {  	_ =	shalt  }
0x81: {  	_ =	shalt  }
0x82: {  	_ =	shalt  }
0x83: {  	_ =	shalt  }
0x84: {  	_ =	shalt  }
0x85: {  	_ =	shalt  }
0x86: {  	_ =	shalt  }
0x87: {  	_ =	shalt  }
.Lfunc_end0:
.L_simem_size_0:
called_computation.3_lowered:
.L_overlay_start_0:
0x88: {  	s2 =	sld [smem:$0x3FD9]  }
0x89: {  	s3 =	sld [smem:$0x3FFE];
	_ =	sdelay $0x1  }
0x8a: {  	s1 =	srdreg.scid  }
0x8b: {  	s0 =	sand.u32 $0x1, s1  }
0x8c: {  	s17 =	sshll.u32 s0, $0xA;
	s2 =	sadd.s32 s3, s2  }
0x8d: {  	s2 =	sadd.s32 s2, s17  }
0x8e: {  	[smem:$0x3FB1] =	sst s2  }
0x8f: {  	_ = 	snop  }
0x90: {  	s2 =	sld [smem:$0x3FD0];
	(tm) =	ssettm $0x1  }
0x91: {  	s18 =	sld [smem:$0x3FFB];
	_ =	sdelay $0x3  }
0x92: {  	_ =	strace s18  }
0x93: {  	s3 =	sld [smem:$0x3FFC];
	_ =	sdelay $0x3  }
0x94: {  	_ =	strace s3  }
0x95: {  	s3 =	sld [smem:$0x3FFD];
	_ =	sdelay $0x3  }
0x96: {  	_ =	strace s3  }
0x97: {  	_ =	strace $0x8FFFFFFF  }
0x98: {  	s19 =	sld [smem:$0x3FDB];
	_ =	sdelay $0x1  }
0x99: {  	s4 =	simm.s32 $_scs_section_size  }
0x9a: {  	s5 =	simm.s32 $_size__tile_overlayer_lowered;
	s6 =	simm.s32 $_tile_overlayer_lowered  }
0x9b: {  	s22 =	simm.s32 $0x1BFF;
	s21 =	sshll.u32 s6, $0x1;
	s3 =	sadd.s32 s4, s19  }
0x9c: {  	s7 =	simm.s32 $0x0;
	s20 =	sshll.u32 s5, $0x1;
	s5 =	sadd.s32 s21, s3  }
0x9d: {  	[timem:s7], [sflag:s22] =	dma.local [hbm:s5], s20  }
0x9e: {  	_ =	swait.ge [sflag:s22], s20  }
0x9f: {  	s4 =	ssub.s32 $0x0, s20;
	[sflag:s22] =	ssyncset.done $0x0  }
0xa0: {  	[sflag:s22] =	ssyncadd.s32 s4;
	_ =	sdelay $0x1  }
0xa1: {  	s23 =	simm.s32 $0x1B8B  }
0xa2: {  	_ =	swait.ge [sflag:s23], $0x1  }
0xa3: {  	[sflag:s23] =	ssyncset.done $0x0  }
0xa4: {  	s25 =	simm.s32 $0x1B8E;
	s24 =	sld [smem:$0x3FFE];
	[sflag:s23] =	ssyncadd.s32 $0xFFFFFFFF  }
0xa5: {  	s26 =	simm.s32 $execute0_lowered;
	[smem:$0x3FD2] =	sst s25  }
0xa6: {  	s5 =	sshll.u32 s26, $0x1;
	_ =	strace $0x8000004F;
	[dreg:$0x1] =	wrdreg $0xFFFFFFFF  }
0xa7: {  	s28 =	simm.s32 $_size_execute0_lowered;
	s3 =	sadd.s32 s3, s5;
	[dreg:$0x0] =	wrdreg $0x0  }
0xa8: {  	s5 =	sshll.u32 s28, $0x1;
	[dreg:$0x2] =	wrdreg s3  }
0xa9: {  	[dreg:$0x3] =	wrdreg s5  }
0xaa: {  	[dreg:$0x4] =	wrdreg $0xC0  }
0xab: {  	_ =	task [dreg:s7], $0x5FFFF  }
0xac: {  	[dreg:$0x1] =	wrdreg $0xFFFFFFFF  }
0xad: {  	[dreg:$0x0] =	wrdreg $0x60  }
0xae: {  	[dreg:$0x2] =	wrdreg s24  }
0xaf: {  	[dreg:$0x3] =	wrdreg s2  }
0xb0: {  	[dreg:$0x4] =	wrdreg $0x84000  }
0xb1: {  	[dreg:$0x5] =	wrdreg $0x9  }
0xb2: {  	_ =	task.clear_ibuf [dreg:s7], $0x6FFFF;
	_ =	strace $0x9000004F  }
0xb3: {  	s29 =	simm.s32 $0x9;
	_ =	strace $0x80000051  }
0xb4: {  	_ =	swait.ge [sflag:s29], $0x1  }
0xb5: {  	[sflag:s29] =	ssyncadd.s32 $0xFFFFFFFF  }
0xb6: {  	_ =	strace $0x90000051  }
0xb7: {  	_ =	sfence  }
0xb8: {  	s30 =	sld [smem:$0x0];
	_ =	sdelay $0x2  }
0xb9: {  	s31 =	sshll.u32 s1, $0xD;
	s1 =	sshrl.u32 s1, $0x2  }
0xba: {  	s3 =	sand.u32 $0x4000, s31;
	s1 =	sadd.s32 s1, s30  }
0xbb: {  	s0 =	sor.u32 s3, s0;
	s1 =	sshll.u32 s1, $0x11  }
0xbc: {  	s0 =	sor.u32 s1, s0  }
0xbd: {  	s0 =	sadd.s32 $0x8F2B, s0  }
0xbe: {  	[sflag:s0] =	ssyncadd.remote.s32 $0x1  }
0xbf: {  	_ =	sfence.sel $0xFFFF  }
0xc0: {  	[dreg:$0x0] =	wrdreg $0xFFFFFFFF;
	(pc) =	sbr.abs _section_cstart, $3  }
0xc1: {  	[dreg:$0x1] =	wrdreg $0xFFFFFFFF  }
0xc2: {  	_ =	task.clear_ibuf [dreg:s7], $0x2FFFF;
	_ =	strace $0x9FFFFFFF  }
0xc3: {  	(tm) =	ssettm $0x7FFFFFFF  }
tec
execute0_lowered:
.L_overlay_start_1:
0x0: {  	(tag) =	ssettag $0x1  }
0x1: {  	s4 =	rddreg [dreg:$0x0]  }
0x2: {  	s8 =	rddreg [dreg:$0x1]  }
0x3: {  	s1 =	rddreg [dreg:$0x2]  }
0x4: {  	s0 =	rddreg [dreg:$0x3]  }
0x5: {  	s3 =	srdreg.scid;
	s2 =	simm.s32 $0x0;
	s16 =	stileid.u32  }
0x6: {  	s12 =	simm.s32 $0x200;
	s13 =	simm.s32 $0x400;
	s14 =	simm.s32 $0x1  }
0x7: {  	s15 =	simm.s32 $0x4400;
	s18 =	simm.s32 $0x0;
	s5 =	sand.u32 $0x1, s3  }
0x8: {  	[smem:$0x7FF] =	sst s2;
	s30 =	sshll.u32 s16, $0xA;
	s3 =	sadd.s32 $0x16200, s4  }
0x9: {  	s11 =	sshll.u32 s16, $0xD;
	p0 =	sne.s32 s16, $0x0;
	s16 =	sshll.u32 s16, $0x6  }
0xa: {  	s6 =	sshll.u32 s5, $0x9;
	_ =	strace $0x80000050;
	s9 =	ssub.s32 $0x2, s5  }
0xb: {  	s5 =	sshll.u32 s5, $0x11;
	s17 =	sadd.s32 s11, s1;
	s16 =	sor.u32 $0x1C02, s16  }
0xc: {  	s6 =	sor.u32 s6, s30;
	s10 =	sshrl.u32 s9, $0x1;
	s31 =	sor.u32 s11, s5  }
0xd: {  	s11 =	simm.s32 $0x2;
	s17 =	sshrl.u32 s17, $0x3;
	s7 =	sshll.u32 s6, $0x2  }
0xe: {  	s6 =	sshrl.u32 s6, $0x3;
	s9 =	ssub.s32 s9, s10;
	s10 =	sshrl.u32 s31, $0x3  }
0xf: {  	s7 =	sadd.s32 s7, s4;
	s6 =	sadd.s32 s6, s4;
	s4 =	sadd.s32 $0x1A200, s4  }
0x10: {  	s8 =	sadd.s32 s8, s10;
	s9 =	smax.u32 s9, $0x1;
	s10 =	sshrl.u32 @!p0 s1, $0x3  }
0x11: {  	s5 =	sadd.s32 $0x5A00, s6;
	s6 =	sadd.s32 $0x5200, s6;
	s7 =	sadd.s32 $0x6200, s7  }
.LBB2_1:
0x12: {  	s19 =	simm.s32 @!p0 $0x1C02  }
0x13: {  	[spmem:s10], [sflag:s19] =	dma.local @!p0 [hbm:s4], $0x4000  }
0x14: {  	s19 =	simm.s32 @!p0 $0x2  }
0x15: {  	_ =	swait.ge @!p0 [sflag:s19], $0x4000  }
0x16: {  	[sflag:s19] =	ssyncset.done @!p0 $0x0  }
0x17: {  	[sflag:s19] =	ssyncadd.s32 @!p0 $0xFFFFC000  }
0x18: {  	[bflag:$0x0] =	sbarrier.arrive $0xFFFF  }
0x19: {  	[tilespmem:s2], [sflag:$0x2] =	stream.linear.gather [hbm4b:s5+s2], $0x200, $0x38;
	[tilespmem:$0xA400] =	vst v63  }
0x1a: {  	_ =	swait.ge [sflag:s11], $0x200  }
0x1b: {  	[sflag:s11] =	ssyncset.done $0x0  }
0x1c: {  	[sflag:s11] =	ssyncadd.s32 $0xFFFFFE00  }
0x1d: {  	[tilespmem:s12], [sflag:$0x2] =	stream.linear.gather [hbm4b:s6+s2], $0x200, $0x38;
	[tilespmem:$0xA400] =	vst v63  }
0x1e: {  	_ =	swait.ge [sflag:s11], $0x200  }
0x1f: {  	[sflag:s11] =	ssyncset.done $0x0  }
0x20: {  	[sflag:s11] =	ssyncadd.s32 $0xFFFFFE00  }
0x21: {  	[tilespmem:s13], [sflag:$0x1] =	stream.indirect.gather [hbm4b:s3+s12], $0x20, s2, s12, $0xb8;
	[tilespmem:$0xA400] =	vst v63  }
0x22: {  	_ =	swait.ge [sflag:s14], $0x4000  }
0x23: {  	[sflag:s14] =	ssyncset.done $0x0  }
0x24: {  	[sflag:s14] =	ssyncadd.s32 $0xFFFFC000  }
0x25: {  	[tilespmem:s15], [sflag:$0x2] =	stream.linear.gather [hbm4b:s7+s2], $0x4000, $0x38;
	[tilespmem:$0xA400] =	vst v63  }
0x26: {  	_ =	swait.ge [sflag:s11], $0x4000  }
0x27: {  	[sflag:s11] =	ssyncset.done $0x0  }
0x28: {  	s19 =	simm.s32 $0x0;
	[sflag:s11] =	ssyncadd.s32 $0xFFFFC000  }
0x29: {  	v6 =	vld [tilespmem:s19+$0x4400]  }
0x2a: {  	v11 =	vld [tilespmem:s19+$0x4410]  }
0x2b: {  	v5 =	vld [tilespmem:s19+$0x4420]  }
0x2c: {  	v4 =	vld [tilespmem:s19+$0x4430]  }
0x2d: {  	v3 =	vld [tilespmem:s19+$0x4440]  }
0x2e: {  	v2 =	vld [tilespmem:s19+$0x4450]  }
0x2f: {  	v1 =	vld [tilespmem:s19+$0x4460]  }
0x30: {  	v0 =	vld [tilespmem:s19+$0x4470]  }
0x31: {  	v12 =	vld [tilespmem:s19+$0x400]  }
0x32: {  	v13 =	vld [tilespmem:s19+$0x410]  }
0x33: {  	v10 =	vld [tilespmem:s19+$0x420]  }
0x34: {  	v9 =	vld [tilespmem:s19+$0x430]  }
0x35: {  	v8 =	vld [tilespmem:s19+$0x440]  }
0x36: {  	v7 =	vld [tilespmem:s19+$0x450];
	v12 =	vadd.f32 v6, v12  }
0x37: {  	s20 =	simm.s32 $0x200;
	v11 =	vadd.f32 v11, v13;
	v6 =	vld [tilespmem:s19+$0x460]  }
.LBB2_2:
0x38: {  	s21 =	sshra.s32 s20, $0x2;
	p1 =	sne.s32 s20, $0xFE00;
	v12 =	vmax.f32 v12, $0.0e+00;
	v5 =	vadd.f32 v5, v10;
	v10 =	vld [tilespmem:s19+$0x470]  }
0x39: {  	v13 =	vld [tilespmem:s21+$0x4400];
	[tilespmem:s19+$0x400] =	vst v12;
	v11 =	vmax.f32 v11, $0.0e+00;
	v4 =	vadd.f32 v4, v9  }
0x3a: {  	v14 =	vld [tilespmem:s21+$0x4410];
	[tilespmem:s19+$0x410] =	vst v11;
	v9 =	vmax.f32 v5, $0.0e+00;
	v3 =	vadd.f32 v3, v8  }
0x3b: {  	v5 =	vld [tilespmem:s21+$0x4420];
	[tilespmem:s19+$0x420] =	vst v9;
	v8 =	vmax.f32 v4, $0.0e+00;
	v2 =	vadd.f32 v2, v7  }
0x3c: {  	v4 =	vld [tilespmem:s21+$0x4430];
	[tilespmem:s19+$0x430] =	vst v8;
	v7 =	vmax.f32 v3, $0.0e+00;
	v1 =	vadd.f32 v1, v6  }
0x3d: {  	v3 =	vld [tilespmem:s21+$0x4440];
	[tilespmem:s19+$0x440] =	vst v7;
	v6 =	vmax.f32 v2, $0.0e+00;
	v0 =	vadd.f32 v0, v10  }
0x3e: {  	v2 =	vld [tilespmem:s21+$0x4450];
	[tilespmem:s19+$0x450] =	vst v6;
	v6 =	vmax.f32 v1, $0.0e+00  }
0x3f: {  	v1 =	vld [tilespmem:s21+$0x4460];
	[tilespmem:s19+$0x460] =	vst v6;
	v6 =	vmax.f32 v0, $0.0e+00  }
0x40: {  	v0 =	vld [tilespmem:s21+$0x4470];
	[tilespmem:s19+$0x470] =	vst v6;
	s19 =	smov.u32 s21  }
0x41: {  	v6 =	vld [tilespmem:s19+$0x400]  }
0x42: {  	v11 =	vld [tilespmem:s19+$0x410]  }
.Ltmp0:
0x43: {  	v10 =	vld [tilespmem:s19+$0x420];
	(pc) =	sbr.rel @p1 .LBB2_2-.Ltmp0, $4  }
0x44: {  	v9 =	vld [tilespmem:s19+$0x430]  }
0x45: {  	v8 =	vld [tilespmem:s19+$0x440]  }
0x46: {  	v12 =	vadd.f32 v13, v6;
	v7 =	vld [tilespmem:s19+$0x450]  }
0x47: {  	s20 =	sadd.s32 $0x200, s20;
	v11 =	vadd.f32 v14, v11;
	v6 =	vld [tilespmem:s19+$0x460]  }
0x48: {  	v12 =	vmax.f32 v12, $0.0e+00;
	v5 =	vadd.f32 v5, v10;
	v63 =	vld [tilespmem:s19+$0x470]  }
0x49: {  	[tilespmem:s19+$0x400] =	vst v12;
	v11 =	vmax.f32 v11, $0.0e+00;
	v4 =	vadd.f32 v4, v9  }
0x4a: {  	[tilespmem:s19+$0x410] =	vst v11;
	v5 =	vmax.f32 v5, $0.0e+00;
	v3 =	vadd.f32 v3, v8  }
0x4b: {  	[tilespmem:s19+$0x420] =	vst v5;
	v4 =	vmax.f32 v4, $0.0e+00;
	v2 =	vadd.f32 v2, v7  }
0x4c: {  	[tilespmem:s19+$0x430] =	vst v4;
	v3 =	vmax.f32 v3, $0.0e+00;
	v1 =	vadd.f32 v1, v6  }
0x4d: {  	[tilespmem:s19+$0x440] =	vst v3;
	v2 =	vmax.f32 v2, $0.0e+00;
	v0 =	vadd.f32 v0, v63  }
0x4e: {  	[tilespmem:s19+$0x450] =	vst v2;
	v1 =	vmax.f32 v1, $0.0e+00  }
0x4f: {  	[tilespmem:s19+$0x460] =	vst v1;
	v0 =	vmax.f32 v0, $0.0e+00  }
0x50: {  	[tilespmem:s19+$0x470] =	vst v0  }
0x51: {  	[spmem:s1] =	stream.indirect.scatter.add.f32 [tilespmem:s13], [sflag:$0x2], $0x20, s12, s12, $0xb8;
	[tilespmem:$0xA400] =	vst v63  }
0x52: {  	_ =	swait.ge [sflag:s11], $0x4000  }
0x53: {  	s18 =	sadd.s32 $0x1, s18;
	[sflag:s11] =	ssyncset.done $0x0  }
0x54: {  	p1 =	sne.s32 s18, s9;
	[sflag:s11] =	ssyncadd.s32 $0xFFFFC000  }
.Ltmp1:
0x55: {  	[bflag:$0x0] =	sbarrier.arrive $0xFFFF;
	(pc) =	sbr.rel @p1 .LBB2_1-.Ltmp1, $4  }
0x56: {  	[hbm:s8], [sflag:s16] =	dma.local [spmem:s17], $0x400  }
0x57: {  	_ =	swait.ge [sflag:s11], $0x400  }
0x58: {  	[sflag:s11] =	ssyncset.done $0x0  }
0x59: {  	[sflag:s11] =	ssyncadd.s32 $0xFFFFFC00  }
0x5a: {  	_ =	sfence.sel $0x180000  }
0x5b: {  	[bflag:$0x0] =	sbarrier.arrive $0xFFFF  }
0x5c: {  	_ =	strace $0x90000050  }
0x5d: {  	s0 =	sadd.s32 @!p0 $0x100000, s0;
	[bflag:$0x2] =	sbarrier.arrive $0xFFFF  }
0x5e: {  	[sflag:s0] =	ssyncadd.tile.s32 @!p0 $0x1;
	_ =	shalt  }
.Lfunc_end2:
_tile_overlayer_lowered:
.L_overlay_start_2:
0x5f: {  	(tag) =	ssettag $0x2  }
0x60: {  	s0 =	rddreg [dreg:$0x0];
	s2 =	stileid.u32  }
0x61: {  	s1 =	rddreg [dreg:$0x1];
	p0 =	sne.s32 s2, $0x0  }
0x62: {  	s3 =	rddreg [dreg:$0x2];
	[bflag:$0x3] =	sbarrier.arrive $0xFFFF;
	s2 =	simm.s32 @!p0 $0x1C02  }
0x63: {  	[timem:s3], [sflag:s2] =	dma.local @!p0 [hbm:s0], s1  }
0x64: {  	s0 =	simm.s32 @!p0 $0x2  }
0x65: {  	_ =	swait.ge @!p0 [sflag:s0], s1  }
0x66: {  	s1 =	ssub.s32 @!p0 $0x0, s1;
	[sflag:s0] =	ssyncset.done @!p0 $0x0  }
0x67: {  	[sflag:s0] =	ssyncadd.s32 @!p0 s1  }
0x68: {  	[bflag:$0x3] =	sbarrier.arrive $0xFFFF  }
0x69: {  	_ =	shalt  }

</sc_bundles>
